<compile_context>
chip_gen: v7x
topology: tpu7x:2x2x1
jax: 0.10.2.dev20260603
libtpu: 0.0.44.dev20260713+nightly
codegen_flags: <defaults>
</compile_context>

<pallas_src>
import functools

import jax
import jax.numpy as jnp
from jax import lax
from jax.experimental import pallas as pl
from jax.experimental.pallas import tpu as pltpu
from jax.experimental.pallas import tpu_sc as plsc

N_NODES = 10000
D_FEAT = 128
N_EDGES = 320000

NC = 2
NS = 16
NW = NC * NS
LANES = 16

EDGES_PER_W = N_EDGES // NW
CHUNK = 80
N_CHUNKS = EDGES_PER_W // CHUNK
D_VECS = D_FEAT // LANES


def _sc_decode(z, edge_index):
    mesh = plsc.VectorSubcoreMesh(core_axis_name="c", subcore_axis_name="s")

    @functools.partial(
        pl.kernel,
        mesh=mesh,
        out_type=jax.ShapeDtypeStruct((N_EDGES,), jnp.float32),
        compiler_params=pltpu.CompilerParams(
            needs_layout_passes=False, use_tc_tiling_on_sc=False
        ),
        scratch_types=[
            pltpu.VMEM((EDGES_PER_W,), jnp.int32),
            pltpu.VMEM((EDGES_PER_W,), jnp.int32),
            pltpu.VMEM((CHUNK, D_FEAT // 2), jnp.int32),
            pltpu.VMEM((CHUNK, D_FEAT // 2), jnp.int32),
            pltpu.VMEM((CHUNK, D_FEAT // 2), jnp.int32),
            pltpu.VMEM((CHUNK, D_FEAT // 2), jnp.int32),
            pltpu.VMEM((CHUNK, D_FEAT // 2), jnp.int32),
            pltpu.VMEM((CHUNK, D_FEAT // 2), jnp.int32),
            pltpu.VMEM((CHUNK,), jnp.float32),
            pltpu.VMEM((CHUNK,), jnp.float32),
            pltpu.VMEM((CHUNK,), jnp.float32),
            pltpu.VMEM_SHARED((N_NODES, D_FEAT // 2), jnp.int32),
            pltpu.SemaphoreType.DMA,
            pltpu.SemaphoreType.DMA,
            pltpu.SemaphoreType.DMA,
            pltpu.SemaphoreType.DMA,
            pltpu.SemaphoreType.DMA,
            pltpu.SemaphoreType.DMA,
            pltpu.SemaphoreType.DMA,
        ],
    )
    def decode(z_hbm, ei_hbm, out_hbm,
               idx_s, idx_t, rs0, rt0, rs1, rt1, rs2, rt2,
               res0, res1, res2, z_sh,
               sem_i, sem_g0, sem_g1, sem_g2, sem_o0, sem_o1, sem_o2):
        wid = lax.axis_index("s") * NC + lax.axis_index("c")
        base = wid * EDGES_PER_W
        lane_iota = lax.iota(jnp.int32, LANES)
        rbufs = [(rs0, rt0), (rs1, rt1), (rs2, rt2)]
        resb = [res0, res1, res2]
        gsems = [sem_g0, sem_g1, sem_g2]
        osems = [sem_o0, sem_o1, sem_o2]

        ci = pltpu.async_copy(ei_hbm.at[pl.ds(base, EDGES_PER_W)], idx_s, sem_i)
        cj = pltpu.async_copy(
            ei_hbm.at[pl.ds(N_EDGES + base, EDGES_PER_W)], idx_t, sem_i)
        sid = lax.axis_index("s")
        rows_per = N_NODES // NS
        pltpu.sync_copy(
            z_hbm.at[pl.ds(sid * rows_per, rows_per)],
            z_sh.at[pl.ds(sid * rows_per, rows_per)],
        )
        plsc.subcore_barrier()
        ci.wait()
        cj.wait()

        def start_gather(c, r_s, r_t, sem):
            o = c * CHUNK
            pltpu.async_copy(z_sh.at[idx_s.at[pl.ds(o, CHUNK)]], r_s, sem)
            pltpu.async_copy(z_sh.at[idx_t.at[pl.ds(o, CHUNK)]], r_t, sem)

        def wait_gather(r_s, r_t, sem):
            pltpu.make_async_copy(z_sh.at[idx_s.at[pl.ds(0, CHUNK)]], r_s,
                                  sem).wait()
            pltpu.make_async_copy(z_sh.at[idx_t.at[pl.ds(0, CHUNK)]], r_t,
                                  sem).wait()

        last_lane = lane_iota == (LANES - 1)

        def compute(c, r_s, r_t, res, sem_o, wait_prev):
            @pl.when(wait_prev)
            def _():
                pltpu.make_async_copy(
                    res, out_hbm.at[pl.ds(0, CHUNK)], sem_o).wait()

            @plsc.parallel_loop(0, CHUNK, unroll=8)
            def edge_body(e):
                acc = jnp.zeros((2 * LANES,), jnp.bfloat16)
                for k in range(D_FEAT // (2 * LANES)):
                    a = plsc.bitcast(
                        r_s[e, pl.ds(k * LANES, LANES)], jnp.bfloat16)
                    b = plsc.bitcast(
                        r_t[e, pl.ds(k * LANES, LANES)], jnp.bfloat16)
                    d = a - b
                    acc = acc + d * d
                lo, hi = plsc.unpack(acc, format=plsc.PackFormat.INTERLEAVED)
                tot = plsc.cumsum(lo + hi)
                plsc.store_scatter(
                    res, [jnp.full((LANES,), e, jnp.int32)], tot,
                    mask=last_lane,
                )

            for q in range(CHUNK // LANES):
                v = res[pl.ds(q * LANES, LANES)]
                res[pl.ds(q * LANES, LANES)] = 1.0 / (1.0 + jnp.exp(v - 1.0))

            pltpu.async_copy(
                res, out_hbm.at[pl.ds(base + c * CHUNK, CHUNK)], sem_o)

        for b in range(3):
            start_gather(b, *rbufs[b], gsems[b])

        def tri_body(t, _):
            not_first = t > 0
            for b in range(3):
                c = 3 * t + b
                wait_gather(*rbufs[b], gsems[b])
                compute(c, *rbufs[b], resb[b], osems[b], not_first)
                nc = c + 3
                pl.when(nc < N_CHUNKS)(
                    lambda b=b, nc=nc: start_gather(nc, *rbufs[b], gsems[b])
                )
            return 0

        lax.fori_loop(0, N_CHUNKS // 3, tri_body, 0)

        for b in range(N_CHUNKS % 3):
            wait_gather(*rbufs[b], gsems[b])
            compute((N_CHUNKS // 3) * 3 + b, *rbufs[b], resb[b], osems[b], True)
        for b in range(3):
            pltpu.make_async_copy(
                resb[b], out_hbm.at[pl.ds(0, CHUNK)], osems[b]).wait()

    return decode(z, edge_index)


def kernel(z, edge_index):
    zb = z.astype(jnp.bfloat16).reshape(N_NODES, D_FEAT // 2, 2)
    z_words = jax.lax.bitcast_convert_type(zb, jnp.int32)
    return _sc_decode(z_words, edge_index.astype(jnp.int32).reshape(-1))

# --- scband reference (transcript-rebuilt; emitter-appended) ---
"""Pipeline reference for scband-euclidean-decoder-52381421142726 (READ-ONLY COPY).

The authoritative reference and input builder live on the scoring server;
editing this copy changes nothing except your own understanding.
"""

import jax, jax.numpy as jnp
import numpy as np

N_NODES = 10000
D_FEAT = 128
N_EDGES = 320000
D1 = 1.0
D2 = 1.0


def setup_inputs(seed: int = 0) -> dict:
    key = jax.random.key(seed)
    k_z, k_e = jax.random.split(key)
    z = jax.random.normal(k_z, (N_NODES, D_FEAT), dtype=jnp.float32)
    edge_index = jax.random.randint(k_e, (2, N_EDGES), 0, N_NODES, dtype=jnp.int64 if jax.config.jax_enable_x64 else jnp.int32)
    return {"z": z, "edge_index": edge_index}


def reference(z, edge_index):
    # EuclideanDecoder.decode_edge -> decode_edge_sparse (z.dim()==2), sigmoid=True, sqrt=False
    src = jnp.take(z, edge_index[0], axis=0)
    dst = jnp.take(z, edge_index[1], axis=0)
    dist = ((src - dst) ** 2).sum(axis=1)
    exp = D2 * (dist - D1)
    return jax.nn.sigmoid(-exp)

if __name__ == "__main__":
    import jax
    _d = setup_inputs()
    print(jax.jit(kernel)(*tuple(_d.values())))

</pallas_src>

<mosaic_0001>
#map = affine_map<(d0, d1) -> (0, 0)>
#map1 = affine_map<(d0, d1) -> (0)>
module attributes {stable_mosaic.version = 14 : i64} {
  func.func @decode(%arg0: i32, %arg1: i32, %arg2: memref<10000x64xi32, #tpu.memory_space<hbm>>, %arg3: memref<640000xi32, #tpu.memory_space<hbm>>, %arg4: memref<320000xf32, #tpu.memory_space<hbm>>, %arg5: memref<10000xi32, #tpu.memory_space<vmem>>, %arg6: memref<10000xi32, #tpu.memory_space<vmem>>, %arg7: memref<80x64xi32, #tpu.memory_space<vmem>>, %arg8: memref<80x64xi32, #tpu.memory_space<vmem>>, %arg9: memref<80x64xi32, #tpu.memory_space<vmem>>, %arg10: memref<80x64xi32, #tpu.memory_space<vmem>>, %arg11: memref<80x64xi32, #tpu.memory_space<vmem>>, %arg12: memref<80x64xi32, #tpu.memory_space<vmem>>, %arg13: memref<80xf32, #tpu.memory_space<vmem>>, %arg14: memref<80xf32, #tpu.memory_space<vmem>>, %arg15: memref<80xf32, #tpu.memory_space<vmem>>, %arg16: memref<10000x64xi32, #tpu.memory_space<vmem_shared>>, %arg17: memref<!tpu.dma_semaphore, #tpu.memory_space<semaphore_mem>>, %arg18: memref<!tpu.dma_semaphore, #tpu.memory_space<semaphore_mem>>, %arg19: memref<!tpu.dma_semaphore, #tpu.memory_space<semaphore_mem>>, %arg20: memref<!tpu.dma_semaphore, #tpu.memory_space<semaphore_mem>>, %arg21: memref<!tpu.dma_semaphore, #tpu.memory_space<semaphore_mem>>, %arg22: memref<!tpu.dma_semaphore, #tpu.memory_space<semaphore_mem>>, %arg23: memref<!tpu.dma_semaphore, #tpu.memory_space<semaphore_mem>>) attributes {dimension_semantics = [#tpu.dimension_semantics<core_parallel>, #tpu.dimension_semantics<subcore_parallel>], iteration_bounds = array<i64: 2, 16>, scalar_prefetch = 0 : i64, scratch_operands = 19 : i64, tpu.core_type = #tpu.core_type<sc_vector_subcore>, window_params = [{transform_indices = #map}, {transform_indices = #map1}, {transform_indices = #map1}]} {
    %mul3A = arith.constant 2 : i32
    %mul3A_0 = arith.muli %arg1, %mul3A : i32
    %add3A = arith.addi %mul3A_0, %arg0 : i32
    %mul3A_1 = arith.constant 10000 : i32
    %mul3A_2 = arith.muli %add3A, %mul3A_1 : i32
    %iota3A = tpu.iota {dimensions = array<i32: 0>} : vector<16xi32>
    %dma_start3A = tpu.memref_slice %arg3[%mul3A_2] : memref<640000xi32, #tpu.memory_space<hbm>> -> memref<10000xi32, #tpu.memory_space<hbm>>
    %dma_start3A_3 = tpu.memref_slice %arg3[%mul3A_2] : memref<640000xi32, #tpu.memory_space<hbm>> -> memref<10000xi32, #tpu.memory_space<hbm>>
    tpu.enqueue_dma source(%dma_start3A_3 : memref<10000xi32, #tpu.memory_space<hbm>>) target(%arg5 : memref<10000xi32, #tpu.memory_space<vmem>>) target_semaphore(%arg17 : memref<!tpu.dma_semaphore, #tpu.memory_space<semaphore_mem>>)
    %add3A_4 = arith.constant 320000 : i32
    %add3A_5 = arith.addi %add3A_4, %mul3A_2 : i32
    %dma_start3A_6 = tpu.memref_slice %arg3[%add3A_5] : memref<640000xi32, #tpu.memory_space<hbm>> -> memref<10000xi32, #tpu.memory_space<hbm>>
    %dma_start3A_7 = tpu.memref_slice %arg3[%add3A_5] : memref<640000xi32, #tpu.memory_space<hbm>> -> memref<10000xi32, #tpu.memory_space<hbm>>
    tpu.enqueue_dma source(%dma_start3A_7 : memref<10000xi32, #tpu.memory_space<hbm>>) target(%arg6 : memref<10000xi32, #tpu.memory_space<vmem>>) target_semaphore(%arg17 : memref<!tpu.dma_semaphore, #tpu.memory_space<semaphore_mem>>)
    %mul3A_8 = arith.constant 625 : i32
    %mul3A_9 = arith.muli %arg1, %mul3A_8 : i32
    %mul3A_10 = arith.constant 625 : i32
    %mul3A_11 = arith.muli %arg1, %mul3A_10 : i32
    "tpu.region"() ({
      %run_scoped3A = tpu.sem_alloc : memref<!tpu.dma_semaphore, #tpu.memory_space<semaphore_mem>>
      %dma_start3A_241 = arith.constant 0 : i32
      %dma_start3A_242 = tpu.memref_slice %arg16[%mul3A_11, %dma_start3A_241] : memref<10000x64xi32, #tpu.memory_space<vmem_shared>> -> memref<625x64xi32, #tpu.memory_space<vmem_shared>>
      %dma_start3A_243 = arith.constant 0 : i32
      %dma_start3A_244 = tpu.memref_slice %arg2[%mul3A_9, %dma_start3A_243] : memref<10000x64xi32, #tpu.memory_space<hbm>> -> memref<625x64xi32, #tpu.memory_space<hbm>>
      tpu.enqueue_dma source(%dma_start3A_244 : memref<625x64xi32, #tpu.memory_space<hbm>>) target(%dma_start3A_242 : memref<625x64xi32, #tpu.memory_space<vmem_shared>>) target_semaphore(%run_scoped3A : memref<!tpu.dma_semaphore, #tpu.memory_space<semaphore_mem>>)
      %dma_wait3A_245 = arith.constant 0 : i32
      %dma_wait3A_246 = tpu.memref_slice %arg16[%mul3A_11, %dma_wait3A_245] : memref<10000x64xi32, #tpu.memory_space<vmem_shared>> -> memref<625x64xi32, #tpu.memory_space<vmem_shared>>
      %dma_wait3A_247 = arith.constant 0 : i32
      %dma_wait3A_248 = tpu.memref_slice %arg2[%mul3A_9, %dma_wait3A_247] : memref<10000x64xi32, #tpu.memory_space<hbm>> -> memref<625x64xi32, #tpu.memory_space<hbm>>
      tpu.wait_dma2 semaphore(%run_scoped3A : memref<!tpu.dma_semaphore, #tpu.memory_space<semaphore_mem>>) src(%dma_wait3A_248 : memref<625x64xi32, #tpu.memory_space<hbm>>) dst(%dma_wait3A_246 : memref<625x64xi32, #tpu.memory_space<vmem_shared>>)
      tpu.yield
    }) : () -> ()
    %barrier3A = arith.constant 0 : index
    tpu.barrier barrier_id(%barrier3A)
    %dma_wait3A = tpu.memref_slice %arg3[%mul3A_2] : memref<640000xi32, #tpu.memory_space<hbm>> -> memref<10000xi32, #tpu.memory_space<hbm>>
    %dma_wait3A_12 = tpu.memref_slice %arg3[%mul3A_2] : memref<640000xi32, #tpu.memory_space<hbm>> -> memref<10000xi32, #tpu.memory_space<hbm>>
    tpu.wait_dma2 semaphore(%arg17 : memref<!tpu.dma_semaphore, #tpu.memory_space<semaphore_mem>>) src(%dma_wait3A_12 : memref<10000xi32, #tpu.memory_space<hbm>>) dst(%arg5 : memref<10000xi32, #tpu.memory_space<vmem>>)
    %dma_wait3A_13 = tpu.memref_slice %arg3[%add3A_5] : memref<640000xi32, #tpu.memory_space<hbm>> -> memref<10000xi32, #tpu.memory_space<hbm>>
    %dma_wait3A_14 = tpu.memref_slice %arg3[%add3A_5] : memref<640000xi32, #tpu.memory_space<hbm>> -> memref<10000xi32, #tpu.memory_space<hbm>>
    tpu.wait_dma2 semaphore(%arg17 : memref<!tpu.dma_semaphore, #tpu.memory_space<semaphore_mem>>) src(%dma_wait3A_14 : memref<10000xi32, #tpu.memory_space<hbm>>) dst(%arg6 : memref<10000xi32, #tpu.memory_space<vmem>>)
    %eq3A = arith.constant 15 : i32
    %eq3A_15 = vector.broadcast %eq3A : i32 to vector<16xi32>
    %eq3A_16 = arith.cmpi eq, %iota3A, %eq3A_15 : vector<16xi32>
    %dma_start3A_17 = arith.constant 0 : i32
    %dma_start3A_18 = tpu.memref_slice %arg5[%dma_start3A_17] : memref<10000xi32, #tpu.memory_space<vmem>> -> memref<80xi32, #tpu.memory_space<vmem>>
    %dma_start3A_19 = arith.constant 0 : i32
    %dma_start3A_20 = arith.constant 0 : i32
    %dma_start3A_21 = tpu.memref_slice %arg16[%dma_start3A_19, %dma_start3A_20] : memref<10000x64xi32, #tpu.memory_space<vmem_shared>> -> memref<10000x64xi32, #tpu.memory_space<vmem_shared>>
    tpu.enqueue_indirect_dma source(%dma_start3A_21 : memref<10000x64xi32, #tpu.memory_space<vmem_shared>>) target(%arg7 : memref<80x64xi32, #tpu.memory_space<vmem>>) offsets(%dma_start3A_18 : memref<80xi32, #tpu.memory_space<vmem>>) semaphore(%arg18 : memref<!tpu.dma_semaphore, #tpu.memory_space<semaphore_mem>>)
    %dma_start3A_22 = arith.constant 0 : i32
    %dma_start3A_23 = tpu.memref_slice %arg6[%dma_start3A_22] : memref<10000xi32, #tpu.memory_space<vmem>> -> memref<80xi32, #tpu.memory_space<vmem>>
    %dma_start3A_24 = arith.constant 0 : i32
    %dma_start3A_25 = arith.constant 0 : i32
    %dma_start3A_26 = tpu.memref_slice %arg16[%dma_start3A_24, %dma_start3A_25] : memref<10000x64xi32, #tpu.memory_space<vmem_shared>> -> memref<10000x64xi32, #tpu.memory_space<vmem_shared>>
    tpu.enqueue_indirect_dma source(%dma_start3A_26 : memref<10000x64xi32, #tpu.memory_space<vmem_shared>>) target(%arg8 : memref<80x64xi32, #tpu.memory_space<vmem>>) offsets(%dma_start3A_23 : memref<80xi32, #tpu.memory_space<vmem>>) semaphore(%arg18 : memref<!tpu.dma_semaphore, #tpu.memory_space<semaphore_mem>>)
    %dma_start3A_27 = arith.constant 80 : i32
    %dma_start3A_28 = tpu.memref_slice %arg5[%dma_start3A_27] : memref<10000xi32, #tpu.memory_space<vmem>> -> memref<80xi32, #tpu.memory_space<vmem>>
    %dma_start3A_29 = arith.constant 0 : i32
    %dma_start3A_30 = arith.constant 0 : i32
    %dma_start3A_31 = tpu.memref_slice %arg16[%dma_start3A_29, %dma_start3A_30] : memref<10000x64xi32, #tpu.memory_space<vmem_shared>> -> memref<10000x64xi32, #tpu.memory_space<vmem_shared>>
    tpu.enqueue_indirect_dma source(%dma_start3A_31 : memref<10000x64xi32, #tpu.memory_space<vmem_shared>>) target(%arg9 : memref<80x64xi32, #tpu.memory_space<vmem>>) offsets(%dma_start3A_28 : memref<80xi32, #tpu.memory_space<vmem>>) semaphore(%arg19 : memref<!tpu.dma_semaphore, #tpu.memory_space<semaphore_mem>>)
    %dma_start3A_32 = arith.constant 80 : i32
    %dma_start3A_33 = tpu.memref_slice %arg6[%dma_start3A_32] : memref<10000xi32, #tpu.memory_space<vmem>> -> memref<80xi32, #tpu.memory_space<vmem>>
    %dma_start3A_34 = arith.constant 0 : i32
    %dma_start3A_35 = arith.constant 0 : i32
    %dma_start3A_36 = tpu.memref_slice %arg16[%dma_start3A_34, %dma_start3A_35] : memref<10000x64xi32, #tpu.memory_space<vmem_shared>> -> memref<10000x64xi32, #tpu.memory_space<vmem_shared>>
    tpu.enqueue_indirect_dma source(%dma_start3A_36 : memref<10000x64xi32, #tpu.memory_space<vmem_shared>>) target(%arg10 : memref<80x64xi32, #tpu.memory_space<vmem>>) offsets(%dma_start3A_33 : memref<80xi32, #tpu.memory_space<vmem>>) semaphore(%arg19 : memref<!tpu.dma_semaphore, #tpu.memory_space<semaphore_mem>>)
    %dma_start3A_37 = arith.constant 160 : i32
    %dma_start3A_38 = tpu.memref_slice %arg5[%dma_start3A_37] : memref<10000xi32, #tpu.memory_space<vmem>> -> memref<80xi32, #tpu.memory_space<vmem>>
    %dma_start3A_39 = arith.constant 0 : i32
    %dma_start3A_40 = arith.constant 0 : i32
    %dma_start3A_41 = tpu.memref_slice %arg16[%dma_start3A_39, %dma_start3A_40] : memref<10000x64xi32, #tpu.memory_space<vmem_shared>> -> memref<10000x64xi32, #tpu.memory_space<vmem_shared>>
    tpu.enqueue_indirect_dma source(%dma_start3A_41 : memref<10000x64xi32, #tpu.memory_space<vmem_shared>>) target(%arg11 : memref<80x64xi32, #tpu.memory_space<vmem>>) offsets(%dma_start3A_38 : memref<80xi32, #tpu.memory_space<vmem>>) semaphore(%arg20 : memref<!tpu.dma_semaphore, #tpu.memory_space<semaphore_mem>>)
    %dma_start3A_42 = arith.constant 160 : i32
    %dma_start3A_43 = tpu.memref_slice %arg6[%dma_start3A_42] : memref<10000xi32, #tpu.memory_space<vmem>> -> memref<80xi32, #tpu.memory_space<vmem>>
    %dma_start3A_44 = arith.constant 0 : i32
    %dma_start3A_45 = arith.constant 0 : i32
    %dma_start3A_46 = tpu.memref_slice %arg16[%dma_start3A_44, %dma_start3A_45] : memref<10000x64xi32, #tpu.memory_space<vmem_shared>> -> memref<10000x64xi32, #tpu.memory_space<vmem_shared>>
    tpu.enqueue_indirect_dma source(%dma_start3A_46 : memref<10000x64xi32, #tpu.memory_space<vmem_shared>>) target(%arg12 : memref<80x64xi32, #tpu.memory_space<vmem>>) offsets(%dma_start3A_43 : memref<80xi32, #tpu.memory_space<vmem>>) semaphore(%arg20 : memref<!tpu.dma_semaphore, #tpu.memory_space<semaphore_mem>>)
    %scan3A = arith.constant 0 : i32
    %scan3A_47 = arith.constant 0 : i32
    %scan3A_48 = arith.constant 41 : i32
    %scan3A_49 = arith.addi %scan3A_47, %scan3A_48 : i32
    %scan3A_50 = arith.constant 1 : i32
    %scan3A_51 = scf.for %scan3A_241 = %scan3A_47 to %scan3A_49 step %scan3A_50 iter_args(%scan3A_242 = %scan3A) -> (i32)  : i32 {
      %gt3A = arith.constant 0 : i32
      %gt3A_243 = arith.cmpi sgt, %scan3A_241, %gt3A : i32
      %mul3A_244 = arith.constant 3 : i32
      %mul3A_245 = arith.muli %mul3A_244, %scan3A_241 : i32
      %add3A_246 = arith.constant 0 : i32
      %add3A_247 = arith.addi %mul3A_245, %add3A_246 : i32
      %dma_wait3A_248 = arith.constant 0 : i32
      %dma_wait3A_249 = tpu.memref_slice %arg5[%dma_wait3A_248] : memref<10000xi32, #tpu.memory_space<vmem>> -> memref<80xi32, #tpu.memory_space<vmem>>
      %dma_wait3A_250 = arith.constant 0 : i32
      %dma_wait3A_251 = arith.constant 0 : i32
      %dma_wait3A_252 = tpu.memref_slice %arg16[%dma_wait3A_250, %dma_wait3A_251] : memref<10000x64xi32, #tpu.memory_space<vmem_shared>> -> memref<10000x64xi32, #tpu.memory_space<vmem_shared>>
      tpu.wait_indirect_dma semaphore(%arg18 : memref<!tpu.dma_semaphore, #tpu.memory_space<semaphore_mem>>) src(%dma_wait3A_252 : memref<10000x64xi32, #tpu.memory_space<vmem_shared>>) dst(%arg7 : memref<80x64xi32, #tpu.memory_space<vmem>>)
      %dma_wait3A_253 = arith.constant 0 : i32
      %dma_wait3A_254 = tpu.memref_slice %arg6[%dma_wait3A_253] : memref<10000xi32, #tpu.memory_space<vmem>> -> memref<80xi32, #tpu.memory_space<vmem>>
      %dma_wait3A_255 = arith.constant 0 : i32
      %dma_wait3A_256 = arith.constant 0 : i32
      %dma_wait3A_257 = tpu.memref_slice %arg16[%dma_wait3A_255, %dma_wait3A_256] : memref<10000x64xi32, #tpu.memory_space<vmem_shared>> -> memref<10000x64xi32, #tpu.memory_space<vmem_shared>>
      tpu.wait_indirect_dma semaphore(%arg18 : memref<!tpu.dma_semaphore, #tpu.memory_space<semaphore_mem>>) src(%dma_wait3A_257 : memref<10000x64xi32, #tpu.memory_space<vmem_shared>>) dst(%arg8 : memref<80x64xi32, #tpu.memory_space<vmem>>)
      %convert_element_type3A = arith.extui %gt3A_243 : i1 to i32
      %cond3A = arith.constant 0 : i32
      %cond3A_258 = arith.cmpi ne, %convert_element_type3A, %cond3A : i32
      scf.if %cond3A_258 {
        %dma_wait3A_548 = arith.constant 0 : i32
        %dma_wait3A_549 = tpu.memref_slice %arg4[%dma_wait3A_548] : memref<320000xf32, #tpu.memory_space<hbm>> -> memref<80xf32, #tpu.memory_space<hbm>>
        %dma_wait3A_550 = arith.constant 0 : i32
        %dma_wait3A_551 = tpu.memref_slice %arg4[%dma_wait3A_550] : memref<320000xf32, #tpu.memory_space<hbm>> -> memref<80xf32, #tpu.memory_space<hbm>>
        tpu.wait_dma2 semaphore(%arg21 : memref<!tpu.dma_semaphore, #tpu.memory_space<semaphore_mem>>) src(%arg13 : memref<80xf32, #tpu.memory_space<vmem>>) dst(%dma_wait3A_551 : memref<80xf32, #tpu.memory_space<hbm>>)
      } else {
      }
      %parallel_loop3A_259 = arith.constant 0 : i32
      %parallel_loop3A_260 = arith.constant 80 : i32
      %parallel_loop3A_261 = arith.constant 1 : i32
      scf.for %parallel_loop3A_548 = %parallel_loop3A_259 to %parallel_loop3A_260 step %parallel_loop3A_261  : i32 {
        %parallel_loop3A_549 = arith.constant 0.000000e+00 : bf16
        %parallel_loop3A_550 = vector.broadcast %parallel_loop3A_549 : bf16 to vector<32xbf16>
        %parallel_loop3A_551 = arith.index_cast %parallel_loop3A_548 : i32 to index
        %parallel_loop3A_552 = arith.constant 0 : index
        %parallel_loop3A_553 = tpu.vector_load %arg7[%parallel_loop3A_551, %parallel_loop3A_552] {strides = array<i32>} : memref<80x64xi32, #tpu.memory_space<vmem>>, vector<16xi32>,
        %parallel_loop3A_554 = vector.bitcast %parallel_loop3A_553 : vector<16xi32> to vector<32xbf16>
        %parallel_loop3A_555 = arith.index_cast %parallel_loop3A_548 : i32 to index
        %parallel_loop3A_556 = arith.constant 0 : index
        %parallel_loop3A_557 = tpu.vector_load %arg8[%parallel_loop3A_555, %parallel_loop3A_556] {strides = array<i32>} : memref<80x64xi32, #tpu.memory_space<vmem>>, vector<16xi32>,
        %parallel_loop3A_558 = vector.bitcast %parallel_loop3A_557 : vector<16xi32> to vector<32xbf16>
        %parallel_loop3A_559 = arith.subf %parallel_loop3A_554, %parallel_loop3A_558 : vector<32xbf16>
        %parallel_loop3A_560 = arith.mulf %parallel_loop3A_559, %parallel_loop3A_559 : vector<32xbf16>
        %parallel_loop3A_561 = arith.addf %parallel_loop3A_550, %parallel_loop3A_560 : vector<32xbf16>
        %parallel_loop3A_562 = arith.index_cast %parallel_loop3A_548 : i32 to index
        %parallel_loop3A_563 = arith.constant 16 : index
        %parallel_loop3A_564 = tpu.vector_load %arg7[%parallel_loop3A_562, %parallel_loop3A_563] {strides = array<i32>} : memref<80x64xi32, #tpu.memory_space<vmem>>, vector<16xi32>,
        %parallel_loop3A_565 = vector.bitcast %parallel_loop3A_564 : vector<16xi32> to vector<32xbf16>
        %parallel_loop3A_566 = arith.index_cast %parallel_loop3A_548 : i32 to index
        %parallel_loop3A_567 = arith.constant 16 : index
        %parallel_loop3A_568 = tpu.vector_load %arg8[%parallel_loop3A_566, %parallel_loop3A_567] {strides = array<i32>} : memref<80x64xi32, #tpu.memory_space<vmem>>, vector<16xi32>,
        %parallel_loop3A_569 = vector.bitcast %parallel_loop3A_568 : vector<16xi32> to vector<32xbf16>
        %parallel_loop3A_570 = arith.subf %parallel_loop3A_565, %parallel_loop3A_569 : vector<32xbf16>
        %parallel_loop3A_571 = arith.mulf %parallel_loop3A_570, %parallel_loop3A_570 : vector<32xbf16>
        %parallel_loop3A_572 = arith.addf %parallel_loop3A_561, %parallel_loop3A_571 : vector<32xbf16>
        %parallel_loop3A_573 = arith.index_cast %parallel_loop3A_548 : i32 to index
        %parallel_loop3A_574 = arith.constant 32 : index
        %parallel_loop3A_575 = tpu.vector_load %arg7[%parallel_loop3A_573, %parallel_loop3A_574] {strides = array<i32>} : memref<80x64xi32, #tpu.memory_space<vmem>>, vector<16xi32>,
        %parallel_loop3A_576 = vector.bitcast %parallel_loop3A_575 : vector<16xi32> to vector<32xbf16>
        %parallel_loop3A_577 = arith.index_cast %parallel_loop3A_548 : i32 to index
        %parallel_loop3A_578 = arith.constant 32 : index
        %parallel_loop3A_579 = tpu.vector_load %arg8[%parallel_loop3A_577, %parallel_loop3A_578] {strides = array<i32>} : memref<80x64xi32, #tpu.memory_space<vmem>>, vector<16xi32>,
        %parallel_loop3A_580 = vector.bitcast %parallel_loop3A_579 : vector<16xi32> to vector<32xbf16>
        %parallel_loop3A_581 = arith.subf %parallel_loop3A_576, %parallel_loop3A_580 : vector<32xbf16>
        %parallel_loop3A_582 = arith.mulf %parallel_loop3A_581, %parallel_loop3A_581 : vector<32xbf16>
        %parallel_loop3A_583 = arith.addf %parallel_loop3A_572, %parallel_loop3A_582 : vector<32xbf16>
        %parallel_loop3A_584 = arith.index_cast %parallel_loop3A_548 : i32 to index
        %parallel_loop3A_585 = arith.constant 48 : index
        %parallel_loop3A_586 = tpu.vector_load %arg7[%parallel_loop3A_584, %parallel_loop3A_585] {strides = array<i32>} : memref<80x64xi32, #tpu.memory_space<vmem>>, vector<16xi32>,
        %parallel_loop3A_587 = vector.bitcast %parallel_loop3A_586 : vector<16xi32> to vector<32xbf16>
        %parallel_loop3A_588 = arith.index_cast %parallel_loop3A_548 : i32 to index
        %parallel_loop3A_589 = arith.constant 48 : index
        %parallel_loop3A_590 = tpu.vector_load %arg8[%parallel_loop3A_588, %parallel_loop3A_589] {strides = array<i32>} : memref<80x64xi32, #tpu.memory_space<vmem>>, vector<16xi32>,
        %parallel_loop3A_591 = vector.bitcast %parallel_loop3A_590 : vector<16xi32> to vector<32xbf16>
        %parallel_loop3A_592 = arith.subf %parallel_loop3A_587, %parallel_loop3A_591 : vector<32xbf16>
        %parallel_loop3A_593 = arith.mulf %parallel_loop3A_592, %parallel_loop3A_592 : vector<32xbf16>
        %parallel_loop3A_594 = arith.addf %parallel_loop3A_583, %parallel_loop3A_593 : vector<32xbf16>
        %parallel_loop3A_595 = tpu.unpack_subelements %parallel_loop3A_594, 0 {pack_format = #tpu.pack_format<interleaved>} : vector<32xbf16> -> vector<16xf32>
        %parallel_loop3A_596 = tpu.unpack_subelements %parallel_loop3A_594, 1 {pack_format = #tpu.pack_format<interleaved>} : vector<32xbf16> -> vector<16xf32>
        %parallel_loop3A_597 = arith.addf %parallel_loop3A_595, %parallel_loop3A_596 : vector<16xf32>
        %parallel_loop3A_598 = arith.constant true
        %parallel_loop3A_599 = vector.broadcast %parallel_loop3A_598 : i1 to vector<16xi1>
        %parallel_loop3A_600 = tpu.scan <sum>, %parallel_loop3A_597 masked %parallel_loop3A_599 : vector<16xf32>, vector<16xi1> -> vector<16xf32>
        %parallel_loop3A_601 = vector.broadcast %parallel_loop3A_548 : i32 to vector<16xi32>
        tpu.vector_store_idx %arg13[%parallel_loop3A_601], %parallel_loop3A_600 masked %eq3A_16 : memref<80xf32, #tpu.memory_space<vmem>>[vector<16xi32>], vector<16xf32>, vector<16xi1>
      } {sc.loop_unroll_factor = 8 : i64, sc.parallel_access}
      %get3A_262 = arith.constant 0 : index
      %get3A_263 = tpu.vector_load %arg13[%get3A_262] {strides = array<i32>} : memref<80xf32, #tpu.memory_space<vmem>>, vector<16xf32>,
      %sub3A_264 = arith.constant 1.000000e+00 : f32
      %sub3A_265 = vector.broadcast %sub3A_264 : f32 to vector<16xf32>
      %sub3A_266 = arith.subf %get3A_263, %sub3A_265 : vector<16xf32>
      %exp3A_267 = math.exp %sub3A_266 : vector<16xf32>
      %add3A_268 = arith.constant 1.000000e+00 : f32
      %add3A_269 = vector.broadcast %add3A_268 : f32 to vector<16xf32>
      %add3A_270 = arith.addf %add3A_269, %exp3A_267 : vector<16xf32>
      %div3A_271 = arith.constant 1.000000e+00 : f32
      %div3A_272 = vector.broadcast %div3A_271 : f32 to vector<16xf32>
      %div3A_273 = arith.divf %div3A_272, %add3A_270 : vector<16xf32>
      %swap3A_274 = arith.constant 0 : index
      %swap3A_275 = tpu.vector_load %arg13[%swap3A_274] {strides = array<i32>} : memref<80xf32, #tpu.memory_space<vmem>>, vector<16xf32>,
      tpu.vector_store %arg13[%swap3A_274], %div3A_273 {strides = array<i32>} : memref<80xf32, #tpu.memory_space<vmem>>, vector<16xf32>,
      %get3A_276 = arith.constant 16 : index
      %get3A_277 = tpu.vector_load %arg13[%get3A_276] {strides = array<i32>} : memref<80xf32, #tpu.memory_space<vmem>>, vector<16xf32>,
      %sub3A_278 = arith.constant 1.000000e+00 : f32
      %sub3A_279 = vector.broadcast %sub3A_278 : f32 to vector<16xf32>
      %sub3A_280 = arith.subf %get3A_277, %sub3A_279 : vector<16xf32>
      %exp3A_281 = math.exp %sub3A_280 : vector<16xf32>
      %add3A_282 = arith.constant 1.000000e+00 : f32
      %add3A_283 = vector.broadcast %add3A_282 : f32 to vector<16xf32>
      %add3A_284 = arith.addf %add3A_283, %exp3A_281 : vector<16xf32>
      %div3A_285 = arith.constant 1.000000e+00 : f32
      %div3A_286 = vector.broadcast %div3A_285 : f32 to vector<16xf32>
      %div3A_287 = arith.divf %div3A_286, %add3A_284 : vector<16xf32>
      %swap3A_288 = arith.constant 16 : index
      %swap3A_289 = tpu.vector_load %arg13[%swap3A_288] {strides = array<i32>} : memref<80xf32, #tpu.memory_space<vmem>>, vector<16xf32>,
      tpu.vector_store %arg13[%swap3A_288], %div3A_287 {strides = array<i32>} : memref<80xf32, #tpu.memory_space<vmem>>, vector<16xf32>,
      %get3A_290 = arith.constant 32 : index
      %get3A_291 = tpu.vector_load %arg13[%get3A_290] {strides = array<i32>} : memref<80xf32, #tpu.memory_space<vmem>>, vector<16xf32>,
      %sub3A_292 = arith.constant 1.000000e+00 : f32
      %sub3A_293 = vector.broadcast %sub3A_292 : f32 to vector<16xf32>
      %sub3A_294 = arith.subf %get3A_291, %sub3A_293 : vector<16xf32>
      %exp3A_295 = math.exp %sub3A_294 : vector<16xf32>
      %add3A_296 = arith.constant 1.000000e+00 : f32
      %add3A_297 = vector.broadcast %add3A_296 : f32 to vector<16xf32>
      %add3A_298 = arith.addf %add3A_297, %exp3A_295 : vector<16xf32>
      %div3A_299 = arith.constant 1.000000e+00 : f32
      %div3A_300 = vector.broadcast %div3A_299 : f32 to vector<16xf32>
      %div3A_301 = arith.divf %div3A_300, %add3A_298 : vector<16xf32>
      %swap3A_302 = arith.constant 32 : index
      %swap3A_303 = tpu.vector_load %arg13[%swap3A_302] {strides = array<i32>} : memref<80xf32, #tpu.memory_space<vmem>>, vector<16xf32>,
      tpu.vector_store %arg13[%swap3A_302], %div3A_301 {strides = array<i32>} : memref<80xf32, #tpu.memory_space<vmem>>, vector<16xf32>,
      %get3A_304 = arith.constant 48 : index
      %get3A_305 = tpu.vector_load %arg13[%get3A_304] {strides = array<i32>} : memref<80xf32, #tpu.memory_space<vmem>>, vector<16xf32>,
      %sub3A_306 = arith.constant 1.000000e+00 : f32
      %sub3A_307 = vector.broadcast %sub3A_306 : f32 to vector<16xf32>
      %sub3A_308 = arith.subf %get3A_305, %sub3A_307 : vector<16xf32>
      %exp3A_309 = math.exp %sub3A_308 : vector<16xf32>
      %add3A_310 = arith.constant 1.000000e+00 : f32
      %add3A_311 = vector.broadcast %add3A_310 : f32 to vector<16xf32>
      %add3A_312 = arith.addf %add3A_311, %exp3A_309 : vector<16xf32>
      %div3A_313 = arith.constant 1.000000e+00 : f32
      %div3A_314 = vector.broadcast %div3A_313 : f32 to vector<16xf32>
      %div3A_315 = arith.divf %div3A_314, %add3A_312 : vector<16xf32>
      %swap3A_316 = arith.constant 48 : index
      %swap3A_317 = tpu.vector_load %arg13[%swap3A_316] {strides = array<i32>} : memref<80xf32, #tpu.memory_space<vmem>>, vector<16xf32>,
      tpu.vector_store %arg13[%swap3A_316], %div3A_315 {strides = array<i32>} : memref<80xf32, #tpu.memory_space<vmem>>, vector<16xf32>,
      %get3A_318 = arith.constant 64 : index
      %get3A_319 = tpu.vector_load %arg13[%get3A_318] {strides = array<i32>} : memref<80xf32, #tpu.memory_space<vmem>>, vector<16xf32>,
      %sub3A_320 = arith.constant 1.000000e+00 : f32
      %sub3A_321 = vector.broadcast %sub3A_320 : f32 to vector<16xf32>
      %sub3A_322 = arith.subf %get3A_319, %sub3A_321 : vector<16xf32>
      %exp3A_323 = math.exp %sub3A_322 : vector<16xf32>
      %add3A_324 = arith.constant 1.000000e+00 : f32
      %add3A_325 = vector.broadcast %add3A_324 : f32 to vector<16xf32>
      %add3A_326 = arith.addf %add3A_325, %exp3A_323 : vector<16xf32>
      %div3A_327 = arith.constant 1.000000e+00 : f32
      %div3A_328 = vector.broadcast %div3A_327 : f32 to vector<16xf32>
      %div3A_329 = arith.divf %div3A_328, %add3A_326 : vector<16xf32>
      %swap3A_330 = arith.constant 64 : index
      %swap3A_331 = tpu.vector_load %arg13[%swap3A_330] {strides = array<i32>} : memref<80xf32, #tpu.memory_space<vmem>>, vector<16xf32>,
      tpu.vector_store %arg13[%swap3A_330], %div3A_329 {strides = array<i32>} : memref<80xf32, #tpu.memory_space<vmem>>, vector<16xf32>,
      %mul3A_332 = arith.constant 80 : i32
      %mul3A_333 = arith.muli %add3A_247, %mul3A_332 : i32
      %add3A_334 = arith.addi %mul3A_2, %mul3A_333 : i32
      %dma_start3A_335 = tpu.memref_slice %arg4[%add3A_334] : memref<320000xf32, #tpu.memory_space<hbm>> -> memref<80xf32, #tpu.memory_space<hbm>>
      %dma_start3A_336 = tpu.memref_slice %arg4[%add3A_334] : memref<320000xf32, #tpu.memory_space<hbm>> -> memref<80xf32, #tpu.memory_space<hbm>>
      tpu.enqueue_dma source(%arg13 : memref<80xf32, #tpu.memory_space<vmem>>) target(%dma_start3A_336 : memref<80xf32, #tpu.memory_space<hbm>>) target_semaphore(%arg21 : memref<!tpu.dma_semaphore, #tpu.memory_space<semaphore_mem>>)
      %add3A_337 = arith.constant 3 : i32
      %add3A_338 = arith.addi %add3A_247, %add3A_337 : i32
      %lt3A = arith.constant 125 : i32
      %lt3A_339 = arith.cmpi slt, %add3A_338, %lt3A : i32
      %convert_element_type3A_340 = arith.extui %lt3A_339 : i1 to i32
      %cond3A_341 = arith.constant 0 : i32
      %cond3A_342 = arith.cmpi ne, %convert_element_type3A_340, %cond3A_341 : i32
      scf.if %cond3A_342 {
        %mul3A_548 = arith.constant 80 : i32
        %mul3A_549 = arith.muli %add3A_338, %mul3A_548 : i32
        %dma_start3A_550 = tpu.memref_slice %arg5[%mul3A_549] : memref<10000xi32, #tpu.memory_space<vmem>> -> memref<80xi32, #tpu.memory_space<vmem>>
        %dma_start3A_551 = arith.constant 0 : i32
        %dma_start3A_552 = arith.constant 0 : i32
        %dma_start3A_553 = tpu.memref_slice %arg16[%dma_start3A_551, %dma_start3A_552] : memref<10000x64xi32, #tpu.memory_space<vmem_shared>> -> memref<10000x64xi32, #tpu.memory_space<vmem_shared>>
        tpu.enqueue_indirect_dma source(%dma_start3A_553 : memref<10000x64xi32, #tpu.memory_space<vmem_shared>>) target(%arg7 : memref<80x64xi32, #tpu.memory_space<vmem>>) offsets(%dma_start3A_550 : memref<80xi32, #tpu.memory_space<vmem>>) semaphore(%arg18 : memref<!tpu.dma_semaphore, #tpu.memory_space<semaphore_mem>>)
        %dma_start3A_554 = tpu.memref_slice %arg6[%mul3A_549] : memref<10000xi32, #tpu.memory_space<vmem>> -> memref<80xi32, #tpu.memory_space<vmem>>
        %dma_start3A_555 = arith.constant 0 : i32
        %dma_start3A_556 = arith.constant 0 : i32
        %dma_start3A_557 = tpu.memref_slice %arg16[%dma_start3A_555, %dma_start3A_556] : memref<10000x64xi32, #tpu.memory_space<vmem_shared>> -> memref<10000x64xi32, #tpu.memory_space<vmem_shared>>
        tpu.enqueue_indirect_dma source(%dma_start3A_557 : memref<10000x64xi32, #tpu.memory_space<vmem_shared>>) target(%arg8 : memref<80x64xi32, #tpu.memory_space<vmem>>) offsets(%dma_start3A_554 : memref<80xi32, #tpu.memory_space<vmem>>) semaphore(%arg18 : memref<!tpu.dma_semaphore, #tpu.memory_space<semaphore_mem>>)
      } else {
      }
      %mul3A_343 = arith.constant 3 : i32
      %mul3A_344 = arith.muli %mul3A_343, %scan3A_241 : i32
      %add3A_345 = arith.constant 1 : i32
      %add3A_346 = arith.addi %mul3A_344, %add3A_345 : i32
      %dma_wait3A_347 = arith.constant 0 : i32
      %dma_wait3A_348 = tpu.memref_slice %arg5[%dma_wait3A_347] : memref<10000xi32, #tpu.memory_space<vmem>> -> memref<80xi32, #tpu.memory_space<vmem>>
      %dma_wait3A_349 = arith.constant 0 : i32
      %dma_wait3A_350 = arith.constant 0 : i32
      %dma_wait3A_351 = tpu.memref_slice %arg16[%dma_wait3A_349, %dma_wait3A_350] : memref<10000x64xi32, #tpu.memory_space<vmem_shared>> -> memref<10000x64xi32, #tpu.memory_space<vmem_shared>>
      tpu.wait_indirect_dma semaphore(%arg19 : memref<!tpu.dma_semaphore, #tpu.memory_space<semaphore_mem>>) src(%dma_wait3A_351 : memref<10000x64xi32, #tpu.memory_space<vmem_shared>>) dst(%arg9 : memref<80x64xi32, #tpu.memory_space<vmem>>)
      %dma_wait3A_352 = arith.constant 0 : i32
      %dma_wait3A_353 = tpu.memref_slice %arg6[%dma_wait3A_352] : memref<10000xi32, #tpu.memory_space<vmem>> -> memref<80xi32, #tpu.memory_space<vmem>>
      %dma_wait3A_354 = arith.constant 0 : i32
      %dma_wait3A_355 = arith.constant 0 : i32
      %dma_wait3A_356 = tpu.memref_slice %arg16[%dma_wait3A_354, %dma_wait3A_355] : memref<10000x64xi32, #tpu.memory_space<vmem_shared>> -> memref<10000x64xi32, #tpu.memory_space<vmem_shared>>
      tpu.wait_indirect_dma semaphore(%arg19 : memref<!tpu.dma_semaphore, #tpu.memory_space<semaphore_mem>>) src(%dma_wait3A_356 : memref<10000x64xi32, #tpu.memory_space<vmem_shared>>) dst(%arg10 : memref<80x64xi32, #tpu.memory_space<vmem>>)
      %convert_element_type3A_357 = arith.extui %gt3A_243 : i1 to i32
      %cond3A_358 = arith.constant 0 : i32
      %cond3A_359 = arith.cmpi ne, %convert_element_type3A_357, %cond3A_358 : i32
      scf.if %cond3A_359 {
        %dma_wait3A_548 = arith.constant 0 : i32
        %dma_wait3A_549 = tpu.memref_slice %arg4[%dma_wait3A_548] : memref<320000xf32, #tpu.memory_space<hbm>> -> memref<80xf32, #tpu.memory_space<hbm>>
        %dma_wait3A_550 = arith.constant 0 : i32
        %dma_wait3A_551 = tpu.memref_slice %arg4[%dma_wait3A_550] : memref<320000xf32, #tpu.memory_space<hbm>> -> memref<80xf32, #tpu.memory_space<hbm>>
        tpu.wait_dma2 semaphore(%arg22 : memref<!tpu.dma_semaphore, #tpu.memory_space<semaphore_mem>>) src(%arg14 : memref<80xf32, #tpu.memory_space<vmem>>) dst(%dma_wait3A_551 : memref<80xf32, #tpu.memory_space<hbm>>)
      } else {
      }
      %parallel_loop3A_360 = arith.constant 0 : i32
      %parallel_loop3A_361 = arith.constant 80 : i32
      %parallel_loop3A_362 = arith.constant 1 : i32
      scf.for %parallel_loop3A_548 = %parallel_loop3A_360 to %parallel_loop3A_361 step %parallel_loop3A_362  : i32 {
        %parallel_loop3A_549 = arith.constant 0.000000e+00 : bf16
        %parallel_loop3A_550 = vector.broadcast %parallel_loop3A_549 : bf16 to vector<32xbf16>
        %parallel_loop3A_551 = arith.index_cast %parallel_loop3A_548 : i32 to index
        %parallel_loop3A_552 = arith.constant 0 : index
        %parallel_loop3A_553 = tpu.vector_load %arg9[%parallel_loop3A_551, %parallel_loop3A_552] {strides = array<i32>} : memref<80x64xi32, #tpu.memory_space<vmem>>, vector<16xi32>,
        %parallel_loop3A_554 = vector.bitcast %parallel_loop3A_553 : vector<16xi32> to vector<32xbf16>
        %parallel_loop3A_555 = arith.index_cast %parallel_loop3A_548 : i32 to index
        %parallel_loop3A_556 = arith.constant 0 : index
        %parallel_loop3A_557 = tpu.vector_load %arg10[%parallel_loop3A_555, %parallel_loop3A_556] {strides = array<i32>} : memref<80x64xi32, #tpu.memory_space<vmem>>, vector<16xi32>,
        %parallel_loop3A_558 = vector.bitcast %parallel_loop3A_557 : vector<16xi32> to vector<32xbf16>
        %parallel_loop3A_559 = arith.subf %parallel_loop3A_554, %parallel_loop3A_558 : vector<32xbf16>
        %parallel_loop3A_560 = arith.mulf %parallel_loop3A_559, %parallel_loop3A_559 : vector<32xbf16>
        %parallel_loop3A_561 = arith.addf %parallel_loop3A_550, %parallel_loop3A_560 : vector<32xbf16>
        %parallel_loop3A_562 = arith.index_cast %parallel_loop3A_548 : i32 to index
        %parallel_loop3A_563 = arith.constant 16 : index
        %parallel_loop3A_564 = tpu.vector_load %arg9[%parallel_loop3A_562, %parallel_loop3A_563] {strides = array<i32>} : memref<80x64xi32, #tpu.memory_space<vmem>>, vector<16xi32>,
        %parallel_loop3A_565 = vector.bitcast %parallel_loop3A_564 : vector<16xi32> to vector<32xbf16>
        %parallel_loop3A_566 = arith.index_cast %parallel_loop3A_548 : i32 to index
        %parallel_loop3A_567 = arith.constant 16 : index
        %parallel_loop3A_568 = tpu.vector_load %arg10[%parallel_loop3A_566, %parallel_loop3A_567] {strides = array<i32>} : memref<80x64xi32, #tpu.memory_space<vmem>>, vector<16xi32>,
        %parallel_loop3A_569 = vector.bitcast %parallel_loop3A_568 : vector<16xi32> to vector<32xbf16>
        %parallel_loop3A_570 = arith.subf %parallel_loop3A_565, %parallel_loop3A_569 : vector<32xbf16>
        %parallel_loop3A_571 = arith.mulf %parallel_loop3A_570, %parallel_loop3A_570 : vector<32xbf16>
        %parallel_loop3A_572 = arith.addf %parallel_loop3A_561, %parallel_loop3A_571 : vector<32xbf16>
        %parallel_loop3A_573 = arith.index_cast %parallel_loop3A_548 : i32 to index
        %parallel_loop3A_574 = arith.constant 32 : index
        %parallel_loop3A_575 = tpu.vector_load %arg9[%parallel_loop3A_573, %parallel_loop3A_574] {strides = array<i32>} : memref<80x64xi32, #tpu.memory_space<vmem>>, vector<16xi32>,
        %parallel_loop3A_576 = vector.bitcast %parallel_loop3A_575 : vector<16xi32> to vector<32xbf16>
        %parallel_loop3A_577 = arith.index_cast %parallel_loop3A_548 : i32 to index
        %parallel_loop3A_578 = arith.constant 32 : index
        %parallel_loop3A_579 = tpu.vector_load %arg10[%parallel_loop3A_577, %parallel_loop3A_578] {strides = array<i32>} : memref<80x64xi32, #tpu.memory_space<vmem>>, vector<16xi32>,
        %parallel_loop3A_580 = vector.bitcast %parallel_loop3A_579 : vector<16xi32> to vector<32xbf16>
        %parallel_loop3A_581 = arith.subf %parallel_loop3A_576, %parallel_loop3A_580 : vector<32xbf16>
        %parallel_loop3A_582 = arith.mulf %parallel_loop3A_581, %parallel_loop3A_581 : vector<32xbf16>
        %parallel_loop3A_583 = arith.addf %parallel_loop3A_572, %parallel_loop3A_582 : vector<32xbf16>
        %parallel_loop3A_584 = arith.index_cast %parallel_loop3A_548 : i32 to index
        %parallel_loop3A_585 = arith.constant 48 : index
        %parallel_loop3A_586 = tpu.vector_load %arg9[%parallel_loop3A_584, %parallel_loop3A_585] {strides = array<i32>} : memref<80x64xi32, #tpu.memory_space<vmem>>, vector<16xi32>,
        %parallel_loop3A_587 = vector.bitcast %parallel_loop3A_586 : vector<16xi32> to vector<32xbf16>
        %parallel_loop3A_588 = arith.index_cast %parallel_loop3A_548 : i32 to index
        %parallel_loop3A_589 = arith.constant 48 : index
        %parallel_loop3A_590 = tpu.vector_load %arg10[%parallel_loop3A_588, %parallel_loop3A_589] {strides = array<i32>} : memref<80x64xi32, #tpu.memory_space<vmem>>, vector<16xi32>,
        %parallel_loop3A_591 = vector.bitcast %parallel_loop3A_590 : vector<16xi32> to vector<32xbf16>
        %parallel_loop3A_592 = arith.subf %parallel_loop3A_587, %parallel_loop3A_591 : vector<32xbf16>
        %parallel_loop3A_593 = arith.mulf %parallel_loop3A_592, %parallel_loop3A_592 : vector<32xbf16>
        %parallel_loop3A_594 = arith.addf %parallel_loop3A_583, %parallel_loop3A_593 : vector<32xbf16>
        %parallel_loop3A_595 = tpu.unpack_subelements %parallel_loop3A_594, 0 {pack_format = #tpu.pack_format<interleaved>} : vector<32xbf16> -> vector<16xf32>
        %parallel_loop3A_596 = tpu.unpack_subelements %parallel_loop3A_594, 1 {pack_format = #tpu.pack_format<interleaved>} : vector<32xbf16> -> vector<16xf32>
        %parallel_loop3A_597 = arith.addf %parallel_loop3A_595, %parallel_loop3A_596 : vector<16xf32>
        %parallel_loop3A_598 = arith.constant true
        %parallel_loop3A_599 = vector.broadcast %parallel_loop3A_598 : i1 to vector<16xi1>
        %parallel_loop3A_600 = tpu.scan <sum>, %parallel_loop3A_597 masked %parallel_loop3A_599 : vector<16xf32>, vector<16xi1> -> vector<16xf32>
        %parallel_loop3A_601 = vector.broadcast %parallel_loop3A_548 : i32 to vector<16xi32>
        tpu.vector_store_idx %arg14[%parallel_loop3A_601], %parallel_loop3A_600 masked %eq3A_16 : memref<80xf32, #tpu.memory_space<vmem>>[vector<16xi32>], vector<16xf32>, vector<16xi1>
      } {sc.loop_unroll_factor = 8 : i64, sc.parallel_access}
      %get3A_363 = arith.constant 0 : index
      %get3A_364 = tpu.vector_load %arg14[%get3A_363] {strides = array<i32>} : memref<80xf32, #tpu.memory_space<vmem>>, vector<16xf32>,
      %sub3A_365 = arith.constant 1.000000e+00 : f32
      %sub3A_366 = vector.broadcast %sub3A_365 : f32 to vector<16xf32>
      %sub3A_367 = arith.subf %get3A_364, %sub3A_366 : vector<16xf32>
      %exp3A_368 = math.exp %sub3A_367 : vector<16xf32>
      %add3A_369 = arith.constant 1.000000e+00 : f32
      %add3A_370 = vector.broadcast %add3A_369 : f32 to vector<16xf32>
      %add3A_371 = arith.addf %add3A_370, %exp3A_368 : vector<16xf32>
      %div3A_372 = arith.constant 1.000000e+00 : f32
      %div3A_373 = vector.broadcast %div3A_372 : f32 to vector<16xf32>
      %div3A_374 = arith.divf %div3A_373, %add3A_371 : vector<16xf32>
      %swap3A_375 = arith.constant 0 : index
      %swap3A_376 = tpu.vector_load %arg14[%swap3A_375] {strides = array<i32>} : memref<80xf32, #tpu.memory_space<vmem>>, vector<16xf32>,
      tpu.vector_store %arg14[%swap3A_375], %div3A_374 {strides = array<i32>} : memref<80xf32, #tpu.memory_space<vmem>>, vector<16xf32>,
      %get3A_377 = arith.constant 16 : index
      %get3A_378 = tpu.vector_load %arg14[%get3A_377] {strides = array<i32>} : memref<80xf32, #tpu.memory_space<vmem>>, vector<16xf32>,
      %sub3A_379 = arith.constant 1.000000e+00 : f32
      %sub3A_380 = vector.broadcast %sub3A_379 : f32 to vector<16xf32>
      %sub3A_381 = arith.subf %get3A_378, %sub3A_380 : vector<16xf32>
      %exp3A_382 = math.exp %sub3A_381 : vector<16xf32>
      %add3A_383 = arith.constant 1.000000e+00 : f32
      %add3A_384 = vector.broadcast %add3A_383 : f32 to vector<16xf32>
      %add3A_385 = arith.addf %add3A_384, %exp3A_382 : vector<16xf32>
      %div3A_386 = arith.constant 1.000000e+00 : f32
      %div3A_387 = vector.broadcast %div3A_386 : f32 to vector<16xf32>
      %div3A_388 = arith.divf %div3A_387, %add3A_385 : vector<16xf32>
      %swap3A_389 = arith.constant 16 : index
      %swap3A_390 = tpu.vector_load %arg14[%swap3A_389] {strides = array<i32>} : memref<80xf32, #tpu.memory_space<vmem>>, vector<16xf32>,
      tpu.vector_store %arg14[%swap3A_389], %div3A_388 {strides = array<i32>} : memref<80xf32, #tpu.memory_space<vmem>>, vector<16xf32>,
      %get3A_391 = arith.constant 32 : index
      %get3A_392 = tpu.vector_load %arg14[%get3A_391] {strides = array<i32>} : memref<80xf32, #tpu.memory_space<vmem>>, vector<16xf32>,
      %sub3A_393 = arith.constant 1.000000e+00 : f32
      %sub3A_394 = vector.broadcast %sub3A_393 : f32 to vector<16xf32>
      %sub3A_395 = arith.subf %get3A_392, %sub3A_394 : vector<16xf32>
      %exp3A_396 = math.exp %sub3A_395 : vector<16xf32>
      %add3A_397 = arith.constant 1.000000e+00 : f32
      %add3A_398 = vector.broadcast %add3A_397 : f32 to vector<16xf32>
      %add3A_399 = arith.addf %add3A_398, %exp3A_396 : vector<16xf32>
      %div3A_400 = arith.constant 1.000000e+00 : f32
      %div3A_401 = vector.broadcast %div3A_400 : f32 to vector<16xf32>
      %div3A_402 = arith.divf %div3A_401, %add3A_399 : vector<16xf32>
      %swap3A_403 = arith.constant 32 : index
      %swap3A_404 = tpu.vector_load %arg14[%swap3A_403] {strides = array<i32>} : memref<80xf32, #tpu.memory_space<vmem>>, vector<16xf32>,
      tpu.vector_store %arg14[%swap3A_403], %div3A_402 {strides = array<i32>} : memref<80xf32, #tpu.memory_space<vmem>>, vector<16xf32>,
      %get3A_405 = arith.constant 48 : index
      %get3A_406 = tpu.vector_load %arg14[%get3A_405] {strides = array<i32>} : memref<80xf32, #tpu.memory_space<vmem>>, vector<16xf32>,
      %sub3A_407 = arith.constant 1.000000e+00 : f32
      %sub3A_408 = vector.broadcast %sub3A_407 : f32 to vector<16xf32>
      %sub3A_409 = arith.subf %get3A_406, %sub3A_408 : vector<16xf32>
      %exp3A_410 = math.exp %sub3A_409 : vector<16xf32>
      %add3A_411 = arith.constant 1.000000e+00 : f32
      %add3A_412 = vector.broadcast %add3A_411 : f32 to vector<16xf32>
      %add3A_413 = arith.addf %add3A_412, %exp3A_410 : vector<16xf32>
      %div3A_414 = arith.constant 1.000000e+00 : f32
      %div3A_415 = vector.broadcast %div3A_414 : f32 to vector<16xf32>
      %div3A_416 = arith.divf %div3A_415, %add3A_413 : vector<16xf32>
      %swap3A_417 = arith.constant 48 : index
      %swap3A_418 = tpu.vector_load %arg14[%swap3A_417] {strides = array<i32>} : memref<80xf32, #tpu.memory_space<vmem>>, vector<16xf32>,
      tpu.vector_store %arg14[%swap3A_417], %div3A_416 {strides = array<i32>} : memref<80xf32, #tpu.memory_space<vmem>>, vector<16xf32>,
      %get3A_419 = arith.constant 64 : index
      %get3A_420 = tpu.vector_load %arg14[%get3A_419] {strides = array<i32>} : memref<80xf32, #tpu.memory_space<vmem>>, vector<16xf32>,
      %sub3A_421 = arith.constant 1.000000e+00 : f32
      %sub3A_422 = vector.broadcast %sub3A_421 : f32 to vector<16xf32>
      %sub3A_423 = arith.subf %get3A_420, %sub3A_422 : vector<16xf32>
      %exp3A_424 = math.exp %sub3A_423 : vector<16xf32>
      %add3A_425 = arith.constant 1.000000e+00 : f32
      %add3A_426 = vector.broadcast %add3A_425 : f32 to vector<16xf32>
      %add3A_427 = arith.addf %add3A_426, %exp3A_424 : vector<16xf32>
      %div3A_428 = arith.constant 1.000000e+00 : f32
      %div3A_429 = vector.broadcast %div3A_428 : f32 to vector<16xf32>
      %div3A_430 = arith.divf %div3A_429, %add3A_427 : vector<16xf32>
      %swap3A_431 = arith.constant 64 : index
      %swap3A_432 = tpu.vector_load %arg14[%swap3A_431] {strides = array<i32>} : memref<80xf32, #tpu.memory_space<vmem>>, vector<16xf32>,
      tpu.vector_store %arg14[%swap3A_431], %div3A_430 {strides = array<i32>} : memref<80xf32, #tpu.memory_space<vmem>>, vector<16xf32>,
      %mul3A_433 = arith.constant 80 : i32
      %mul3A_434 = arith.muli %add3A_346, %mul3A_433 : i32
      %add3A_435 = arith.addi %mul3A_2, %mul3A_434 : i32
      %dma_start3A_436 = tpu.memref_slice %arg4[%add3A_435] : memref<320000xf32, #tpu.memory_space<hbm>> -> memref<80xf32, #tpu.memory_space<hbm>>
      %dma_start3A_437 = tpu.memref_slice %arg4[%add3A_435] : memref<320000xf32, #tpu.memory_space<hbm>> -> memref<80xf32, #tpu.memory_space<hbm>>
      tpu.enqueue_dma source(%arg14 : memref<80xf32, #tpu.memory_space<vmem>>) target(%dma_start3A_437 : memref<80xf32, #tpu.memory_space<hbm>>) target_semaphore(%arg22 : memref<!tpu.dma_semaphore, #tpu.memory_space<semaphore_mem>>)
      %add3A_438 = arith.constant 3 : i32
      %add3A_439 = arith.addi %add3A_346, %add3A_438 : i32
      %lt3A_440 = arith.constant 125 : i32
      %lt3A_441 = arith.cmpi slt, %add3A_439, %lt3A_440 : i32
      %convert_element_type3A_442 = arith.extui %lt3A_441 : i1 to i32
      %cond3A_443 = arith.constant 0 : i32
      %cond3A_444 = arith.cmpi ne, %convert_element_type3A_442, %cond3A_443 : i32
      scf.if %cond3A_444 {
        %mul3A_548 = arith.constant 80 : i32
        %mul3A_549 = arith.muli %add3A_439, %mul3A_548 : i32
        %dma_start3A_550 = tpu.memref_slice %arg5[%mul3A_549] : memref<10000xi32, #tpu.memory_space<vmem>> -> memref<80xi32, #tpu.memory_space<vmem>>
        %dma_start3A_551 = arith.constant 0 : i32
        %dma_start3A_552 = arith.constant 0 : i32
        %dma_start3A_553 = tpu.memref_slice %arg16[%dma_start3A_551, %dma_start3A_552] : memref<10000x64xi32, #tpu.memory_space<vmem_shared>> -> memref<10000x64xi32, #tpu.memory_space<vmem_shared>>
        tpu.enqueue_indirect_dma source(%dma_start3A_553 : memref<10000x64xi32, #tpu.memory_space<vmem_shared>>) target(%arg9 : memref<80x64xi32, #tpu.memory_space<vmem>>) offsets(%dma_start3A_550 : memref<80xi32, #tpu.memory_space<vmem>>) semaphore(%arg19 : memref<!tpu.dma_semaphore, #tpu.memory_space<semaphore_mem>>)
        %dma_start3A_554 = tpu.memref_slice %arg6[%mul3A_549] : memref<10000xi32, #tpu.memory_space<vmem>> -> memref<80xi32, #tpu.memory_space<vmem>>
        %dma_start3A_555 = arith.constant 0 : i32
        %dma_start3A_556 = arith.constant 0 : i32
        %dma_start3A_557 = tpu.memref_slice %arg16[%dma_start3A_555, %dma_start3A_556] : memref<10000x64xi32, #tpu.memory_space<vmem_shared>> -> memref<10000x64xi32, #tpu.memory_space<vmem_shared>>
        tpu.enqueue_indirect_dma source(%dma_start3A_557 : memref<10000x64xi32, #tpu.memory_space<vmem_shared>>) target(%arg10 : memref<80x64xi32, #tpu.memory_space<vmem>>) offsets(%dma_start3A_554 : memref<80xi32, #tpu.memory_space<vmem>>) semaphore(%arg19 : memref<!tpu.dma_semaphore, #tpu.memory_space<semaphore_mem>>)
      } else {
      }
      %mul3A_445 = arith.constant 3 : i32
      %mul3A_446 = arith.muli %mul3A_445, %scan3A_241 : i32
      %add3A_447 = arith.constant 2 : i32
      %add3A_448 = arith.addi %mul3A_446, %add3A_447 : i32
      %dma_wait3A_449 = arith.constant 0 : i32
      %dma_wait3A_450 = tpu.memref_slice %arg5[%dma_wait3A_449] : memref<10000xi32, #tpu.memory_space<vmem>> -> memref<80xi32, #tpu.memory_space<vmem>>
      %dma_wait3A_451 = arith.constant 0 : i32
      %dma_wait3A_452 = arith.constant 0 : i32
      %dma_wait3A_453 = tpu.memref_slice %arg16[%dma_wait3A_451, %dma_wait3A_452] : memref<10000x64xi32, #tpu.memory_space<vmem_shared>> -> memref<10000x64xi32, #tpu.memory_space<vmem_shared>>
      tpu.wait_indirect_dma semaphore(%arg20 : memref<!tpu.dma_semaphore, #tpu.memory_space<semaphore_mem>>) src(%dma_wait3A_453 : memref<10000x64xi32, #tpu.memory_space<vmem_shared>>) dst(%arg11 : memref<80x64xi32, #tpu.memory_space<vmem>>)
      %dma_wait3A_454 = arith.constant 0 : i32
      %dma_wait3A_455 = tpu.memref_slice %arg6[%dma_wait3A_454] : memref<10000xi32, #tpu.memory_space<vmem>> -> memref<80xi32, #tpu.memory_space<vmem>>
      %dma_wait3A_456 = arith.constant 0 : i32
      %dma_wait3A_457 = arith.constant 0 : i32
      %dma_wait3A_458 = tpu.memref_slice %arg16[%dma_wait3A_456, %dma_wait3A_457] : memref<10000x64xi32, #tpu.memory_space<vmem_shared>> -> memref<10000x64xi32, #tpu.memory_space<vmem_shared>>
      tpu.wait_indirect_dma semaphore(%arg20 : memref<!tpu.dma_semaphore, #tpu.memory_space<semaphore_mem>>) src(%dma_wait3A_458 : memref<10000x64xi32, #tpu.memory_space<vmem_shared>>) dst(%arg12 : memref<80x64xi32, #tpu.memory_space<vmem>>)
      %convert_element_type3A_459 = arith.extui %gt3A_243 : i1 to i32
      %cond3A_460 = arith.constant 0 : i32
      %cond3A_461 = arith.cmpi ne, %convert_element_type3A_459, %cond3A_460 : i32
      scf.if %cond3A_461 {
        %dma_wait3A_548 = arith.constant 0 : i32
        %dma_wait3A_549 = tpu.memref_slice %arg4[%dma_wait3A_548] : memref<320000xf32, #tpu.memory_space<hbm>> -> memref<80xf32, #tpu.memory_space<hbm>>
        %dma_wait3A_550 = arith.constant 0 : i32
        %dma_wait3A_551 = tpu.memref_slice %arg4[%dma_wait3A_550] : memref<320000xf32, #tpu.memory_space<hbm>> -> memref<80xf32, #tpu.memory_space<hbm>>
        tpu.wait_dma2 semaphore(%arg23 : memref<!tpu.dma_semaphore, #tpu.memory_space<semaphore_mem>>) src(%arg15 : memref<80xf32, #tpu.memory_space<vmem>>) dst(%dma_wait3A_551 : memref<80xf32, #tpu.memory_space<hbm>>)
      } else {
      }
      %parallel_loop3A_462 = arith.constant 0 : i32
      %parallel_loop3A_463 = arith.constant 80 : i32
      %parallel_loop3A_464 = arith.constant 1 : i32
      scf.for %parallel_loop3A_548 = %parallel_loop3A_462 to %parallel_loop3A_463 step %parallel_loop3A_464  : i32 {
        %parallel_loop3A_549 = arith.constant 0.000000e+00 : bf16
        %parallel_loop3A_550 = vector.broadcast %parallel_loop3A_549 : bf16 to vector<32xbf16>
        %parallel_loop3A_551 = arith.index_cast %parallel_loop3A_548 : i32 to index
        %parallel_loop3A_552 = arith.constant 0 : index
        %parallel_loop3A_553 = tpu.vector_load %arg11[%parallel_loop3A_551, %parallel_loop3A_552] {strides = array<i32>} : memref<80x64xi32, #tpu.memory_space<vmem>>, vector<16xi32>,
        %parallel_loop3A_554 = vector.bitcast %parallel_loop3A_553 : vector<16xi32> to vector<32xbf16>
        %parallel_loop3A_555 = arith.index_cast %parallel_loop3A_548 : i32 to index
        %parallel_loop3A_556 = arith.constant 0 : index
        %parallel_loop3A_557 = tpu.vector_load %arg12[%parallel_loop3A_555, %parallel_loop3A_556] {strides = array<i32>} : memref<80x64xi32, #tpu.memory_space<vmem>>, vector<16xi32>,
        %parallel_loop3A_558 = vector.bitcast %parallel_loop3A_557 : vector<16xi32> to vector<32xbf16>
        %parallel_loop3A_559 = arith.subf %parallel_loop3A_554, %parallel_loop3A_558 : vector<32xbf16>
        %parallel_loop3A_560 = arith.mulf %parallel_loop3A_559, %parallel_loop3A_559 : vector<32xbf16>
        %parallel_loop3A_561 = arith.addf %parallel_loop3A_550, %parallel_loop3A_560 : vector<32xbf16>
        %parallel_loop3A_562 = arith.index_cast %parallel_loop3A_548 : i32 to index
        %parallel_loop3A_563 = arith.constant 16 : index
        %parallel_loop3A_564 = tpu.vector_load %arg11[%parallel_loop3A_562, %parallel_loop3A_563] {strides = array<i32>} : memref<80x64xi32, #tpu.memory_space<vmem>>, vector<16xi32>,
        %parallel_loop3A_565 = vector.bitcast %parallel_loop3A_564 : vector<16xi32> to vector<32xbf16>
        %parallel_loop3A_566 = arith.index_cast %parallel_loop3A_548 : i32 to index
        %parallel_loop3A_567 = arith.constant 16 : index
        %parallel_loop3A_568 = tpu.vector_load %arg12[%parallel_loop3A_566, %parallel_loop3A_567] {strides = array<i32>} : memref<80x64xi32, #tpu.memory_space<vmem>>, vector<16xi32>,
        %parallel_loop3A_569 = vector.bitcast %parallel_loop3A_568 : vector<16xi32> to vector<32xbf16>
        %parallel_loop3A_570 = arith.subf %parallel_loop3A_565, %parallel_loop3A_569 : vector<32xbf16>
        %parallel_loop3A_571 = arith.mulf %parallel_loop3A_570, %parallel_loop3A_570 : vector<32xbf16>
        %parallel_loop3A_572 = arith.addf %parallel_loop3A_561, %parallel_loop3A_571 : vector<32xbf16>
        %parallel_loop3A_573 = arith.index_cast %parallel_loop3A_548 : i32 to index
        %parallel_loop3A_574 = arith.constant 32 : index
        %parallel_loop3A_575 = tpu.vector_load %arg11[%parallel_loop3A_573, %parallel_loop3A_574] {strides = array<i32>} : memref<80x64xi32, #tpu.memory_space<vmem>>, vector<16xi32>,
        %parallel_loop3A_576 = vector.bitcast %parallel_loop3A_575 : vector<16xi32> to vector<32xbf16>
        %parallel_loop3A_577 = arith.index_cast %parallel_loop3A_548 : i32 to index
        %parallel_loop3A_578 = arith.constant 32 : index
        %parallel_loop3A_579 = tpu.vector_load %arg12[%parallel_loop3A_577, %parallel_loop3A_578] {strides = array<i32>} : memref<80x64xi32, #tpu.memory_space<vmem>>, vector<16xi32>,
        %parallel_loop3A_580 = vector.bitcast %parallel_loop3A_579 : vector<16xi32> to vector<32xbf16>
        %parallel_loop3A_581 = arith.subf %parallel_loop3A_576, %parallel_loop3A_580 : vector<32xbf16>
        %parallel_loop3A_582 = arith.mulf %parallel_loop3A_581, %parallel_loop3A_581 : vector<32xbf16>
        %parallel_loop3A_583 = arith.addf %parallel_loop3A_572, %parallel_loop3A_582 : vector<32xbf16>
        %parallel_loop3A_584 = arith.index_cast %parallel_loop3A_548 : i32 to index
        %parallel_loop3A_585 = arith.constant 48 : index
        %parallel_loop3A_586 = tpu.vector_load %arg11[%parallel_loop3A_584, %parallel_loop3A_585] {strides = array<i32>} : memref<80x64xi32, #tpu.memory_space<vmem>>, vector<16xi32>,
        %parallel_loop3A_587 = vector.bitcast %parallel_loop3A_586 : vector<16xi32> to vector<32xbf16>
        %parallel_loop3A_588 = arith.index_cast %parallel_loop3A_548 : i32 to index
        %parallel_loop3A_589 = arith.constant 48 : index
        %parallel_loop3A_590 = tpu.vector_load %arg12[%parallel_loop3A_588, %parallel_loop3A_589] {strides = array<i32>} : memref<80x64xi32, #tpu.memory_space<vmem>>, vector<16xi32>,
        %parallel_loop3A_591 = vector.bitcast %parallel_loop3A_590 : vector<16xi32> to vector<32xbf16>
        %parallel_loop3A_592 = arith.subf %parallel_loop3A_587, %parallel_loop3A_591 : vector<32xbf16>
        %parallel_loop3A_593 = arith.mulf %parallel_loop3A_592, %parallel_loop3A_592 : vector<32xbf16>
        %parallel_loop3A_594 = arith.addf %parallel_loop3A_583, %parallel_loop3A_593 : vector<32xbf16>
        %parallel_loop3A_595 = tpu.unpack_subelements %parallel_loop3A_594, 0 {pack_format = #tpu.pack_format<interleaved>} : vector<32xbf16> -> vector<16xf32>
        %parallel_loop3A_596 = tpu.unpack_subelements %parallel_loop3A_594, 1 {pack_format = #tpu.pack_format<interleaved>} : vector<32xbf16> -> vector<16xf32>
        %parallel_loop3A_597 = arith.addf %parallel_loop3A_595, %parallel_loop3A_596 : vector<16xf32>
        %parallel_loop3A_598 = arith.constant true
        %parallel_loop3A_599 = vector.broadcast %parallel_loop3A_598 : i1 to vector<16xi1>
        %parallel_loop3A_600 = tpu.scan <sum>, %parallel_loop3A_597 masked %parallel_loop3A_599 : vector<16xf32>, vector<16xi1> -> vector<16xf32>
        %parallel_loop3A_601 = vector.broadcast %parallel_loop3A_548 : i32 to vector<16xi32>
        tpu.vector_store_idx %arg15[%parallel_loop3A_601], %parallel_loop3A_600 masked %eq3A_16 : memref<80xf32, #tpu.memory_space<vmem>>[vector<16xi32>], vector<16xf32>, vector<16xi1>
      } {sc.loop_unroll_factor = 8 : i64, sc.parallel_access}
      %get3A_465 = arith.constant 0 : index
      %get3A_466 = tpu.vector_load %arg15[%get3A_465] {strides = array<i32>} : memref<80xf32, #tpu.memory_space<vmem>>, vector<16xf32>,
      %sub3A_467 = arith.constant 1.000000e+00 : f32
      %sub3A_468 = vector.broadcast %sub3A_467 : f32 to vector<16xf32>
      %sub3A_469 = arith.subf %get3A_466, %sub3A_468 : vector<16xf32>
      %exp3A_470 = math.exp %sub3A_469 : vector<16xf32>
      %add3A_471 = arith.constant 1.000000e+00 : f32
      %add3A_472 = vector.broadcast %add3A_471 : f32 to vector<16xf32>
      %add3A_473 = arith.addf %add3A_472, %exp3A_470 : vector<16xf32>
      %div3A_474 = arith.constant 1.000000e+00 : f32
      %div3A_475 = vector.broadcast %div3A_474 : f32 to vector<16xf32>
      %div3A_476 = arith.divf %div3A_475, %add3A_473 : vector<16xf32>
      %swap3A_477 = arith.constant 0 : index
      %swap3A_478 = tpu.vector_load %arg15[%swap3A_477] {strides = array<i32>} : memref<80xf32, #tpu.memory_space<vmem>>, vector<16xf32>,
      tpu.vector_store %arg15[%swap3A_477], %div3A_476 {strides = array<i32>} : memref<80xf32, #tpu.memory_space<vmem>>, vector<16xf32>,
      %get3A_479 = arith.constant 16 : index
      %get3A_480 = tpu.vector_load %arg15[%get3A_479] {strides = array<i32>} : memref<80xf32, #tpu.memory_space<vmem>>, vector<16xf32>,
      %sub3A_481 = arith.constant 1.000000e+00 : f32
      %sub3A_482 = vector.broadcast %sub3A_481 : f32 to vector<16xf32>
      %sub3A_483 = arith.subf %get3A_480, %sub3A_482 : vector<16xf32>
      %exp3A_484 = math.exp %sub3A_483 : vector<16xf32>
      %add3A_485 = arith.constant 1.000000e+00 : f32
      %add3A_486 = vector.broadcast %add3A_485 : f32 to vector<16xf32>
      %add3A_487 = arith.addf %add3A_486, %exp3A_484 : vector<16xf32>
      %div3A_488 = arith.constant 1.000000e+00 : f32
      %div3A_489 = vector.broadcast %div3A_488 : f32 to vector<16xf32>
      %div3A_490 = arith.divf %div3A_489, %add3A_487 : vector<16xf32>
      %swap3A_491 = arith.constant 16 : index
      %swap3A_492 = tpu.vector_load %arg15[%swap3A_491] {strides = array<i32>} : memref<80xf32, #tpu.memory_space<vmem>>, vector<16xf32>,
      tpu.vector_store %arg15[%swap3A_491], %div3A_490 {strides = array<i32>} : memref<80xf32, #tpu.memory_space<vmem>>, vector<16xf32>,
      %get3A_493 = arith.constant 32 : index
      %get3A_494 = tpu.vector_load %arg15[%get3A_493] {strides = array<i32>} : memref<80xf32, #tpu.memory_space<vmem>>, vector<16xf32>,
      %sub3A_495 = arith.constant 1.000000e+00 : f32
      %sub3A_496 = vector.broadcast %sub3A_495 : f32 to vector<16xf32>
      %sub3A_497 = arith.subf %get3A_494, %sub3A_496 : vector<16xf32>
      %exp3A_498 = math.exp %sub3A_497 : vector<16xf32>
      %add3A_499 = arith.constant 1.000000e+00 : f32
      %add3A_500 = vector.broadcast %add3A_499 : f32 to vector<16xf32>
      %add3A_501 = arith.addf %add3A_500, %exp3A_498 : vector<16xf32>
      %div3A_502 = arith.constant 1.000000e+00 : f32
      %div3A_503 = vector.broadcast %div3A_502 : f32 to vector<16xf32>
      %div3A_504 = arith.divf %div3A_503, %add3A_501 : vector<16xf32>
      %swap3A_505 = arith.constant 32 : index
      %swap3A_506 = tpu.vector_load %arg15[%swap3A_505] {strides = array<i32>} : memref<80xf32, #tpu.memory_space<vmem>>, vector<16xf32>,
      tpu.vector_store %arg15[%swap3A_505], %div3A_504 {strides = array<i32>} : memref<80xf32, #tpu.memory_space<vmem>>, vector<16xf32>,
      %get3A_507 = arith.constant 48 : index
      %get3A_508 = tpu.vector_load %arg15[%get3A_507] {strides = array<i32>} : memref<80xf32, #tpu.memory_space<vmem>>, vector<16xf32>,
      %sub3A_509 = arith.constant 1.000000e+00 : f32
      %sub3A_510 = vector.broadcast %sub3A_509 : f32 to vector<16xf32>
      %sub3A_511 = arith.subf %get3A_508, %sub3A_510 : vector<16xf32>
      %exp3A_512 = math.exp %sub3A_511 : vector<16xf32>
      %add3A_513 = arith.constant 1.000000e+00 : f32
      %add3A_514 = vector.broadcast %add3A_513 : f32 to vector<16xf32>
      %add3A_515 = arith.addf %add3A_514, %exp3A_512 : vector<16xf32>
      %div3A_516 = arith.constant 1.000000e+00 : f32
      %div3A_517 = vector.broadcast %div3A_516 : f32 to vector<16xf32>
      %div3A_518 = arith.divf %div3A_517, %add3A_515 : vector<16xf32>
      %swap3A_519 = arith.constant 48 : index
      %swap3A_520 = tpu.vector_load %arg15[%swap3A_519] {strides = array<i32>} : memref<80xf32, #tpu.memory_space<vmem>>, vector<16xf32>,
      tpu.vector_store %arg15[%swap3A_519], %div3A_518 {strides = array<i32>} : memref<80xf32, #tpu.memory_space<vmem>>, vector<16xf32>,
      %get3A_521 = arith.constant 64 : index
      %get3A_522 = tpu.vector_load %arg15[%get3A_521] {strides = array<i32>} : memref<80xf32, #tpu.memory_space<vmem>>, vector<16xf32>,
      %sub3A_523 = arith.constant 1.000000e+00 : f32
      %sub3A_524 = vector.broadcast %sub3A_523 : f32 to vector<16xf32>
      %sub3A_525 = arith.subf %get3A_522, %sub3A_524 : vector<16xf32>
      %exp3A_526 = math.exp %sub3A_525 : vector<16xf32>
      %add3A_527 = arith.constant 1.000000e+00 : f32
      %add3A_528 = vector.broadcast %add3A_527 : f32 to vector<16xf32>
      %add3A_529 = arith.addf %add3A_528, %exp3A_526 : vector<16xf32>
      %div3A_530 = arith.constant 1.000000e+00 : f32
      %div3A_531 = vector.broadcast %div3A_530 : f32 to vector<16xf32>
      %div3A_532 = arith.divf %div3A_531, %add3A_529 : vector<16xf32>
      %swap3A_533 = arith.constant 64 : index
      %swap3A_534 = tpu.vector_load %arg15[%swap3A_533] {strides = array<i32>} : memref<80xf32, #tpu.memory_space<vmem>>, vector<16xf32>,
      tpu.vector_store %arg15[%swap3A_533], %div3A_532 {strides = array<i32>} : memref<80xf32, #tpu.memory_space<vmem>>, vector<16xf32>,
      %mul3A_535 = arith.constant 80 : i32
      %mul3A_536 = arith.muli %add3A_448, %mul3A_535 : i32
      %add3A_537 = arith.addi %mul3A_2, %mul3A_536 : i32
      %dma_start3A_538 = tpu.memref_slice %arg4[%add3A_537] : memref<320000xf32, #tpu.memory_space<hbm>> -> memref<80xf32, #tpu.memory_space<hbm>>
      %dma_start3A_539 = tpu.memref_slice %arg4[%add3A_537] : memref<320000xf32, #tpu.memory_space<hbm>> -> memref<80xf32, #tpu.memory_space<hbm>>
      tpu.enqueue_dma source(%arg15 : memref<80xf32, #tpu.memory_space<vmem>>) target(%dma_start3A_539 : memref<80xf32, #tpu.memory_space<hbm>>) target_semaphore(%arg23 : memref<!tpu.dma_semaphore, #tpu.memory_space<semaphore_mem>>)
      %add3A_540 = arith.constant 3 : i32
      %add3A_541 = arith.addi %add3A_448, %add3A_540 : i32
      %lt3A_542 = arith.constant 125 : i32
      %lt3A_543 = arith.cmpi slt, %add3A_541, %lt3A_542 : i32
      %convert_element_type3A_544 = arith.extui %lt3A_543 : i1 to i32
      %cond3A_545 = arith.constant 0 : i32
      %cond3A_546 = arith.cmpi ne, %convert_element_type3A_544, %cond3A_545 : i32
      scf.if %cond3A_546 {
        %mul3A_548 = arith.constant 80 : i32
        %mul3A_549 = arith.muli %add3A_541, %mul3A_548 : i32
        %dma_start3A_550 = tpu.memref_slice %arg5[%mul3A_549] : memref<10000xi32, #tpu.memory_space<vmem>> -> memref<80xi32, #tpu.memory_space<vmem>>
        %dma_start3A_551 = arith.constant 0 : i32
        %dma_start3A_552 = arith.constant 0 : i32
        %dma_start3A_553 = tpu.memref_slice %arg16[%dma_start3A_551, %dma_start3A_552] : memref<10000x64xi32, #tpu.memory_space<vmem_shared>> -> memref<10000x64xi32, #tpu.memory_space<vmem_shared>>
        tpu.enqueue_indirect_dma source(%dma_start3A_553 : memref<10000x64xi32, #tpu.memory_space<vmem_shared>>) target(%arg11 : memref<80x64xi32, #tpu.memory_space<vmem>>) offsets(%dma_start3A_550 : memref<80xi32, #tpu.memory_space<vmem>>) semaphore(%arg20 : memref<!tpu.dma_semaphore, #tpu.memory_space<semaphore_mem>>)
        %dma_start3A_554 = tpu.memref_slice %arg6[%mul3A_549] : memref<10000xi32, #tpu.memory_space<vmem>> -> memref<80xi32, #tpu.memory_space<vmem>>
        %dma_start3A_555 = arith.constant 0 : i32
        %dma_start3A_556 = arith.constant 0 : i32
        %dma_start3A_557 = tpu.memref_slice %arg16[%dma_start3A_555, %dma_start3A_556] : memref<10000x64xi32, #tpu.memory_space<vmem_shared>> -> memref<10000x64xi32, #tpu.memory_space<vmem_shared>>
        tpu.enqueue_indirect_dma source(%dma_start3A_557 : memref<10000x64xi32, #tpu.memory_space<vmem_shared>>) target(%arg12 : memref<80x64xi32, #tpu.memory_space<vmem>>) offsets(%dma_start3A_554 : memref<80xi32, #tpu.memory_space<vmem>>) semaphore(%arg20 : memref<!tpu.dma_semaphore, #tpu.memory_space<semaphore_mem>>)
      } else {
      }
      %scan3A_547 = arith.constant 0 : i32
      scf.yield %scan3A_547 : i32
    }
    %scan3A_52 = arith.constant 41 : i32
    %dma_wait3A_53 = arith.constant 0 : i32
    %dma_wait3A_54 = tpu.memref_slice %arg5[%dma_wait3A_53] : memref<10000xi32, #tpu.memory_space<vmem>> -> memref<80xi32, #tpu.memory_space<vmem>>
    %dma_wait3A_55 = arith.constant 0 : i32
    %dma_wait3A_56 = arith.constant 0 : i32
    %dma_wait3A_57 = tpu.memref_slice %arg16[%dma_wait3A_55, %dma_wait3A_56] : memref<10000x64xi32, #tpu.memory_space<vmem_shared>> -> memref<10000x64xi32, #tpu.memory_space<vmem_shared>>
    tpu.wait_indirect_dma semaphore(%arg18 : memref<!tpu.dma_semaphore, #tpu.memory_space<semaphore_mem>>) src(%dma_wait3A_57 : memref<10000x64xi32, #tpu.memory_space<vmem_shared>>) dst(%arg7 : memref<80x64xi32, #tpu.memory_space<vmem>>)
    %dma_wait3A_58 = arith.constant 0 : i32
    %dma_wait3A_59 = tpu.memref_slice %arg6[%dma_wait3A_58] : memref<10000xi32, #tpu.memory_space<vmem>> -> memref<80xi32, #tpu.memory_space<vmem>>
    %dma_wait3A_60 = arith.constant 0 : i32
    %dma_wait3A_61 = arith.constant 0 : i32
    %dma_wait3A_62 = tpu.memref_slice %arg16[%dma_wait3A_60, %dma_wait3A_61] : memref<10000x64xi32, #tpu.memory_space<vmem_shared>> -> memref<10000x64xi32, #tpu.memory_space<vmem_shared>>
    tpu.wait_indirect_dma semaphore(%arg18 : memref<!tpu.dma_semaphore, #tpu.memory_space<semaphore_mem>>) src(%dma_wait3A_62 : memref<10000x64xi32, #tpu.memory_space<vmem_shared>>) dst(%arg8 : memref<80x64xi32, #tpu.memory_space<vmem>>)
    %dma_wait3A_63 = arith.constant 0 : i32
    %dma_wait3A_64 = tpu.memref_slice %arg4[%dma_wait3A_63] : memref<320000xf32, #tpu.memory_space<hbm>> -> memref<80xf32, #tpu.memory_space<hbm>>
    %dma_wait3A_65 = arith.constant 0 : i32
    %dma_wait3A_66 = tpu.memref_slice %arg4[%dma_wait3A_65] : memref<320000xf32, #tpu.memory_space<hbm>> -> memref<80xf32, #tpu.memory_space<hbm>>
    tpu.wait_dma2 semaphore(%arg21 : memref<!tpu.dma_semaphore, #tpu.memory_space<semaphore_mem>>) src(%arg13 : memref<80xf32, #tpu.memory_space<vmem>>) dst(%dma_wait3A_66 : memref<80xf32, #tpu.memory_space<hbm>>)
    %parallel_loop3A = arith.constant 0 : i32
    %parallel_loop3A_67 = arith.constant 80 : i32
    %parallel_loop3A_68 = arith.constant 1 : i32
    scf.for %parallel_loop3A_241 = %parallel_loop3A to %parallel_loop3A_67 step %parallel_loop3A_68  : i32 {
      %parallel_loop3A_242 = arith.constant 0.000000e+00 : bf16
      %parallel_loop3A_243 = vector.broadcast %parallel_loop3A_242 : bf16 to vector<32xbf16>
      %parallel_loop3A_244 = arith.index_cast %parallel_loop3A_241 : i32 to index
      %parallel_loop3A_245 = arith.constant 0 : index
      %parallel_loop3A_246 = tpu.vector_load %arg7[%parallel_loop3A_244, %parallel_loop3A_245] {strides = array<i32>} : memref<80x64xi32, #tpu.memory_space<vmem>>, vector<16xi32>,
      %parallel_loop3A_247 = vector.bitcast %parallel_loop3A_246 : vector<16xi32> to vector<32xbf16>
      %parallel_loop3A_248 = arith.index_cast %parallel_loop3A_241 : i32 to index
      %parallel_loop3A_249 = arith.constant 0 : index
      %parallel_loop3A_250 = tpu.vector_load %arg8[%parallel_loop3A_248, %parallel_loop3A_249] {strides = array<i32>} : memref<80x64xi32, #tpu.memory_space<vmem>>, vector<16xi32>,
      %parallel_loop3A_251 = vector.bitcast %parallel_loop3A_250 : vector<16xi32> to vector<32xbf16>
      %parallel_loop3A_252 = arith.subf %parallel_loop3A_247, %parallel_loop3A_251 : vector<32xbf16>
      %parallel_loop3A_253 = arith.mulf %parallel_loop3A_252, %parallel_loop3A_252 : vector<32xbf16>
      %parallel_loop3A_254 = arith.addf %parallel_loop3A_243, %parallel_loop3A_253 : vector<32xbf16>
      %parallel_loop3A_255 = arith.index_cast %parallel_loop3A_241 : i32 to index
      %parallel_loop3A_256 = arith.constant 16 : index
      %parallel_loop3A_257 = tpu.vector_load %arg7[%parallel_loop3A_255, %parallel_loop3A_256] {strides = array<i32>} : memref<80x64xi32, #tpu.memory_space<vmem>>, vector<16xi32>,
      %parallel_loop3A_258 = vector.bitcast %parallel_loop3A_257 : vector<16xi32> to vector<32xbf16>
      %parallel_loop3A_259 = arith.index_cast %parallel_loop3A_241 : i32 to index
      %parallel_loop3A_260 = arith.constant 16 : index
      %parallel_loop3A_261 = tpu.vector_load %arg8[%parallel_loop3A_259, %parallel_loop3A_260] {strides = array<i32>} : memref<80x64xi32, #tpu.memory_space<vmem>>, vector<16xi32>,
      %parallel_loop3A_262 = vector.bitcast %parallel_loop3A_261 : vector<16xi32> to vector<32xbf16>
      %parallel_loop3A_263 = arith.subf %parallel_loop3A_258, %parallel_loop3A_262 : vector<32xbf16>
      %parallel_loop3A_264 = arith.mulf %parallel_loop3A_263, %parallel_loop3A_263 : vector<32xbf16>
      %parallel_loop3A_265 = arith.addf %parallel_loop3A_254, %parallel_loop3A_264 : vector<32xbf16>
      %parallel_loop3A_266 = arith.index_cast %parallel_loop3A_241 : i32 to index
      %parallel_loop3A_267 = arith.constant 32 : index
      %parallel_loop3A_268 = tpu.vector_load %arg7[%parallel_loop3A_266, %parallel_loop3A_267] {strides = array<i32>} : memref<80x64xi32, #tpu.memory_space<vmem>>, vector<16xi32>,
      %parallel_loop3A_269 = vector.bitcast %parallel_loop3A_268 : vector<16xi32> to vector<32xbf16>
      %parallel_loop3A_270 = arith.index_cast %parallel_loop3A_241 : i32 to index
      %parallel_loop3A_271 = arith.constant 32 : index
      %parallel_loop3A_272 = tpu.vector_load %arg8[%parallel_loop3A_270, %parallel_loop3A_271] {strides = array<i32>} : memref<80x64xi32, #tpu.memory_space<vmem>>, vector<16xi32>,
      %parallel_loop3A_273 = vector.bitcast %parallel_loop3A_272 : vector<16xi32> to vector<32xbf16>
      %parallel_loop3A_274 = arith.subf %parallel_loop3A_269, %parallel_loop3A_273 : vector<32xbf16>
      %parallel_loop3A_275 = arith.mulf %parallel_loop3A_274, %parallel_loop3A_274 : vector<32xbf16>
      %parallel_loop3A_276 = arith.addf %parallel_loop3A_265, %parallel_loop3A_275 : vector<32xbf16>
      %parallel_loop3A_277 = arith.index_cast %parallel_loop3A_241 : i32 to index
      %parallel_loop3A_278 = arith.constant 48 : index
      %parallel_loop3A_279 = tpu.vector_load %arg7[%parallel_loop3A_277, %parallel_loop3A_278] {strides = array<i32>} : memref<80x64xi32, #tpu.memory_space<vmem>>, vector<16xi32>,
      %parallel_loop3A_280 = vector.bitcast %parallel_loop3A_279 : vector<16xi32> to vector<32xbf16>
      %parallel_loop3A_281 = arith.index_cast %parallel_loop3A_241 : i32 to index
      %parallel_loop3A_282 = arith.constant 48 : index
      %parallel_loop3A_283 = tpu.vector_load %arg8[%parallel_loop3A_281, %parallel_loop3A_282] {strides = array<i32>} : memref<80x64xi32, #tpu.memory_space<vmem>>, vector<16xi32>,
      %parallel_loop3A_284 = vector.bitcast %parallel_loop3A_283 : vector<16xi32> to vector<32xbf16>
      %parallel_loop3A_285 = arith.subf %parallel_loop3A_280, %parallel_loop3A_284 : vector<32xbf16>
      %parallel_loop3A_286 = arith.mulf %parallel_loop3A_285, %parallel_loop3A_285 : vector<32xbf16>
      %parallel_loop3A_287 = arith.addf %parallel_loop3A_276, %parallel_loop3A_286 : vector<32xbf16>
      %parallel_loop3A_288 = tpu.unpack_subelements %parallel_loop3A_287, 0 {pack_format = #tpu.pack_format<interleaved>} : vector<32xbf16> -> vector<16xf32>
      %parallel_loop3A_289 = tpu.unpack_subelements %parallel_loop3A_287, 1 {pack_format = #tpu.pack_format<interleaved>} : vector<32xbf16> -> vector<16xf32>
      %parallel_loop3A_290 = arith.addf %parallel_loop3A_288, %parallel_loop3A_289 : vector<16xf32>
      %parallel_loop3A_291 = arith.constant true
      %parallel_loop3A_292 = vector.broadcast %parallel_loop3A_291 : i1 to vector<16xi1>
      %parallel_loop3A_293 = tpu.scan <sum>, %parallel_loop3A_290 masked %parallel_loop3A_292 : vector<16xf32>, vector<16xi1> -> vector<16xf32>
      %parallel_loop3A_294 = vector.broadcast %parallel_loop3A_241 : i32 to vector<16xi32>
      tpu.vector_store_idx %arg13[%parallel_loop3A_294], %parallel_loop3A_293 masked %eq3A_16 : memref<80xf32, #tpu.memory_space<vmem>>[vector<16xi32>], vector<16xf32>, vector<16xi1>
    } {sc.loop_unroll_factor = 8 : i64, sc.parallel_access}
    %get3A = arith.constant 0 : index
    %get3A_69 = tpu.vector_load %arg13[%get3A] {strides = array<i32>} : memref<80xf32, #tpu.memory_space<vmem>>, vector<16xf32>,
    %sub3A = arith.constant 1.000000e+00 : f32
    %sub3A_70 = vector.broadcast %sub3A : f32 to vector<16xf32>
    %sub3A_71 = arith.subf %get3A_69, %sub3A_70 : vector<16xf32>
    %exp3A = math.exp %sub3A_71 : vector<16xf32>
    %add3A_72 = arith.constant 1.000000e+00 : f32
    %add3A_73 = vector.broadcast %add3A_72 : f32 to vector<16xf32>
    %add3A_74 = arith.addf %add3A_73, %exp3A : vector<16xf32>
    %div3A = arith.constant 1.000000e+00 : f32
    %div3A_75 = vector.broadcast %div3A : f32 to vector<16xf32>
    %div3A_76 = arith.divf %div3A_75, %add3A_74 : vector<16xf32>
    %swap3A = arith.constant 0 : index
    %swap3A_77 = tpu.vector_load %arg13[%swap3A] {strides = array<i32>} : memref<80xf32, #tpu.memory_space<vmem>>, vector<16xf32>,
    tpu.vector_store %arg13[%swap3A], %div3A_76 {strides = array<i32>} : memref<80xf32, #tpu.memory_space<vmem>>, vector<16xf32>,
    %get3A_78 = arith.constant 16 : index
    %get3A_79 = tpu.vector_load %arg13[%get3A_78] {strides = array<i32>} : memref<80xf32, #tpu.memory_space<vmem>>, vector<16xf32>,
    %sub3A_80 = arith.constant 1.000000e+00 : f32
    %sub3A_81 = vector.broadcast %sub3A_80 : f32 to vector<16xf32>
    %sub3A_82 = arith.subf %get3A_79, %sub3A_81 : vector<16xf32>
    %exp3A_83 = math.exp %sub3A_82 : vector<16xf32>
    %add3A_84 = arith.constant 1.000000e+00 : f32
    %add3A_85 = vector.broadcast %add3A_84 : f32 to vector<16xf32>
    %add3A_86 = arith.addf %add3A_85, %exp3A_83 : vector<16xf32>
    %div3A_87 = arith.constant 1.000000e+00 : f32
    %div3A_88 = vector.broadcast %div3A_87 : f32 to vector<16xf32>
    %div3A_89 = arith.divf %div3A_88, %add3A_86 : vector<16xf32>
    %swap3A_90 = arith.constant 16 : index
    %swap3A_91 = tpu.vector_load %arg13[%swap3A_90] {strides = array<i32>} : memref<80xf32, #tpu.memory_space<vmem>>, vector<16xf32>,
    tpu.vector_store %arg13[%swap3A_90], %div3A_89 {strides = array<i32>} : memref<80xf32, #tpu.memory_space<vmem>>, vector<16xf32>,
    %get3A_92 = arith.constant 32 : index
    %get3A_93 = tpu.vector_load %arg13[%get3A_92] {strides = array<i32>} : memref<80xf32, #tpu.memory_space<vmem>>, vector<16xf32>,
    %sub3A_94 = arith.constant 1.000000e+00 : f32
    %sub3A_95 = vector.broadcast %sub3A_94 : f32 to vector<16xf32>
    %sub3A_96 = arith.subf %get3A_93, %sub3A_95 : vector<16xf32>
    %exp3A_97 = math.exp %sub3A_96 : vector<16xf32>
    %add3A_98 = arith.constant 1.000000e+00 : f32
    %add3A_99 = vector.broadcast %add3A_98 : f32 to vector<16xf32>
    %add3A_100 = arith.addf %add3A_99, %exp3A_97 : vector<16xf32>
    %div3A_101 = arith.constant 1.000000e+00 : f32
    %div3A_102 = vector.broadcast %div3A_101 : f32 to vector<16xf32>
    %div3A_103 = arith.divf %div3A_102, %add3A_100 : vector<16xf32>
    %swap3A_104 = arith.constant 32 : index
    %swap3A_105 = tpu.vector_load %arg13[%swap3A_104] {strides = array<i32>} : memref<80xf32, #tpu.memory_space<vmem>>, vector<16xf32>,
    tpu.vector_store %arg13[%swap3A_104], %div3A_103 {strides = array<i32>} : memref<80xf32, #tpu.memory_space<vmem>>, vector<16xf32>,
    %get3A_106 = arith.constant 48 : index
    %get3A_107 = tpu.vector_load %arg13[%get3A_106] {strides = array<i32>} : memref<80xf32, #tpu.memory_space<vmem>>, vector<16xf32>,
    %sub3A_108 = arith.constant 1.000000e+00 : f32
    %sub3A_109 = vector.broadcast %sub3A_108 : f32 to vector<16xf32>
    %sub3A_110 = arith.subf %get3A_107, %sub3A_109 : vector<16xf32>
    %exp3A_111 = math.exp %sub3A_110 : vector<16xf32>
    %add3A_112 = arith.constant 1.000000e+00 : f32
    %add3A_113 = vector.broadcast %add3A_112 : f32 to vector<16xf32>
    %add3A_114 = arith.addf %add3A_113, %exp3A_111 : vector<16xf32>
    %div3A_115 = arith.constant 1.000000e+00 : f32
    %div3A_116 = vector.broadcast %div3A_115 : f32 to vector<16xf32>
    %div3A_117 = arith.divf %div3A_116, %add3A_114 : vector<16xf32>
    %swap3A_118 = arith.constant 48 : index
    %swap3A_119 = tpu.vector_load %arg13[%swap3A_118] {strides = array<i32>} : memref<80xf32, #tpu.memory_space<vmem>>, vector<16xf32>,
    tpu.vector_store %arg13[%swap3A_118], %div3A_117 {strides = array<i32>} : memref<80xf32, #tpu.memory_space<vmem>>, vector<16xf32>,
    %get3A_120 = arith.constant 64 : index
    %get3A_121 = tpu.vector_load %arg13[%get3A_120] {strides = array<i32>} : memref<80xf32, #tpu.memory_space<vmem>>, vector<16xf32>,
    %sub3A_122 = arith.constant 1.000000e+00 : f32
    %sub3A_123 = vector.broadcast %sub3A_122 : f32 to vector<16xf32>
    %sub3A_124 = arith.subf %get3A_121, %sub3A_123 : vector<16xf32>
    %exp3A_125 = math.exp %sub3A_124 : vector<16xf32>
    %add3A_126 = arith.constant 1.000000e+00 : f32
    %add3A_127 = vector.broadcast %add3A_126 : f32 to vector<16xf32>
    %add3A_128 = arith.addf %add3A_127, %exp3A_125 : vector<16xf32>
    %div3A_129 = arith.constant 1.000000e+00 : f32
    %div3A_130 = vector.broadcast %div3A_129 : f32 to vector<16xf32>
    %div3A_131 = arith.divf %div3A_130, %add3A_128 : vector<16xf32>
    %swap3A_132 = arith.constant 64 : index
    %swap3A_133 = tpu.vector_load %arg13[%swap3A_132] {strides = array<i32>} : memref<80xf32, #tpu.memory_space<vmem>>, vector<16xf32>,
    tpu.vector_store %arg13[%swap3A_132], %div3A_131 {strides = array<i32>} : memref<80xf32, #tpu.memory_space<vmem>>, vector<16xf32>,
    %add3A_134 = arith.constant 9840 : i32
    %add3A_135 = arith.addi %mul3A_2, %add3A_134 : i32
    %dma_start3A_136 = tpu.memref_slice %arg4[%add3A_135] : memref<320000xf32, #tpu.memory_space<hbm>> -> memref<80xf32, #tpu.memory_space<hbm>>
    %dma_start3A_137 = tpu.memref_slice %arg4[%add3A_135] : memref<320000xf32, #tpu.memory_space<hbm>> -> memref<80xf32, #tpu.memory_space<hbm>>
    tpu.enqueue_dma source(%arg13 : memref<80xf32, #tpu.memory_space<vmem>>) target(%dma_start3A_137 : memref<80xf32, #tpu.memory_space<hbm>>) target_semaphore(%arg21 : memref<!tpu.dma_semaphore, #tpu.memory_space<semaphore_mem>>)
    %dma_wait3A_138 = arith.constant 0 : i32
    %dma_wait3A_139 = tpu.memref_slice %arg5[%dma_wait3A_138] : memref<10000xi32, #tpu.memory_space<vmem>> -> memref<80xi32, #tpu.memory_space<vmem>>
    %dma_wait3A_140 = arith.constant 0 : i32
    %dma_wait3A_141 = arith.constant 0 : i32
    %dma_wait3A_142 = tpu.memref_slice %arg16[%dma_wait3A_140, %dma_wait3A_141] : memref<10000x64xi32, #tpu.memory_space<vmem_shared>> -> memref<10000x64xi32, #tpu.memory_space<vmem_shared>>
    tpu.wait_indirect_dma semaphore(%arg19 : memref<!tpu.dma_semaphore, #tpu.memory_space<semaphore_mem>>) src(%dma_wait3A_142 : memref<10000x64xi32, #tpu.memory_space<vmem_shared>>) dst(%arg9 : memref<80x64xi32, #tpu.memory_space<vmem>>)
    %dma_wait3A_143 = arith.constant 0 : i32
    %dma_wait3A_144 = tpu.memref_slice %arg6[%dma_wait3A_143] : memref<10000xi32, #tpu.memory_space<vmem>> -> memref<80xi32, #tpu.memory_space<vmem>>
    %dma_wait3A_145 = arith.constant 0 : i32
    %dma_wait3A_146 = arith.constant 0 : i32
    %dma_wait3A_147 = tpu.memref_slice %arg16[%dma_wait3A_145, %dma_wait3A_146] : memref<10000x64xi32, #tpu.memory_space<vmem_shared>> -> memref<10000x64xi32, #tpu.memory_space<vmem_shared>>
    tpu.wait_indirect_dma semaphore(%arg19 : memref<!tpu.dma_semaphore, #tpu.memory_space<semaphore_mem>>) src(%dma_wait3A_147 : memref<10000x64xi32, #tpu.memory_space<vmem_shared>>) dst(%arg10 : memref<80x64xi32, #tpu.memory_space<vmem>>)
    %dma_wait3A_148 = arith.constant 0 : i32
    %dma_wait3A_149 = tpu.memref_slice %arg4[%dma_wait3A_148] : memref<320000xf32, #tpu.memory_space<hbm>> -> memref<80xf32, #tpu.memory_space<hbm>>
    %dma_wait3A_150 = arith.constant 0 : i32
    %dma_wait3A_151 = tpu.memref_slice %arg4[%dma_wait3A_150] : memref<320000xf32, #tpu.memory_space<hbm>> -> memref<80xf32, #tpu.memory_space<hbm>>
    tpu.wait_dma2 semaphore(%arg22 : memref<!tpu.dma_semaphore, #tpu.memory_space<semaphore_mem>>) src(%arg14 : memref<80xf32, #tpu.memory_space<vmem>>) dst(%dma_wait3A_151 : memref<80xf32, #tpu.memory_space<hbm>>)
    %parallel_loop3A_152 = arith.constant 0 : i32
    %parallel_loop3A_153 = arith.constant 80 : i32
    %parallel_loop3A_154 = arith.constant 1 : i32
    scf.for %parallel_loop3A_241 = %parallel_loop3A_152 to %parallel_loop3A_153 step %parallel_loop3A_154  : i32 {
      %parallel_loop3A_242 = arith.constant 0.000000e+00 : bf16
      %parallel_loop3A_243 = vector.broadcast %parallel_loop3A_242 : bf16 to vector<32xbf16>
      %parallel_loop3A_244 = arith.index_cast %parallel_loop3A_241 : i32 to index
      %parallel_loop3A_245 = arith.constant 0 : index
      %parallel_loop3A_246 = tpu.vector_load %arg9[%parallel_loop3A_244, %parallel_loop3A_245] {strides = array<i32>} : memref<80x64xi32, #tpu.memory_space<vmem>>, vector<16xi32>,
      %parallel_loop3A_247 = vector.bitcast %parallel_loop3A_246 : vector<16xi32> to vector<32xbf16>
      %parallel_loop3A_248 = arith.index_cast %parallel_loop3A_241 : i32 to index
      %parallel_loop3A_249 = arith.constant 0 : index
      %parallel_loop3A_250 = tpu.vector_load %arg10[%parallel_loop3A_248, %parallel_loop3A_249] {strides = array<i32>} : memref<80x64xi32, #tpu.memory_space<vmem>>, vector<16xi32>,
      %parallel_loop3A_251 = vector.bitcast %parallel_loop3A_250 : vector<16xi32> to vector<32xbf16>
      %parallel_loop3A_252 = arith.subf %parallel_loop3A_247, %parallel_loop3A_251 : vector<32xbf16>
      %parallel_loop3A_253 = arith.mulf %parallel_loop3A_252, %parallel_loop3A_252 : vector<32xbf16>
      %parallel_loop3A_254 = arith.addf %parallel_loop3A_243, %parallel_loop3A_253 : vector<32xbf16>
      %parallel_loop3A_255 = arith.index_cast %parallel_loop3A_241 : i32 to index
      %parallel_loop3A_256 = arith.constant 16 : index
      %parallel_loop3A_257 = tpu.vector_load %arg9[%parallel_loop3A_255, %parallel_loop3A_256] {strides = array<i32>} : memref<80x64xi32, #tpu.memory_space<vmem>>, vector<16xi32>,
      %parallel_loop3A_258 = vector.bitcast %parallel_loop3A_257 : vector<16xi32> to vector<32xbf16>
      %parallel_loop3A_259 = arith.index_cast %parallel_loop3A_241 : i32 to index
      %parallel_loop3A_260 = arith.constant 16 : index
      %parallel_loop3A_261 = tpu.vector_load %arg10[%parallel_loop3A_259, %parallel_loop3A_260] {strides = array<i32>} : memref<80x64xi32, #tpu.memory_space<vmem>>, vector<16xi32>,
      %parallel_loop3A_262 = vector.bitcast %parallel_loop3A_261 : vector<16xi32> to vector<32xbf16>
      %parallel_loop3A_263 = arith.subf %parallel_loop3A_258, %parallel_loop3A_262 : vector<32xbf16>
      %parallel_loop3A_264 = arith.mulf %parallel_loop3A_263, %parallel_loop3A_263 : vector<32xbf16>
      %parallel_loop3A_265 = arith.addf %parallel_loop3A_254, %parallel_loop3A_264 : vector<32xbf16>
      %parallel_loop3A_266 = arith.index_cast %parallel_loop3A_241 : i32 to index
      %parallel_loop3A_267 = arith.constant 32 : index
      %parallel_loop3A_268 = tpu.vector_load %arg9[%parallel_loop3A_266, %parallel_loop3A_267] {strides = array<i32>} : memref<80x64xi32, #tpu.memory_space<vmem>>, vector<16xi32>,
      %parallel_loop3A_269 = vector.bitcast %parallel_loop3A_268 : vector<16xi32> to vector<32xbf16>
      %parallel_loop3A_270 = arith.index_cast %parallel_loop3A_241 : i32 to index
      %parallel_loop3A_271 = arith.constant 32 : index
      %parallel_loop3A_272 = tpu.vector_load %arg10[%parallel_loop3A_270, %parallel_loop3A_271] {strides = array<i32>} : memref<80x64xi32, #tpu.memory_space<vmem>>, vector<16xi32>,
      %parallel_loop3A_273 = vector.bitcast %parallel_loop3A_272 : vector<16xi32> to vector<32xbf16>
      %parallel_loop3A_274 = arith.subf %parallel_loop3A_269, %parallel_loop3A_273 : vector<32xbf16>
      %parallel_loop3A_275 = arith.mulf %parallel_loop3A_274, %parallel_loop3A_274 : vector<32xbf16>
      %parallel_loop3A_276 = arith.addf %parallel_loop3A_265, %parallel_loop3A_275 : vector<32xbf16>
      %parallel_loop3A_277 = arith.index_cast %parallel_loop3A_241 : i32 to index
      %parallel_loop3A_278 = arith.constant 48 : index
      %parallel_loop3A_279 = tpu.vector_load %arg9[%parallel_loop3A_277, %parallel_loop3A_278] {strides = array<i32>} : memref<80x64xi32, #tpu.memory_space<vmem>>, vector<16xi32>,
      %parallel_loop3A_280 = vector.bitcast %parallel_loop3A_279 : vector<16xi32> to vector<32xbf16>
      %parallel_loop3A_281 = arith.index_cast %parallel_loop3A_241 : i32 to index
      %parallel_loop3A_282 = arith.constant 48 : index
      %parallel_loop3A_283 = tpu.vector_load %arg10[%parallel_loop3A_281, %parallel_loop3A_282] {strides = array<i32>} : memref<80x64xi32, #tpu.memory_space<vmem>>, vector<16xi32>,
      %parallel_loop3A_284 = vector.bitcast %parallel_loop3A_283 : vector<16xi32> to vector<32xbf16>
      %parallel_loop3A_285 = arith.subf %parallel_loop3A_280, %parallel_loop3A_284 : vector<32xbf16>
      %parallel_loop3A_286 = arith.mulf %parallel_loop3A_285, %parallel_loop3A_285 : vector<32xbf16>
      %parallel_loop3A_287 = arith.addf %parallel_loop3A_276, %parallel_loop3A_286 : vector<32xbf16>
      %parallel_loop3A_288 = tpu.unpack_subelements %parallel_loop3A_287, 0 {pack_format = #tpu.pack_format<interleaved>} : vector<32xbf16> -> vector<16xf32>
      %parallel_loop3A_289 = tpu.unpack_subelements %parallel_loop3A_287, 1 {pack_format = #tpu.pack_format<interleaved>} : vector<32xbf16> -> vector<16xf32>
      %parallel_loop3A_290 = arith.addf %parallel_loop3A_288, %parallel_loop3A_289 : vector<16xf32>
      %parallel_loop3A_291 = arith.constant true
      %parallel_loop3A_292 = vector.broadcast %parallel_loop3A_291 : i1 to vector<16xi1>
      %parallel_loop3A_293 = tpu.scan <sum>, %parallel_loop3A_290 masked %parallel_loop3A_292 : vector<16xf32>, vector<16xi1> -> vector<16xf32>
      %parallel_loop3A_294 = vector.broadcast %parallel_loop3A_241 : i32 to vector<16xi32>
      tpu.vector_store_idx %arg14[%parallel_loop3A_294], %parallel_loop3A_293 masked %eq3A_16 : memref<80xf32, #tpu.memory_space<vmem>>[vector<16xi32>], vector<16xf32>, vector<16xi1>
    } {sc.loop_unroll_factor = 8 : i64, sc.parallel_access}
    %get3A_155 = arith.constant 0 : index
    %get3A_156 = tpu.vector_load %arg14[%get3A_155] {strides = array<i32>} : memref<80xf32, #tpu.memory_space<vmem>>, vector<16xf32>,
    %sub3A_157 = arith.constant 1.000000e+00 : f32
    %sub3A_158 = vector.broadcast %sub3A_157 : f32 to vector<16xf32>
    %sub3A_159 = arith.subf %get3A_156, %sub3A_158 : vector<16xf32>
    %exp3A_160 = math.exp %sub3A_159 : vector<16xf32>
    %add3A_161 = arith.constant 1.000000e+00 : f32
    %add3A_162 = vector.broadcast %add3A_161 : f32 to vector<16xf32>
    %add3A_163 = arith.addf %add3A_162, %exp3A_160 : vector<16xf32>
    %div3A_164 = arith.constant 1.000000e+00 : f32
    %div3A_165 = vector.broadcast %div3A_164 : f32 to vector<16xf32>
    %div3A_166 = arith.divf %div3A_165, %add3A_163 : vector<16xf32>
    %swap3A_167 = arith.constant 0 : index
    %swap3A_168 = tpu.vector_load %arg14[%swap3A_167] {strides = array<i32>} : memref<80xf32, #tpu.memory_space<vmem>>, vector<16xf32>,
    tpu.vector_store %arg14[%swap3A_167], %div3A_166 {strides = array<i32>} : memref<80xf32, #tpu.memory_space<vmem>>, vector<16xf32>,
    %get3A_169 = arith.constant 16 : index
    %get3A_170 = tpu.vector_load %arg14[%get3A_169] {strides = array<i32>} : memref<80xf32, #tpu.memory_space<vmem>>, vector<16xf32>,
    %sub3A_171 = arith.constant 1.000000e+00 : f32
    %sub3A_172 = vector.broadcast %sub3A_171 : f32 to vector<16xf32>
    %sub3A_173 = arith.subf %get3A_170, %sub3A_172 : vector<16xf32>
    %exp3A_174 = math.exp %sub3A_173 : vector<16xf32>
    %add3A_175 = arith.constant 1.000000e+00 : f32
    %add3A_176 = vector.broadcast %add3A_175 : f32 to vector<16xf32>
    %add3A_177 = arith.addf %add3A_176, %exp3A_174 : vector<16xf32>
    %div3A_178 = arith.constant 1.000000e+00 : f32
    %div3A_179 = vector.broadcast %div3A_178 : f32 to vector<16xf32>
    %div3A_180 = arith.divf %div3A_179, %add3A_177 : vector<16xf32>
    %swap3A_181 = arith.constant 16 : index
    %swap3A_182 = tpu.vector_load %arg14[%swap3A_181] {strides = array<i32>} : memref<80xf32, #tpu.memory_space<vmem>>, vector<16xf32>,
    tpu.vector_store %arg14[%swap3A_181], %div3A_180 {strides = array<i32>} : memref<80xf32, #tpu.memory_space<vmem>>, vector<16xf32>,
    %get3A_183 = arith.constant 32 : index
    %get3A_184 = tpu.vector_load %arg14[%get3A_183] {strides = array<i32>} : memref<80xf32, #tpu.memory_space<vmem>>, vector<16xf32>,
    %sub3A_185 = arith.constant 1.000000e+00 : f32
    %sub3A_186 = vector.broadcast %sub3A_185 : f32 to vector<16xf32>
    %sub3A_187 = arith.subf %get3A_184, %sub3A_186 : vector<16xf32>
    %exp3A_188 = math.exp %sub3A_187 : vector<16xf32>
    %add3A_189 = arith.constant 1.000000e+00 : f32
    %add3A_190 = vector.broadcast %add3A_189 : f32 to vector<16xf32>
    %add3A_191 = arith.addf %add3A_190, %exp3A_188 : vector<16xf32>
    %div3A_192 = arith.constant 1.000000e+00 : f32
    %div3A_193 = vector.broadcast %div3A_192 : f32 to vector<16xf32>
    %div3A_194 = arith.divf %div3A_193, %add3A_191 : vector<16xf32>
    %swap3A_195 = arith.constant 32 : index
    %swap3A_196 = tpu.vector_load %arg14[%swap3A_195] {strides = array<i32>} : memref<80xf32, #tpu.memory_space<vmem>>, vector<16xf32>,
    tpu.vector_store %arg14[%swap3A_195], %div3A_194 {strides = array<i32>} : memref<80xf32, #tpu.memory_space<vmem>>, vector<16xf32>,
    %get3A_197 = arith.constant 48 : index
    %get3A_198 = tpu.vector_load %arg14[%get3A_197] {strides = array<i32>} : memref<80xf32, #tpu.memory_space<vmem>>, vector<16xf32>,
    %sub3A_199 = arith.constant 1.000000e+00 : f32
    %sub3A_200 = vector.broadcast %sub3A_199 : f32 to vector<16xf32>
    %sub3A_201 = arith.subf %get3A_198, %sub3A_200 : vector<16xf32>
    %exp3A_202 = math.exp %sub3A_201 : vector<16xf32>
    %add3A_203 = arith.constant 1.000000e+00 : f32
    %add3A_204 = vector.broadcast %add3A_203 : f32 to vector<16xf32>
    %add3A_205 = arith.addf %add3A_204, %exp3A_202 : vector<16xf32>
    %div3A_206 = arith.constant 1.000000e+00 : f32
    %div3A_207 = vector.broadcast %div3A_206 : f32 to vector<16xf32>
    %div3A_208 = arith.divf %div3A_207, %add3A_205 : vector<16xf32>
    %swap3A_209 = arith.constant 48 : index
    %swap3A_210 = tpu.vector_load %arg14[%swap3A_209] {strides = array<i32>} : memref<80xf32, #tpu.memory_space<vmem>>, vector<16xf32>,
    tpu.vector_store %arg14[%swap3A_209], %div3A_208 {strides = array<i32>} : memref<80xf32, #tpu.memory_space<vmem>>, vector<16xf32>,
    %get3A_211 = arith.constant 64 : index
    %get3A_212 = tpu.vector_load %arg14[%get3A_211] {strides = array<i32>} : memref<80xf32, #tpu.memory_space<vmem>>, vector<16xf32>,
    %sub3A_213 = arith.constant 1.000000e+00 : f32
    %sub3A_214 = vector.broadcast %sub3A_213 : f32 to vector<16xf32>
    %sub3A_215 = arith.subf %get3A_212, %sub3A_214 : vector<16xf32>
    %exp3A_216 = math.exp %sub3A_215 : vector<16xf32>
    %add3A_217 = arith.constant 1.000000e+00 : f32
    %add3A_218 = vector.broadcast %add3A_217 : f32 to vector<16xf32>
    %add3A_219 = arith.addf %add3A_218, %exp3A_216 : vector<16xf32>
    %div3A_220 = arith.constant 1.000000e+00 : f32
    %div3A_221 = vector.broadcast %div3A_220 : f32 to vector<16xf32>
    %div3A_222 = arith.divf %div3A_221, %add3A_219 : vector<16xf32>
    %swap3A_223 = arith.constant 64 : index
    %swap3A_224 = tpu.vector_load %arg14[%swap3A_223] {strides = array<i32>} : memref<80xf32, #tpu.memory_space<vmem>>, vector<16xf32>,
    tpu.vector_store %arg14[%swap3A_223], %div3A_222 {strides = array<i32>} : memref<80xf32, #tpu.memory_space<vmem>>, vector<16xf32>,
    %add3A_225 = arith.constant 9920 : i32
    %add3A_226 = arith.addi %mul3A_2, %add3A_225 : i32
    %dma_start3A_227 = tpu.memref_slice %arg4[%add3A_226] : memref<320000xf32, #tpu.memory_space<hbm>> -> memref<80xf32, #tpu.memory_space<hbm>>
    %dma_start3A_228 = tpu.memref_slice %arg4[%add3A_226] : memref<320000xf32, #tpu.memory_space<hbm>> -> memref<80xf32, #tpu.memory_space<hbm>>
    tpu.enqueue_dma source(%arg14 : memref<80xf32, #tpu.memory_space<vmem>>) target(%dma_start3A_228 : memref<80xf32, #tpu.memory_space<hbm>>) target_semaphore(%arg22 : memref<!tpu.dma_semaphore, #tpu.memory_space<semaphore_mem>>)
    %dma_wait3A_229 = arith.constant 0 : i32
    %dma_wait3A_230 = tpu.memref_slice %arg4[%dma_wait3A_229] : memref<320000xf32, #tpu.memory_space<hbm>> -> memref<80xf32, #tpu.memory_space<hbm>>
    %dma_wait3A_231 = arith.constant 0 : i32
    %dma_wait3A_232 = tpu.memref_slice %arg4[%dma_wait3A_231] : memref<320000xf32, #tpu.memory_space<hbm>> -> memref<80xf32, #tpu.memory_space<hbm>>
    tpu.wait_dma2 semaphore(%arg21 : memref<!tpu.dma_semaphore, #tpu.memory_space<semaphore_mem>>) src(%arg13 : memref<80xf32, #tpu.memory_space<vmem>>) dst(%dma_wait3A_232 : memref<80xf32, #tpu.memory_space<hbm>>)
    %dma_wait3A_233 = arith.constant 0 : i32
    %dma_wait3A_234 = tpu.memref_slice %arg4[%dma_wait3A_233] : memref<320000xf32, #tpu.memory_space<hbm>> -> memref<80xf32, #tpu.memory_space<hbm>>
    %dma_wait3A_235 = arith.constant 0 : i32
    %dma_wait3A_236 = tpu.memref_slice %arg4[%dma_wait3A_235] : memref<320000xf32, #tpu.memory_space<hbm>> -> memref<80xf32, #tpu.memory_space<hbm>>
    tpu.wait_dma2 semaphore(%arg22 : memref<!tpu.dma_semaphore, #tpu.memory_space<semaphore_mem>>) src(%arg14 : memref<80xf32, #tpu.memory_space<vmem>>) dst(%dma_wait3A_236 : memref<80xf32, #tpu.memory_space<hbm>>)
    %dma_wait3A_237 = arith.constant 0 : i32
    %dma_wait3A_238 = tpu.memref_slice %arg4[%dma_wait3A_237] : memref<320000xf32, #tpu.memory_space<hbm>> -> memref<80xf32, #tpu.memory_space<hbm>>
    %dma_wait3A_239 = arith.constant 0 : i32
    %dma_wait3A_240 = tpu.memref_slice %arg4[%dma_wait3A_239] : memref<320000xf32, #tpu.memory_space<hbm>> -> memref<80xf32, #tpu.memory_space<hbm>>
    tpu.wait_dma2 semaphore(%arg23 : memref<!tpu.dma_semaphore, #tpu.memory_space<semaphore_mem>>) src(%arg15 : memref<80xf32, #tpu.memory_space<vmem>>) dst(%dma_wait3A_240 : memref<80xf32, #tpu.memory_space<hbm>>)
    return
  }
}

</mosaic_0001>

<sc_bundles>
// kernel: kernel.3.cloned.1.call-start
scs
__scs_entry_jumppad:
0x0: {  	(pc) =	sbr.rel $0x88, $3  }
0x1: {  	(tag) =	ssettag $0x0;
	lr =	simm.s32 $0x1  }
0x2: {  	[smem:$0x3F9F] =	sst lr;
	_ =	strace $0xD0000000  }
0x3: {  	_ = 	snop  }
0x4: {  	_ = 	snop  }
0x5: {  	_ = 	snop  }
0x6: {  	_ = 	snop  }
0x7: {  	_ = 	snop  }
__scs_overlays_trampoline_lowered:
0x8: {  	[smem:$0x3FAE] =	sst s0  }
0x9: {  	[smem:$0x3FAF] =	sst s1  }
0xa: {  	[smem:$0x3FB0] =	sst s2  }
0xb: {  	[smem:$0x3FB1] =	sst s3  }
0xc: {  	[smem:$0x3FB2] =	sst s4  }
0xd: {  	[smem:$0x3FB3] =	sst s5  }
0xe: {  	[smem:$0x3FB4] =	sst s6  }
0xf: {  	[smem:$0x3FB5] =	sst s7  }
0x10: {  	[smem:$0x3FB6] =	sst s8  }
0x11: {  	[smem:$0x3FB7] =	sst s9;
	s0 =	simm.s32 @!p0 $0x0  }
0x12: {  	s1 =	sld [smem:$0x3F9D];
	s0 =	simm.s32 @p0 $0x1  }
0x13: {  	[smem:$0x3FB8] =	sst s0;
	s0 =	simm.s32 @!p1 $0x0  }
0x14: {  	s2 =	sld [smem:$0x3F9C];
	s0 =	simm.s32 @p1 $0x1  }
0x15: {  	[smem:$0x3FB9] =	sst s0;
	s0 =	simm.s32 @!p2 $0x0  }
0x16: {  	s3 =	sld [smem:$0x3FDB];
	s0 =	simm.s32 @p2 $0x1  }
0x17: {  	s4 =	simm.s32 $0x1BF5;
	[smem:$0x3FBB] =	sst s0  }
0x18: {  	s0 =	sld [smem:$0x3F9E];
	_ =	swait.ge [sflag:s4], $0x0  }
0x19: {  	s7 =	sld [smem:$0x3F9F]  }
0x1a: {  	s8 =	sadd.s32 $0xFFFFE003, lr  }
0x1b: {  	s9 =	sadd.s32 $0xFFFFFEF7, lr;
	s5 =	simm.s32 $0xFFFFFFFF;
	p2 =	slt.u32 s8, $0xFFFFF086  }
0x1c: {  	p1 =	slt.u32 s9, $0xF7A;
	s5 =	simm.s32 @!p2 $0x0  }
0x1d: {  	s5 =	simm.s32 @p1 $0x1;
	p0 =	seq.s32 s7, s2  }
0x1e: {  	s7 =	smul.u32 @!p0 $0xF7A, s2;
	p2 =	seq.s32 @!p0 s5, $0x0  }
0x1f: {  	s9 =	smul.u32 $0xF7A, s1;
	s8 =	simm.s32 @!p0 $0x1BF5;
	p2 =	por !p2, p0  }
0x20: {  	[sflag:s8] =	ssyncset.s32 @!p0 $0xFFFFF086;
	s6 =	sadd.s32 @!p0 s3, s7;
	s7 =	simm.s32 @!p0 $0x108  }
0x21: {  	s3 =	sadd.s32 s3, s9;
	s6 =	sadd.s32 @!p0 $0x88, s6;
	s7 =	simm.s32 @p2 $0x1082  }
0x22: {  	[simem:s7], [sflag:s8] =	dma.local @!p0 [hbm:s6], $0xF7A  }
0x23: {  	s9 =	sor.u32 $0xD0000000, s2;
	s6 =	simm.s32 $0x108;
	_ =	swait.ge @!p0 [sflag:s8], $0x0  }
0x24: {  	s3 =	sadd.s32 $0x88, s3;
	s6 =	simm.s32 @!p1 $0x1082;
	[sflag:s4] =	ssyncset.s32 $0xFFFFF086  }
0x25: {  	[simem:s6], [sflag:s4] =	dma.local [hbm:s3], $0xF7A  }
0x26: {  	[smem:$0x3F9F] =	sst s1;
	(tag) =	ssettag s2;
	_ =	strace s9  }
0x27: {  	s1 =	sld [smem:$0x3FAF]  }
0x28: {  	s2 =	sld [smem:$0x3FB0]  }
0x29: {  	s4 =	sld [smem:$0x3FB2]  }
0x2a: {  	p0 =	seq.s32 s5, $0x0;
	s5 =	sld [smem:$0x3FB3]  }
0x2b: {  	s6 =	sld [smem:$0x3FB4]  }
0x2c: {  	s7 =	sld [smem:$0x3FB5]  }
0x2d: {  	s3 =	simm.s32 $0x108;
	s8 =	sld [smem:$0x3FB6]  }
0x2e: {  	s3 =	simm.s32 @!p0 $0x1082;
	s9 =	sld [smem:$0x3FB7]  }
0x2f: {  	lr =	sadd.s32 s0, s3;
	s0 =	sld [smem:$0x3FAE]  }
0x30: {  	s3 =	sld [smem:$0x3FB1]  }
0x31: {  	[smem:$0x3FBA] =	sst s10  }
0x32: {  	s10 =	sld [smem:$0x3FB8];
	_ =	sdelay $0x3  }
0x33: {  	p0 =	seq.s32 s10, $0x1;
	s10 =	sld [smem:$0x3FBA];
	_ =	sdelay $0x3  }
0x34: {  	[smem:$0x3FBA] =	sst s10  }
0x35: {  	s10 =	sld [smem:$0x3FB9];
	_ =	sdelay $0x3  }
0x36: {  	p1 =	seq.s32 s10, $0x1;
	s10 =	sld [smem:$0x3FBA];
	_ =	sdelay $0x3  }
0x37: {  	[smem:$0x3FBA] =	sst s10  }
0x38: {  	s10 =	sld [smem:$0x3FBB]  }
0x39: {  	_ = 	snop;
	(pc) =	sbr.ind lr, $3  }
0x3a: {  	_ = 	snop  }
0x3b: {  	_ = 	snop  }
0x3c: {  	p2 =	seq.s32 s10, $0x1;
	s10 =	sld [smem:$0x3FBA]  }
0x3d: {  	_ =	shalt  }
0x3e: {  	_ =	shalt  }
0x3f: {  	_ =	shalt  }
0x40: {  	_ =	shalt  }
0x41: {  	_ =	shalt  }
0x42: {  	_ =	shalt  }
0x43: {  	_ =	shalt  }
0x44: {  	_ =	shalt  }
0x45: {  	_ =	shalt  }
0x46: {  	_ =	shalt  }
0x47: {  	_ =	shalt  }
0x48: {  	_ =	shalt  }
0x49: {  	_ =	shalt  }
0x4a: {  	_ =	shalt  }
0x4b: {  	_ =	shalt  }
0x4c: {  	_ =	shalt  }
0x4d: {  	_ =	shalt  }
0x4e: {  	_ =	shalt  }
0x4f: {  	_ =	shalt  }
0x50: {  	_ =	shalt  }
0x51: {  	_ =	shalt  }
0x52: {  	_ =	shalt  }
0x53: {  	_ =	shalt  }
0x54: {  	_ =	shalt  }
0x55: {  	_ =	shalt  }
0x56: {  	_ =	shalt  }
0x57: {  	_ =	shalt  }
0x58: {  	_ =	shalt  }
0x59: {  	_ =	shalt  }
0x5a: {  	_ =	shalt  }
0x5b: {  	_ =	shalt  }
0x5c: {  	_ =	shalt  }
0x5d: {  	_ =	shalt  }
0x5e: {  	_ =	shalt  }
0x5f: {  	_ =	shalt  }
0x60: {  	_ =	shalt  }
0x61: {  	_ =	shalt  }
0x62: {  	_ =	shalt  }
0x63: {  	_ =	shalt  }
0x64: {  	_ =	shalt  }
0x65: {  	_ =	shalt  }
0x66: {  	_ =	shalt  }
0x67: {  	_ =	shalt  }
0x68: {  	_ =	shalt  }
0x69: {  	_ =	shalt  }
0x6a: {  	_ =	shalt  }
0x6b: {  	_ =	shalt  }
0x6c: {  	_ =	shalt  }
0x6d: {  	_ =	shalt  }
0x6e: {  	_ =	shalt  }
0x6f: {  	_ =	shalt  }
0x70: {  	_ =	shalt  }
0x71: {  	_ =	shalt  }
0x72: {  	_ =	shalt  }
0x73: {  	_ =	shalt  }
0x74: {  	_ =	shalt  }
0x75: {  	_ =	shalt  }
0x76: {  	_ =	shalt  }
0x77: {  	_ =	shalt  }
0x78: {  	_ =	shalt  }
0x79: {  	_ =	shalt  }
0x7a: {  	_ =	shalt  }
0x7b: {  	_ =	shalt  }
0x7c: {  	_ =	shalt  }
0x7d: {  	_ =	shalt  }
0x7e: {  	_ =	shalt  }
0x7f: {  	_ =	shalt  }
0x80: {  	_ =	shalt  }
0x81: {  	_ =	shalt  }
0x82: {  	_ =	shalt  }
0x83: {  	_ =	shalt  }
0x84: {  	_ =	shalt  }
0x85: {  	_ =	shalt  }
0x86: {  	_ =	shalt  }
0x87: {  	_ =	shalt  }
.Lfunc_end0:
.L_simem_size_0:
called_computation_lowered:
.L_overlay_start_0:
0x88: {  	s2 =	sld [smem:$0x3FD9]  }
0x89: {  	s3 =	sld [smem:$0x3FFE];
	_ =	sdelay $0x1  }
0x8a: {  	s1 =	srdreg.scid  }
0x8b: {  	s0 =	sand.u32 $0x1, s1  }
0x8c: {  	s17 =	sshll.u32 s0, $0xA;
	s2 =	sadd.s32 s3, s2  }
0x8d: {  	s2 =	sadd.s32 s2, s17  }
0x8e: {  	[smem:$0x3FC6] =	sst s2  }
0x8f: {  	_ = 	snop  }
0x90: {  	s2 =	sld [smem:$0x3FD0];
	(tm) =	ssettm $0x1  }
0x91: {  	s18 =	sld [smem:$0x3FFB];
	_ =	sdelay $0x3  }
0x92: {  	_ =	strace s18  }
0x93: {  	s3 =	sld [smem:$0x3FFC];
	_ =	sdelay $0x3  }
0x94: {  	_ =	strace s3  }
0x95: {  	s3 =	sld [smem:$0x3FFD];
	_ =	sdelay $0x3  }
0x96: {  	_ =	strace s3  }
0x97: {  	_ =	strace $0x8FFFFFFF  }
0x98: {  	s19 =	sld [smem:$0x3FDB];
	_ =	sdelay $0x1  }
0x99: {  	s4 =	simm.s32 $_scs_section_size  }
0x9a: {  	s5 =	simm.s32 $_size__tile_overlayer_lowered;
	s6 =	simm.s32 $_tile_overlayer_lowered  }
0x9b: {  	s22 =	simm.s32 $0x1BFF;
	s21 =	sshll.u32 s6, $0x1;
	s3 =	sadd.s32 s4, s19  }
0x9c: {  	s7 =	simm.s32 $0x0;
	s20 =	sshll.u32 s5, $0x1;
	s5 =	sadd.s32 s21, s3  }
0x9d: {  	[timem:s7], [sflag:s22] =	dma.local [hbm:s5], s20  }
0x9e: {  	_ =	swait.ge [sflag:s22], s20  }
0x9f: {  	s4 =	ssub.s32 $0x0, s20;
	[sflag:s22] =	ssyncset.done $0x0  }
0xa0: {  	[sflag:s22] =	ssyncadd.s32 s4;
	_ =	sdelay $0x1  }
0xa1: {  	s23 =	simm.s32 $0x1B8B  }
0xa2: {  	_ =	swait.ge [sflag:s23], $0x1  }
0xa3: {  	[sflag:s23] =	ssyncset.done $0x0  }
0xa4: {  	s25 =	simm.s32 $0x1B8E;
	s24 =	sld [smem:$0x3FFE];
	[sflag:s23] =	ssyncadd.s32 $0xFFFFFFFF  }
0xa5: {  	s26 =	simm.s32 $execute0_lowered;
	[smem:$0x3FD2] =	sst s25  }
0xa6: {  	s5 =	sshll.u32 s26, $0x1;
	_ =	strace $0x80000046;
	[dreg:$0x1] =	wrdreg $0xFFFFFFFF  }
0xa7: {  	s28 =	simm.s32 $_size_execute0_lowered;
	s3 =	sadd.s32 s3, s5;
	[dreg:$0x0] =	wrdreg $0x0  }
0xa8: {  	s5 =	sshll.u32 s28, $0x1;
	[dreg:$0x2] =	wrdreg s3  }
0xa9: {  	[dreg:$0x3] =	wrdreg s5  }
0xaa: {  	[dreg:$0x4] =	wrdreg $0xC0  }
0xab: {  	_ =	task [dreg:s7], $0x5FFFF  }
0xac: {  	[dreg:$0x1] =	wrdreg $0xFFFFFFFF  }
0xad: {  	[dreg:$0x0] =	wrdreg $0x60  }
0xae: {  	[dreg:$0x2] =	wrdreg s24  }
0xaf: {  	[dreg:$0x3] =	wrdreg s2  }
0xb0: {  	[dreg:$0x4] =	wrdreg $0xC7100  }
0xb1: {  	[dreg:$0x5] =	wrdreg $0x9  }
0xb2: {  	_ =	task.clear_ibuf [dreg:s7], $0x6FFFF;
	_ =	strace $0x90000046  }
0xb3: {  	s29 =	simm.s32 $0x9;
	_ =	strace $0x80000048  }
0xb4: {  	_ =	swait.ge [sflag:s29], $0x1  }
0xb5: {  	[sflag:s29] =	ssyncadd.s32 $0xFFFFFFFF  }
0xb6: {  	_ =	strace $0x90000048  }
0xb7: {  	_ =	sfence  }
0xb8: {  	s30 =	sld [smem:$0x0];
	_ =	sdelay $0x2  }
0xb9: {  	s31 =	sshll.u32 s1, $0xD;
	s1 =	sshrl.u32 s1, $0x2  }
0xba: {  	s3 =	sand.u32 $0x4000, s31;
	s1 =	sadd.s32 s1, s30  }
0xbb: {  	s0 =	sor.u32 s3, s0;
	s1 =	sshll.u32 s1, $0x11  }
0xbc: {  	s0 =	sor.u32 s1, s0  }
0xbd: {  	s0 =	sadd.s32 $0x8F2B, s0  }
0xbe: {  	[sflag:s0] =	ssyncadd.remote.s32 $0x1  }
0xbf: {  	_ =	sfence.sel $0xFFFF  }
0xc0: {  	[dreg:$0x0] =	wrdreg $0xFFFFFFFF;
	(pc) =	sbr.abs _section_cstart, $3  }
0xc1: {  	[dreg:$0x1] =	wrdreg $0xFFFFFFFF  }
0xc2: {  	_ =	task.clear_ibuf [dreg:s7], $0x2FFFF;
	_ =	strace $0x9FFFFFFF  }
0xc3: {  	(tm) =	ssettm $0x7FFFFFFF  }
tec
execute0_lowered:
.L_overlay_start_1:
0x0: {  	(tag) =	ssettag $0x1  }
0x1: {  	s0 =	rddreg [dreg:$0x0]  }
0x2: {  	s2 =	rddreg [dreg:$0x1]  }
0x3: {  	s3 =	rddreg [dreg:$0x2]  }
0x4: {  	s10 =	stileid.u32;
	s1 =	srdreg.scid  }
0x5: {  	s4 =	simm.s32 $0x0;
	s19 =	simm.s32 $0x50;
	s20 =	simm.s32 $0x4E20  }
0x6: {  	s21 =	simm.s32 $0x6220;
	s29 =	simm.s32 $0xB220;
	s30 =	simm.s32 $0x2  }
0x7: {  	s31 =	simm.s32 $0xC620;
	s15 =	simm.s32 $0x6;
	s1 =	sand.u32 $0x1, s1  }
0x8: {  	s5 =	sshll.u32 s10, $0x1;
	s6 =	smul.u32 $0x9C40, s10;
	[smem:$0x7FF] =	sst s4  }
0x9: {  	s23 =	sshll.u32 s10, $0x6;
	s5 =	sor.u32 s1, s5;
	_ =	strace $0x80000047  }
0xa: {  	s1 =	ssub.s32 $0x2, s1;
	s5 =	smul.u32 $0x2710, s5;
	s7 =	sshrl.u32 s6, $0x3  }
0xb: {  	s9 =	sshrl.u32 s1, $0x1;
	s6 =	sadd.s32 s6, s3;
	s7 =	sadd.s32 s7, s0  }
0xc: {  	s1 =	ssub.s32 s1, s9;
	s28 =	sshrl.u32 s6, $0x3;
	s8 =	sshrl.u32 s5, $0x3  }
0xd: {  	s7 =	sadd.s32 $0x200, s7;
	s10 =	sadd.s32 $0x50, s5;
	s11 =	sadd.s32 $0xA0, s5  }
0xe: {  	s26 =	smax.u32 s1, $0x1;
	[dreg:$0xb] =	wrdreg s28;
	s1 =	simm.s32 $0xC670  }
0xf: {  	s0 =	sadd.s32 s8, s0;
	[dreg:$0x6] =	wrdreg s7;
	s24 =	sadd.s32 s2, s8  }
0x10: {  	[dreg:$0xa] =	wrdreg s26;
	s26 =	simm.s32 $0x9E20;
	s22 =	sadd.s32 $0x13C00, s0  }
0x11: {  	s7 =	simm.s32 $0x0;
	s0 =	sadd.s32 $0x1D840, s0;
	[dreg:$0x4] =	wrdreg s22  }
0x12: {  	s25 =	sadd.s32 $0x4CE, s24;
	[dreg:$0x5] =	wrdreg s0;
	s0 =	sor.u32 $0x1C08, s23  }
0x13: {  	[dreg:$0x8] =	wrdreg s25;
	s22 =	simm.s32 $0x7620;
	s23 =	simm.s32 $0x4  }
0x14: {  	v0 =	vimm.s32 $0x0;
	vm0 =	vcmask $0x300;
	s25 =	simm.s32 $0xC6C0;
	[dreg:$0x7] =	wrdreg s0;
	s0 =	sadd.s32 $0x4D8, s24  }
0x15: {  	v0 =	vsel vm0, $0x3, v0;
	vm0 =	vcmask $0x3F3C;
	s24 =	simm.s32 $0x8A20;
	[dreg:$0x9] =	wrdreg s0;
	s0 =	simm.s32 $0x3  }
.LBB2_1:
0x16: {  	s6 =	rddreg [dreg:$0x4]  }
0x17: {  	s12 =	rddreg [dreg:$0x5]  }
0x18: {  	s13 =	rddreg [dreg:$0x6]  }
0x19: {  	[tilespmem:s4], [sflag:$0x1] =	stream.linear.gather [hbm4b:s6+s4], $0x2710, $0x38;
	[tilespmem:$0x16350] =	vst v63  }
0x1a: {  	s9 =	simm.s32 $0x2710;
	s8 =	rddreg [dreg:$0x7]  }
0x1b: {  	[tilespmem:s9], [sflag:$0x1] =	stream.linear.gather [hbm4b:s12+s4], $0x2710, $0x38;
	[tilespmem:$0x16350] =	vst v63  }
0x1c: {  	s14 =	simm.s32 $0x8;
	s12 =	rddreg [dreg:$0xb]  }
0x1d: {  	[spmem:s12], [sflag:s8] =	dma.local [hbm:s13], $0x1388  }
0x1e: {  	_ =	swait.ge [sflag:s14], $0x1388  }
0x1f: {  	[sflag:s14] =	ssyncset.done $0x0  }
0x20: {  	[sflag:s14] =	ssyncadd.s32 $0xFFFFEC78  }
0x21: {  	s16 =	simm.s32 $0x1;
	[bflag:$0x0] =	sbarrier.arrive $0xFFFF  }
0x22: {  	_ =	swait.ge [sflag:s16], $0x2710  }
0x23: {  	[sflag:s16] =	ssyncset.done $0x0  }
0x24: {  	[sflag:s16] =	ssyncadd.s32 $0xFFFFD8F0  }
0x25: {  	_ =	swait.ge [sflag:s16], $0x2710  }
0x26: {  	[sflag:s16] =	ssyncset.done $0x0  }
0x27: {  	[sflag:s16] =	ssyncadd.s32 $0xFFFFD8F0  }
0x28: {  	[tilespmem:s20], [sflag:$0x2] =	stream.indirect.gather [spmem:s3], $0x40, s4, s19, $0xb8;
	[tilespmem:$0x16350] =	vst v63  }
0x29: {  	_ = 	snop  }
0x2a: {  	[tilespmem:s21], [sflag:$0x2] =	stream.indirect.gather [spmem:s3], $0x40, s9, s19, $0xb8;
	[tilespmem:$0x16350] =	vst v63  }
0x2b: {  	_ = 	snop  }
0x2c: {  	[tilespmem:s22], [sflag:$0x3] =	stream.indirect.gather [spmem:s3], $0x40, s19, s19, $0xb8;
	[tilespmem:$0x16350] =	vst v63  }
0x2d: {  	s17 =	simm.s32 $0x2760  }
0x2e: {  	[tilespmem:s24], [sflag:$0x3] =	stream.indirect.gather [spmem:s3], $0x40, s17, s19, $0xb8;
	[tilespmem:$0x16350] =	vst v63  }
0x2f: {  	s18 =	simm.s32 $0xA0  }
0x30: {  	[tilespmem:s26], [sflag:$0x4] =	stream.indirect.gather [spmem:s3], $0x40, s18, s19, $0xb8;
	[tilespmem:$0x16350] =	vst v63  }
0x31: {  	s28 =	simm.s32 $0x27B0;
	s8 =	simm.s32 $0x0  }
0x32: {  	[tilespmem:s29], [sflag:$0x4] =	stream.indirect.gather [spmem:s3], $0x40, s28, s19, $0xb8;
	[tilespmem:$0x16350] =	vst v63  }
.LBB2_2:
0x33: {  	_ =	swait.ge [sflag:s30], $0x1400  }
0x34: {  	[sflag:s30] =	ssyncset.done $0x0  }
0x35: {  	[sflag:s30] =	ssyncadd.s32 $0xFFFFEC00  }
0x36: {  	_ =	swait.ge [sflag:s30], $0x1400  }
0x37: {  	p0 =	seq.s32 s8, $0x0;
	[sflag:s30] =	ssyncset.done $0x0  }
0x38: {  	s9 =	simm.s32 @!p0 $0x5;
	[sflag:s30] =	ssyncadd.s32 $0xFFFFEC00  }
0x39: {  	_ =	swait.ge @!p0 [sflag:s9], $0x50  }
0x3a: {  	[sflag:s9] =	ssyncset.done @!p0 $0x0  }
0x3b: {  	s12 =	simm.s32 $0x4F20;
	[sflag:s9] =	ssyncadd.s32 @!p0 $0xFFFFFFB0  }
0x3c: {  	s9 =	simm.s32 $0x6320;
	v1 =	vld [tilespmem:s12+$0xC0]  }
0x3d: {  	v2 =	vld [tilespmem:s9+$0xC0]  }
0x3e: {  	v3 =	vld [tilespmem:s12+$0xD0]  }
0x3f: {  	v4 =	vld [tilespmem:s9+$0xD0]  }
0x40: {  	v5 =	vld [tilespmem:s12+$0xE0]  }
0x41: {  	v6 =	vld [tilespmem:s9+$0xE0]  }
0x42: {  	v7 =	vld [tilespmem:s12+$0xF0]  }
0x43: {  	v8 =	vld [tilespmem:s9+$0xF0]  }
0x44: {  	v9 =	vld [tilespmem:s9+$0xFFFFFF00]  }
0x45: {  	v10 =	vld [tilespmem:s12+$0xFFFFFF10]  }
0x46: {  	v11 =	vld [tilespmem:s9+$0xFFFFFF10]  }
0x47: {  	v12 =	vld [tilespmem:s12+$0xFFFFFF40]  }
0x48: {  	v13 =	vld [tilespmem:s9+$0xFFFFFF40]  }
0x49: {  	v14 =	vld [tilespmem:s12+$0xFFFFFF50]  }
0x4a: {  	v15 =	vld [tilespmem:s9+$0xFFFFFF50]  }
0x4b: {  	v16 =	vld [tilespmem:s12+$0xFFFFFF80]  }
0x4c: {  	v17 =	vld [tilespmem:s9+$0xFFFFFF80]  }
0x4d: {  	v18 =	vld [tilespmem:s12+$0xFFFFFF90]  }
0x4e: {  	v19 =	vld [tilespmem:s9+$0xFFFFFF90]  }
0x4f: {  	v20 =	vld [tilespmem:s12+$0xFFFFFFC0]  }
0x50: {  	v21 =	vld [tilespmem:s9+$0xFFFFFFC0]  }
0x51: {  	v22 =	vld [tilespmem:s12+$0xFFFFFFD0]  }
0x52: {  	v23 =	vld [tilespmem:s9+$0xFFFFFFD0]  }
0x53: {  	v24 =	vld [tilespmem:s12+$0x0]  }
0x54: {  	v25 =	vld [tilespmem:s9+$0x0]  }
0x55: {  	v26 =	vld [tilespmem:s9+$0x40]  }
0x56: {  	v27 =	vld [tilespmem:s9+$0x80]  }
0x57: {  	v1 =	vsub.bf16 v1, v2;
	v2 =	vsub.bf16 v3, v4;
	v3 =	vld [tilespmem:s12+$0x10]  }
0x58: {  	v4 =	vld [tilespmem:s9+$0x10]  }
0x59: {  	v5 =	vsub.bf16 v5, v6;
	v6 =	vld [tilespmem:s12+$0x40]  }
0x5a: {  	v10 =	vsub.bf16 v10, v11;
	v11 =	vsub.bf16 v12, v13;
	v13 =	vld [tilespmem:s9+$0x90]  }
0x5b: {  	v12 =	vsub.bf16 v14, v15;
	v14 =	vsub.bf16 v16, v17;
	v16 =	vld [tilespmem:s12+$0xFFFFFF00]  }
0x5c: {  	v15 =	vsub.bf16 v18, v19;
	v19 =	vld [tilespmem:s12+$0xFFFFFF20]  }
0x5d: {  	v18 =	vsub.bf16 v20, v21;
	v21 =	vld [tilespmem:s9+$0xFFFFFF20];
	v1 =	vmul.bf16 v1, v1;
	v2 =	vmul.bf16 v2, v2  }
0x5e: {  	v20 =	vsub.bf16 v22, v23;
	v22 =	vld [tilespmem:s12+$0xFFFFFFA0];
	v11 =	vmul.bf16 v11, v11;
	v12 =	vmul.bf16 v12, v12  }
0x5f: {  	v23 =	vld [tilespmem:s9+$0xFFFFFFE0];
	v14 =	vmul.bf16 v14, v14;
	v15 =	vmul.bf16 v15, v15  }
0x60: {  	v1 =	vadd.bf16 v2, v1;
	v2 =	vmul.bf16 v5, v5;
	v5 =	vsub.bf16 v7, v8;
	v7 =	vld [tilespmem:s12+$0x50]  }
0x61: {  	v8 =	vld [tilespmem:s9+$0x50];
	v11 =	vadd.bf16 v12, v11;
	v12 =	vmul.bf16 v18, v18;
	v18 =	vmul.bf16 v20, v20  }
0x62: {  	v20 =	vld [tilespmem:s9+$0xFFFFFF60];
	v14 =	vadd.bf16 v15, v14;
	v1 =	vadd.bf16 v2, v1;
	v2 =	vmul.bf16 v5, v5  }
0x63: {  	v15 =	vsub.bf16 v24, v25;
	v3 =	vsub.bf16 v3, v4;
	v5 =	vld [tilespmem:s12+$0x80]  }
0x64: {  	v6 =	vsub.bf16 v6, v26;
	v1 =	vadd.bf16 v2, v1;
	v2 =	vld [tilespmem:s12+$0x90]  }
0x65: {  	v10 =	vmul.bf16 v10, v10;
	v4 =	vld [tilespmem:s9+$0xFFFFFFA0];
	v9 =	vsub.bf16 v16, v9;
	v19 =	vsub.bf16 v19, v21  }
0x66: {  	s13 =	simm.s32 $0x7;
	v16 =	vld [tilespmem:s9+$0x20];
	v12 =	vadd.bf16 v18, v12;
	v17 =	vunpack.i.u.bf16.f32 v1;
	v1 =	vunpack.i.l.bf16.f32 v1  }
0x67: {  	v18 =	vmov s13;
	v15 =	vmul.bf16 v15, v15;
	v1 =	vadd.f32 v1, v17;
	v17 =	vld [tilespmem:s12+$0xFFFFFF60]  }
0x68: {  	v21 =	vld [tilespmem:s9+$0x60];
	v18 =	vshrl.u32 v18, $0x3;
	v3 =	vmul.bf16 v3, v3;
	v7 =	vsub.bf16 v7, v8  }
0x69: {  	v6 =	vmul.bf16 v6, v6;
	v8 =	vld [tilespmem:s12+$0xFFFFFFE0];
	v5 =	vsub.bf16 v5, v27;
	v2 =	vsub.bf16 v2, v13  }
0x6a: {  	v9 =	vmul.bf16 v9, v9;
	v3 =	vadd.bf16 v3, v15;
	v7 =	vmul.bf16 v7, v7;
	v13 =	vld [tilespmem:s12+$0x20]  }
0x6b: {  	v15 =	vld [tilespmem:s12+$0x60];
	v4 =	vsub.bf16 v22, v4;
	v5 =	vmul.bf16 v5, v5;
	v2 =	vmul.bf16 v2, v2  }
0x6c: {  	v18 =	vshll.u32 v18, v0;
	v6 =	vadd.bf16 v7, v6;
	v7 =	vsub.bf16 v17, v20;
	v17 =	vld [tilespmem:s12+$0xA0]  }
0x6d: {  	v5 =	vadd.bf16 v2, v5;
	v2 =	vadd.bf16 v10, v9;
	v9 =	vmul.bf16 v19, v19;
	v10 =	vld [tilespmem:s9+$0xA0]  }
0x6e: {  	v18 =	vadd.s32 $0x7, v18;
	v8 =	vsub.bf16 v8, v23;
	v19 =	vld [tilespmem:s12+$0xFFFFFF30];
	v7 =	vmul.bf16 v7, v7  }
0x6f: {  	v4 =	vmul.bf16 v4, v4;
	v20 =	vadd.bf16 v9, v2;
	v2 =	vsub.bf16 v13, v16;
	v9 =	vld [tilespmem:s9+$0xFFFFFF30]  }
0x70: {  	v15 =	vsub.bf16 v15, v21;
	v13 =	vld [tilespmem:s12+$0xFFFFFF70];
	v11 =	vadd.bf16 v7, v11;
	v7 =	vmul.bf16 v8, v8  }
0x71: {  	s14 =	simm.s32 $0x0;
	v18 =	vbroadcast v18, $0x0;
	v14 =	vadd.bf16 v4, v14;
	v16 =	vld [tilespmem:s9+$0xFFFFFF70];
	v2 =	vmul.bf16 v2, v2  }
0x72: {  	(xrf2) =	vadd.scan.msk.f32 $0xffff, v1;
	v1 =	vmul.bf16 v15, v15;
	v8 =	vmov s14;
	v21 =	vadd.bf16 v7, v12;
	v12 =	vld [tilespmem:s12+$0xFFFFFFB0]  }
0x73: {  	s6 =	simm.s32 $0x1;
	s16 =	simm.s32 $0x2;
	s17 =	simm.s32 $0x3;
	v4 =	vshrl.u32 v8, $0x3;
	v8 =	vadd.bf16 v2, v3;
	v2 =	vsub.bf16 v17, v10;
	v3 =	vld [tilespmem:s9+$0xFFFFFFB0]  }
0x74: {  	v15 =	vmov s16;
	v10 =	vmov s6;
	v17 =	vmov s17  }
0x75: {  	s18 =	simm.s32 $0x4;
	v22 =	vld [tilespmem:s9+$0xFFFFFFF0];
	v7 =	vsub.bf16 v19, v9;
	v9 =	vadd.bf16 v1, v6;
	v1 =	vmul.bf16 v2, v2  }
0x76: {  	s28 =	simm.s32 $0x5;
	v19 =	vld [tilespmem:s12+$0xFFFFFFF0];
	v6 =	vshll.u32 v4, v0;
	v4 =	vmov s18;
	v13 =	vsub.bf16 v13, v16  }
0x77: {  	v16 =	vld [tilespmem:s12+$0x30];
	v2 =	vmov s28;
	v23 =	vmul.bf16 v7, v7;
	v7 =	vadd.bf16 v1, v5  }
0x78: {  	v5 =	vshrl.u32 v10, $0x3;
	v10 =	vshrl.u32 v15, $0x3;
	v15 =	vld [tilespmem:s9+$0x30];
	v12 =	vsub.bf16 v12, v3  }
0x79: {  	v13 =	vmul.bf16 v13, v13;
	v3 =	vshrl.u32 v17, $0x3;
	v17 =	vadd.bf16 v23, v20;
	v20 =	vld [tilespmem:s12+$0x70]  }
0x7a: {  	v1 =	vbroadcast v6, $0x0;
	v6 =	vshll.u32 v5, v0;
	v23 =	vld [tilespmem:s9+$0x70];
	v12 =	vmul.bf16 v12, v12  }
0x7b: {  	v5 =	vshll.u32 v10, v0;
	v61 =	vadd.bf16 v13, v11;
	v11 =	vld [tilespmem:s12+$0xB0];
	v19 =	vsub.bf16 v19, v22  }
0x7c: {  	v13 =	vld [tilespmem:s9+$0xB0];
	s12 =	simm.s32 $0x5120;
	v22 =	vunpack.i.u.bf16.f32 v17;
	v17 =	vunpack.i.l.bf16.f32 v17;
	v62 =	vadd.bf16 v12, v14  }
0x7d: {  	v10 =	vld [tilespmem:s12+$0xC0];
	v14, _, _ =	vpop (xrf2);
	v12 =	vadd.s32 $0x1, v6;
	v6 =	vsub.bf16 v16, v15;
	v16 =	vmul.bf16 v19, v19  }
0x7e: {  	s13 =	simm.s32 $0x6520;
	v63 =	vunpack.i.u.bf16.f32 v61;
	v24 =	vunpack.i.l.bf16.f32 v61;
	v22 =	vadd.f32 v17, v22;
	v15 =	vld [tilespmem:s12+$0xD0];
	[tilespmem:v18+s31+$0x0] =	vst.idx.msk vm0, v14  }
0x7f: {  	v14 =	vld [tilespmem:s13+$0xC0];
	v18 =	vsub.bf16 v20, v23;
	v17 =	vadd.bf16 v16, v21;
	v19 =	vmul.bf16 v6, v6  }
0x80: {  	s16 =	simm.s32 $0x10;
	s9 =	simm.s32 $0x8;
	(xrf2) =	vadd.scan.msk.f32 $0xffff, v22;
	v16 =	vld [tilespmem:s13+$0xD0];
	v6 =	vadd.f32 v24, v63;
	v20 =	vunpack.i.u.bf16.f32 v62;
	v21 =	vunpack.i.l.bf16.f32 v62  }
.LBB2_3:
0x81: {  	p1 =	slt.u32 s16, $0x48;
	v22 =	vld [tilespmem:s12+$0xE0];
	v8 =	vadd.bf16 v19, v8;
	v18 =	vmul.bf16 v18, v18;
	v11 =	vsub.bf16 v11, v13  }
0x82: {  	v19 =	vadd.f32 v21, v20;
	v20 =	vunpack.i.u.bf16.f32 v17;
	v17 =	vunpack.i.l.bf16.f32 v17;
	v13 =	vld [tilespmem:s13+$0xE0]  }
0x83: {  	v21 =	vld [tilespmem:s12+$0xF0];
	v23 =	vunpack.i.u.bf16.f32 v8;
	v9 =	vadd.bf16 v18, v9;
	v11 =	vmul.bf16 v11, v11;
	(xrf2) =	vadd.scan.msk.f32 $0xffff, v6  }
0x84: {  	v12 =	vbroadcast v12, $0x0;
	v17 =	vadd.f32 v17, v20;
	v8 =	vunpack.i.l.bf16.f32 v8;
	v18 =	vld [tilespmem:s13+$0xF0]  }
0x85: {  	v10 =	vsub.bf16 v10, v14;
	v6 =	vld [tilespmem:s13+$0xFFFFFF00];
	v14 =	vsub.bf16 v15, v16;
	v15 =	vunpack.i.u.bf16.f32 v9  }
0x86: {  	v8 =	vadd.f32 v8, v23;
	v9 =	vunpack.i.l.bf16.f32 v9;
	v7 =	vadd.bf16 v11, v7;
	v16 =	vld [tilespmem:s12+$0xFFFFFF10];
	(xrf2) =	vadd.scan.msk.f32 $0xffff, v19  }
0x87: {  	v10 =	vmul.bf16 v10, v10;
	v11 =	vld [tilespmem:s13+$0xFFFFFF10];
	v14 =	vmul.bf16 v14, v14;
	v13 =	vsub.bf16 v22, v13  }
0x88: {  	v9 =	vadd.f32 v9, v15;
	v22 =	vunpack.i.u.bf16.f32 v7;
	v7 =	vunpack.i.l.bf16.f32 v7;
	v19 =	vld [tilespmem:s12+$0xFFFFFF40]  }
0x89: {  	v20 =	vld [tilespmem:s13+$0xFFFFFF40];
	v10 =	vadd.bf16 v14, v10;
	v13 =	vmul.bf16 v13, v13;
	v14 =	vsub.bf16 v21, v18;
	(xrf2) =	vadd.scan.msk.f32 $0xffff, v17  }
0x8a: {  	v5 =	vadd.s32 $0x2, v5;
	v4 =	vshrl.u32 v4, $0x3;
	v7 =	vadd.f32 v7, v22;
	v17 =	vld [tilespmem:s12+$0xFFFFFF50];
	v15, _, _ =	vpop (xrf2)  }
0x8b: {  	v18 =	vld [tilespmem:s13+$0xFFFFFF50];
	v10 =	vadd.bf16 v13, v10;
	v14 =	vmul.bf16 v14, v14;
	[tilespmem:v1+s31+$0x0] =	vst.idx.msk vm0, v15;
	v1 =	vbroadcast v5, $0x0  }
0x8c: {  	v3 =	vshll.u32 v3, v0;
	v2 =	vshrl.u32 v2, $0x3;
	v5 =	vsub.bf16 v16, v11;
	v11 =	vld [tilespmem:s12+$0xFFFFFF80];
	(xrf2) =	vadd.scan.msk.f32 $0xffff, v8  }
0x8d: {  	v3 =	vadd.s32 $0x3, v3;
	v4 =	vshll.u32 v4, v0;
	v8 =	vld [tilespmem:s13+$0xFFFFFF80];
	v10 =	vadd.bf16 v14, v10;
	v13, _, _ =	vpop (xrf2)  }
0x8e: {  	v3 =	vbroadcast v3, $0x0;
	v5 =	vmul.bf16 v5, v5;
	v14 =	vsub.bf16 v19, v20;
	v15 =	vld [tilespmem:s12+$0xFFFFFF90];
	[tilespmem:v12+s31+$0x0] =	vst.idx.msk vm0, v13  }
0x8f: {  	v4 =	vadd.s32 $0x4, v4;
	v12 =	vld [tilespmem:s13+$0xFFFFFF90];
	v19 =	vunpack.i.u.bf16.f32 v10;
	v10 =	vunpack.i.l.bf16.f32 v10;
	(xrf2) =	vadd.scan.msk.f32 $0xffff, v9  }
0x90: {  	v9 =	vmul.bf16 v14, v14;
	v18 =	vsub.bf16 v17, v18;
	v16 =	vld [tilespmem:s12+$0xFFFFFFC0];
	v10 =	vadd.f32 v10, v19;
	v13, _, _ =	vpop (xrf2)  }
0x91: {  	v2 =	vshll.u32 v2, v0;
	v17 =	vld [tilespmem:s13+$0xFFFFFFC0];
	[tilespmem:v1+s31+$0x0] =	vst.idx.msk vm0, v13;
	v1 =	vbroadcast v4, $0x0  }
0x92: {  	s17 =	sadd.s32 $0x7, s9;
	v2 =	vadd.s32 $0x5, v2;
	v4 =	vmul.bf16 v18, v18;
	v8 =	vsub.bf16 v11, v8;
	v11 =	vld [tilespmem:s12+$0xFFFFFFD0];
	(xrf2) =	vadd.scan.msk.f32 $0xffff, v10  }
0x93: {  	v2 =	vbroadcast v2, $0x0;
	v13 =	vmov s17;
	v10 =	vld [tilespmem:s13+$0xFFFFFFD0];
	v14, _, _ =	vpop (xrf2)  }
0x94: {  	s17 =	sadd.s32 $0x6, s14;
	s14 =	smov.u32 s9;
	s9 =	smov.u32 s16;
	v13 =	vshrl.u32 v13, $0x3;
	v8 =	vmul.bf16 v8, v8;
	v12 =	vsub.bf16 v15, v12;
	v15 =	vld [tilespmem:s12+$0x0];
	[tilespmem:v3+s31+$0x0] =	vst.idx.msk vm0, v14  }
0x95: {  	v3 =	vadd.bf16 v4, v9;
	v9 =	vshll.u32 v13, v0;
	v13 =	vmov s17;
	v4 =	vld [tilespmem:s13+$0x0];
	(xrf2) =	vadd.scan.msk.f32 $0xffff, v7  }
0x96: {  	v9 =	vadd.s32 $0x7, v9;
	v7 =	vmul.bf16 v12, v12;
	v12 =	vsub.bf16 v16, v17;
	v14 =	vld [tilespmem:s12+$0x10];
	v16, _, _ =	vpop (xrf2)  }
0x97: {  	v9 =	vbroadcast v9, $0x0;
	v17 =	vld [tilespmem:s13+$0x10];
	[tilespmem:v1+s31+$0x0] =	vst.idx.msk vm0, v16;
	v1 =	vshrl.u32 v13, $0x3  }
0x98: {  	v7 =	vadd.bf16 v7, v8;
	v8 =	vmul.bf16 v12, v12;
	v10 =	vsub.bf16 v11, v10;
	v11 =	vld [tilespmem:s12+$0x40]  }
0x99: {  	v1 =	vshll.u32 v1, v0;
	v12 =	vld [tilespmem:s13+$0x40];
	v13, _, _ =	vpop (xrf2)  }
0x9a: {  	v1 =	vadd.s32 $0x6, v1;
	v10 =	vmul.bf16 v10, v10;
	v4 =	vsub.bf16 v15, v4;
	v15 =	vld [tilespmem:s12+$0x50];
	[tilespmem:v2+s31+$0x0] =	vst.idx.msk vm0, v13  }
0x9b: {  	v1 =	vbroadcast v1, $0x0;
	v2 =	vld [tilespmem:s13+$0x50]  }
0x9c: {  	v8 =	vadd.bf16 v10, v8;
	v4 =	vmul.bf16 v4, v4;
	v10 =	vsub.bf16 v14, v17;
	v13 =	vld [tilespmem:s12+$0x80];
	v14, _, _ =	vpop (xrf2)  }
0x9d: {  	v16 =	vld [tilespmem:s13+$0x80];
	[tilespmem:v9+s31+$0x0] =	vst.idx.msk vm0, v14  }
0x9e: {  	v9 =	vmul.bf16 v10, v10;
	v10 =	vsub.bf16 v11, v12;
	v11 =	vld [tilespmem:s12+$0x90]  }
0x9f: {  	v12 =	vld [tilespmem:s13+$0x90];
	v14, _, _ =	vpop (xrf2)  }
0xa0: {  	v17 =	vld [tilespmem:s12+$0xFFFFFF00];
	v4 =	vadd.bf16 v9, v4;
	v9 =	vmul.bf16 v10, v10;
	v2 =	vsub.bf16 v15, v2  }
0xa1: {  	v10 =	vld [tilespmem:s12+$0xFFFFFF20];
	[tilespmem:v1+s31+$0x0] =	vst.idx.msk vm0, v14  }
0xa2: {  	v1 =	vld [tilespmem:s13+$0xFFFFFF20];
	v2 =	vmul.bf16 v2, v2;
	v13 =	vsub.bf16 v13, v16  }
0xa3: {  	v14 =	vld [tilespmem:s12+$0xFFFFFF60]  }
0xa4: {  	v15 =	vld [tilespmem:s13+$0xFFFFFF60];
	v2 =	vadd.bf16 v2, v9;
	v9 =	vmul.bf16 v13, v13;
	v11 =	vsub.bf16 v11, v12  }
0xa5: {  	v6 =	vsub.bf16 v17, v6;
	v12 =	vld [tilespmem:s12+$0xFFFFFFA0]  }
0xa6: {  	v13 =	vld [tilespmem:s13+$0xFFFFFFA0];
	v11 =	vmul.bf16 v11, v11  }
0xa7: {  	v6 =	vmul.bf16 v6, v6;
	v1 =	vsub.bf16 v10, v1;
	v10 =	vld [tilespmem:s12+$0xFFFFFFE0]  }
0xa8: {  	v16 =	vld [tilespmem:s13+$0xFFFFFFE0];
	v11 =	vadd.bf16 v11, v9  }
0xa9: {  	v5 =	vadd.bf16 v5, v6;
	v1 =	vmul.bf16 v1, v1;
	v6 =	vsub.bf16 v14, v15;
	v9 =	vld [tilespmem:s12+$0x20]  }
0xaa: {  	v14 =	vld [tilespmem:s13+$0x20]  }
0xab: {  	v1 =	vadd.bf16 v1, v5;
	v5 =	vmul.bf16 v6, v6;
	v6 =	vsub.bf16 v12, v13;
	v12 =	vld [tilespmem:s12+$0x60]  }
0xac: {  	v13 =	vld [tilespmem:s13+$0x60]  }
0xad: {  	v15 =	vadd.bf16 v5, v3;
	v3 =	vmul.bf16 v6, v6;
	v5 =	vsub.bf16 v10, v16;
	v6 =	vld [tilespmem:s12+$0xA0]  }
0xae: {  	v10 =	vld [tilespmem:s13+$0xA0]  }
0xaf: {  	v16 =	vld [tilespmem:s12+$0xFFFFFF30];
	v17 =	vadd.bf16 v3, v7;
	v3 =	vmul.bf16 v5, v5;
	v5 =	vsub.bf16 v9, v14  }
0xb0: {  	v9 =	vmov s14;
	v7 =	vld [tilespmem:s13+$0xFFFFFF30]  }
0xb1: {  	v14 =	vld [tilespmem:s12+$0xFFFFFF70];
	v18 =	vadd.bf16 v3, v8;
	v3 =	vmul.bf16 v5, v5;
	v5 =	vsub.bf16 v12, v13  }
0xb2: {  	v12 =	vshrl.u32 v9, $0x3;
	v13 =	vld [tilespmem:s13+$0xFFFFFF70]  }
0xb3: {  	s6 =	sadd.s32 $0x2, s14;
	s18 =	sadd.s32 $0x3, s14;
	s17 =	sadd.s32 $0x1, s14;
	v19 =	vld [tilespmem:s12+$0xFFFFFFB0];
	v8 =	vadd.bf16 v3, v4;
	v3 =	vmul.bf16 v5, v5;
	v4 =	vsub.bf16 v6, v10  }
0xb4: {  	v20 =	vmov s18;
	v5 =	vmov s17;
	v10 =	vmov s6;
	v6 =	vld [tilespmem:s13+$0xFFFFFFB0]  }
0xb5: {  	s6 =	sadd.s32 $0x4, s14;
	s17 =	sadd.s32 $0x5, s14;
	v7 =	vsub.bf16 v16, v7;
	v16 =	vld [tilespmem:s12+$0xFFFFFFF0];
	v9 =	vadd.bf16 v3, v2;
	v3 =	vmul.bf16 v4, v4  }
0xb6: {  	v12 =	vshll.u32 v12, v0;
	v4 =	vmov s6;
	v2 =	vmov s17;
	v21 =	vld [tilespmem:s13+$0xFFFFFFF0]  }
0xb7: {  	v22 =	vmul.bf16 v7, v7;
	v13 =	vsub.bf16 v14, v13;
	v14 =	vld [tilespmem:s12+$0x30];
	v7 =	vadd.bf16 v3, v11  }
0xb8: {  	v5 =	vshrl.u32 v5, $0x3;
	v10 =	vshrl.u32 v10, $0x3;
	v3 =	vshrl.u32 v20, $0x3;
	v20 =	vld [tilespmem:s13+$0x30]  }
0xb9: {  	v22 =	vadd.bf16 v22, v1;
	v11 =	vmul.bf16 v13, v13;
	v6 =	vsub.bf16 v19, v6;
	v23 =	vld [tilespmem:s12+$0x70]  }
0xba: {  	v1 =	vbroadcast v12, $0x0;
	v12 =	vshll.u32 v5, v0;
	v5 =	vshll.u32 v10, v0;
	v24 =	vld [tilespmem:s13+$0x70]  }
0xbb: {  	v15 =	vadd.bf16 v11, v15;
	v6 =	vmul.bf16 v6, v6;
	v16 =	vsub.bf16 v16, v21;
	v11 =	vld [tilespmem:s12+$0xB0]  }
.Ltmp0:
0xbc: {  	v12 =	vadd.s32 $0x1, v12;
	v19 =	vunpack.i.u.bf16.f32 v22;
	v21 =	vunpack.i.l.bf16.f32 v22;
	s12 =	sadd.s32 $0x200, s12;
	v13 =	vld [tilespmem:s13+$0xB0];
	(pc) =	sbr.rel @p1 .LBB2_3-.Ltmp0, $4  }
0xbd: {  	s13 =	sadd.s32 $0x200, s13;
	v10 =	vld [tilespmem:s12+$0xC0];
	v22 =	vadd.bf16 v6, v17;
	v6 =	vmul.bf16 v16, v16;
	v16 =	vsub.bf16 v14, v20  }
0xbe: {  	v25 =	vadd.f32 v21, v19;
	v20 =	vunpack.i.u.bf16.f32 v15;
	v21 =	vunpack.i.l.bf16.f32 v15;
	v14 =	vld [tilespmem:s13+$0xC0]  }
0xbf: {  	v15 =	vld [tilespmem:s12+$0xD0];
	v17 =	vadd.bf16 v6, v18;
	v19 =	vmul.bf16 v16, v16;
	v18 =	vsub.bf16 v23, v24  }
0xc0: {  	s16 =	sadd.s32 $0x8, s16;
	v6 =	vadd.f32 v21, v20;
	v20 =	vunpack.i.u.bf16.f32 v22;
	v21 =	vunpack.i.l.bf16.f32 v22;
	v16 =	vld [tilespmem:s13+$0xD0];
	(xrf2) =	vadd.scan.msk.f32 $0xffff, v25  }
0xc1: {  	v22 =	vld [tilespmem:s12+$0xE0]  }
0xc2: {  	v23 =	vld [tilespmem:s13+$0xE0]  }
0xc3: {  	v24 =	vld [tilespmem:s12+$0xF0]  }
0xc4: {  	v25 =	vld [tilespmem:s13+$0xF0]  }
0xc5: {  	v26 =	vld [tilespmem:s13+$0xFFFFFF00]  }
0xc6: {  	v27 =	vld [tilespmem:s12+$0xFFFFFF10]  }
0xc7: {  	v28 =	vld [tilespmem:s13+$0xFFFFFF10]  }
0xc8: {  	v29 =	vld [tilespmem:s12+$0xFFFFFF40]  }
0xc9: {  	v30 =	vld [tilespmem:s13+$0xFFFFFF40]  }
0xca: {  	v31 =	vld [tilespmem:s12+$0xFFFFFF50]  }
0xcb: {  	v32 =	vld [tilespmem:s13+$0xFFFFFF50]  }
0xcc: {  	v33 =	vld [tilespmem:s12+$0xFFFFFF80]  }
0xcd: {  	v34 =	vld [tilespmem:s13+$0xFFFFFF80]  }
0xce: {  	v35 =	vld [tilespmem:s12+$0xFFFFFF90]  }
0xcf: {  	v8 =	vadd.bf16 v19, v8;
	v19 =	vld [tilespmem:s13+$0xFFFFFF90]  }
0xd0: {  	v11 =	vsub.bf16 v11, v13;
	v13 =	vadd.f32 v21, v20;
	v20 =	vld [tilespmem:s12+$0xFFFFFFC0]  }
0xd1: {  	v43 =	vld [tilespmem:s12+$0x10]  }
0xd2: {  	v47 =	vld [tilespmem:s12+$0x50]  }
0xd3: {  	v50 =	vld [tilespmem:s13+$0x50]  }
0xd4: {  	v51 =	vld [tilespmem:s12+$0x80]  }
0xd5: {  	v18 =	vmul.bf16 v18, v18;
	v53 =	vld [tilespmem:s13+$0x80]  }
0xd6: {  	v12 =	vbroadcast v12, $0x0;
	v5 =	vadd.s32 $0x2, v5;
	v54 =	vshrl.u32 v4, $0x3;
	v55 =	vld [tilespmem:s12+$0xFFFFFF20]  }
0xd7: {  	v3 =	vshll.u32 v3, v0;
	v2 =	vshrl.u32 v2, $0x3;
	v56 =	vld [tilespmem:s13+$0xFFFFFF20];
	s6 =	sadd.s32 $0x7, s9;
	v4 =	vbroadcast v5, $0x0  }
0xd8: {  	v58 =	vld [tilespmem:s12+$0xFFFFFFA0];
	v3 =	vadd.s32 $0x3, v3;
	v57 =	vshll.u32 v2, v0;
	v59 =	vmov s6  }
0xd9: {  	v60 =	vld [tilespmem:s12+$0xFFFFFFE0];
	v10 =	vsub.bf16 v10, v14;
	v9 =	vadd.bf16 v18, v9;
	v36 =	vmul.bf16 v11, v11  }
0xda: {  	v61 =	vld [tilespmem:s12+$0x20];
	v14 =	vsub.bf16 v15, v16;
	v16 =	vunpack.i.u.bf16.f32 v17;
	v17 =	vunpack.i.l.bf16.f32 v17  }
0xdb: {  	v38 =	vld [tilespmem:s12+$0xFFFFFF30];
	v10 =	vmul.bf16 v10, v10;
	v42 =	vunpack.i.u.bf16.f32 v9;
	v7 =	vadd.bf16 v36, v7  }
0xdc: {  	v40 =	vld [tilespmem:s13+$0xFFFFFF30];
	v44 =	vunpack.i.l.bf16.f32 v9;
	v21 =	vsub.bf16 v22, v23;
	v11 =	vadd.f32 v17, v16  }
0xdd: {  	v62 =	vld [tilespmem:s13+$0x20];
	v23 =	vunpack.i.u.bf16.f32 v8;
	v17 =	vsub.bf16 v24, v25;
	v46 =	vsub.bf16 v27, v28  }
0xde: {  	v41 =	vld [tilespmem:s12+$0xFFFFFF70];
	v8 =	vunpack.i.l.bf16.f32 v8;
	v48 =	vsub.bf16 v29, v30;
	v31 =	vsub.bf16 v31, v32  }
0xdf: {  	v18 =	vld [tilespmem:s12+$0xFFFFFFD0];
	v52 =	vsub.bf16 v33, v34;
	v5 =	vsub.bf16 v35, v19;
	v34 =	vshll.u32 v54, v0  }
0xe0: {  	s16 =	sadd.s32 $0x3, s9;
	s18 =	sadd.s32 $0x4, s9;
	v15 =	vld [tilespmem:s13+$0xFFFFFFC0];
	v27 =	vsub.bf16 v47, v50;
	v29 =	vsub.bf16 v51, v53;
	v30 =	vshrl.u32 v59, $0x3  }
0xe1: {  	v22 =	vld [tilespmem:s13+$0xFFFFFFD0];
	v47 =	vmov s16;
	v25 =	vsub.bf16 v38, v40;
	v50 =	vmov s18  }
0xe2: {  	v16 =	vld [tilespmem:s12+$0x0];
	v14 =	vmul.bf16 v14, v14;
	v9 =	vadd.f32 v8, v23;
	v8 =	vadd.f32 v44, v42  }
0xe3: {  	s28 =	sadd.s32 $0x6, s14;
	s14 =	sadd.s32 $0x1, s9;
	v19 =	vld [tilespmem:s12+$0x90];
	v45 =	vunpack.i.u.bf16.f32 v7;
	v7 =	vunpack.i.l.bf16.f32 v7;
	v30 =	vshll.u32 v30, v0  }
0xe4: {  	v23 =	vld [tilespmem:s12+$0x40];
	v44 =	vmov s14;
	v28 =	vmul.bf16 v48, v48;
	v31 =	vmul.bf16 v31, v31  }
0xe5: {  	v7 =	vadd.f32 v7, v45;
	v32 =	vmul.bf16 v52, v52;
	v24 =	vmul.bf16 v46, v46;
	v46 =	vld [tilespmem:s12+$0xFFFFFFF0]  }
0xe6: {  	v5 =	vmul.bf16 v5, v5;
	v48 =	vld [tilespmem:s13+$0xFFFFFFF0];
	v10 =	vadd.bf16 v14, v10;
	v14 =	vmul.bf16 v21, v21  }
0xe7: {  	v27 =	vmul.bf16 v27, v27;
	v30 =	vadd.s32 $0x7, v30;
	v21 =	vld [tilespmem:s13+$0x0];
	v15 =	vsub.bf16 v20, v15  }
0xe8: {  	s17 =	sadd.s32 $0x2, s9;
	v20 =	vld [tilespmem:s13+$0x90];
	v28 =	vadd.bf16 v31, v28;
	v10 =	vadd.bf16 v14, v10;
	v14 =	vmul.bf16 v17, v17  }
0xe9: {  	v45 =	vmov s17;
	v32 =	vadd.bf16 v5, v32;
	v31 =	vsub.bf16 v55, v56;
	v17 =	vld [tilespmem:s13+$0x10]  }
0xea: {  	v25 =	vmul.bf16 v25, v25;
	v18 =	vsub.bf16 v18, v22;
	v10 =	vadd.bf16 v14, v10;
	v14 =	vld [tilespmem:s13+$0x40]  }
0xeb: {  	v42 =	vld [tilespmem:s13+$0xFFFFFF70];
	v55 =	vshrl.u32 v47, $0x3;
	v5 =	vmul.bf16 v15, v15;
	v15 =	vbroadcast v3, $0x0  }
0xec: {  	v22 =	vld [tilespmem:s12+$0xFFFFFF00];
	v3 =	vadd.s32 $0x4, v34;
	v39 =	vmul.bf16 v31, v31;
	v18 =	vmul.bf16 v18, v18  }
0xed: {  	v2 =	vbroadcast v3, $0x0;
	v31 =	vsub.bf16 v46, v48;
	v19 =	vsub.bf16 v19, v20;
	v20 =	vld [tilespmem:s13+$0xFFFFFFE0]  }
0xee: {  	v3 =	vadd.s32 $0x5, v57;
	v16 =	vsub.bf16 v16, v21;
	v21 =	vld [tilespmem:s12+$0xFFFFFF60];
	v17 =	vsub.bf16 v43, v17  }
0xef: {  	v3 =	vbroadcast v3, $0x0;
	v18 =	vadd.bf16 v18, v5;
	v5 =	vld [tilespmem:s13+$0xFFFFFF60];
	v14 =	vsub.bf16 v23, v14  }
0xf0: {  	v63 =	vld [tilespmem:s13+$0x60];
	v49 =	vunpack.i.u.bf16.f32 v10;
	v16 =	vmul.bf16 v16, v16;
	v17 =	vmul.bf16 v17, v17  }
0xf1: {  	v37 =	vld [tilespmem:s13+$0xA0];
	(xrf2) =	vadd.scan.msk.f32 $0xffff, v6;
	v10 =	vunpack.i.l.bf16.f32 v10;
	v22 =	vsub.bf16 v22, v26;
	v14 =	vmul.bf16 v14, v14  }
0xf2: {  	v23 =	vld [tilespmem:s13+$0xFFFFFFA0];
	v16 =	vadd.bf16 v17, v16;
	v17 =	vmul.bf16 v29, v29;
	v20 =	vsub.bf16 v60, v20  }
0xf3: {  	v27 =	vadd.bf16 v27, v14;
	v14 =	vmul.bf16 v19, v19;
	v19 =	vmul.bf16 v22, v22;
	v22 =	vld [tilespmem:s12+$0x60]  }
0xf4: {  	(xrf2) =	vadd.scan.msk.f32 $0xffff, v13;
	v36 =	vld [tilespmem:s12+$0xA0];
	v21 =	vsub.bf16 v21, v5;
	v29 =	vsub.bf16 v41, v42;
	v20 =	vmul.bf16 v20, v20  }
0xf5: {  	v10 =	vadd.f32 v10, v49;
	v26 =	vsub.bf16 v61, v62;
	v43 =	vld [tilespmem:s12+$0xFFFFFFB0];
	v5 =	vbroadcast v30, $0x0  }
0xf6: {  	v21 =	vmul.bf16 v21, v21;
	v29 =	vmul.bf16 v29, v29;
	v18 =	vadd.bf16 v20, v18;
	v20 =	vld [tilespmem:s13+$0xFFFFFFB0]  }
0xf7: {  	v23 =	vsub.bf16 v58, v23;
	v17 =	vadd.bf16 v14, v17;
	v14 =	vmov s28  }
0xf8: {  	v6 =	vadd.bf16 v21, v28;
	v21 =	vmul.bf16 v26, v26;
	v22 =	vsub.bf16 v22, v63  }
0xf9: {  	(xrf2) =	vadd.scan.msk.f32 $0xffff, v11;
	v19 =	vadd.bf16 v24, v19;
	v24 =	vshrl.u32 v44, $0x3;
	v23 =	vmul.bf16 v23, v23  }
0xfa: {  	v54 =	vld [tilespmem:s12+$0xB0];
	v53, _, _ =	vpop (xrf2);
	v16 =	vadd.bf16 v21, v16;
	v21 =	vmul.bf16 v22, v22;
	v22 =	vsub.bf16 v36, v37  }
0xfb: {  	v52 =	vld [tilespmem:s13+$0x70];
	[tilespmem:v1+s31+$0x0] =	vst.idx.msk vm0, v53;
	v1, _, _ =	vpop (xrf2);
	v13 =	vadd.bf16 v23, v32;
	v23 =	vmov s9;
	v20 =	vsub.bf16 v43, v20  }
0xfc: {  	[tilespmem:v12+s31+$0x0] =	vst.idx.msk vm0, v1;
	v49 =	vld [tilespmem:s13+$0x30];
	v23 =	vshrl.u32 v23, $0x3;
	v11 =	vadd.bf16 v21, v27;
	v21 =	vmul.bf16 v22, v22  }
0xfd: {  	v19 =	vadd.bf16 v39, v19;
	v22 =	vshll.u32 v23, v0;
	v23 =	vld [tilespmem:s12+$0x30];
	v20 =	vmul.bf16 v20, v20  }
0xfe: {  	v1, _, _ =	vpop (xrf2);
	v12 =	vshll.u32 v24, v0;
	v6 =	vadd.bf16 v29, v6;
	v17 =	vadd.bf16 v21, v17;
	v21 =	vld [tilespmem:s12+$0x70]  }
0xff: {  	[tilespmem:v4+s31+$0x0] =	vst.idx.msk vm0, v1;
	v4 =	vadd.s32 $0x1, v12;
	v12 =	vmul.bf16 v31, v31;
	v13 =	vadd.bf16 v20, v13;
	v20 =	vld [tilespmem:s13+$0xB0]  }
0x100: {  	(xrf2) =	vadd.scan.msk.f32 $0xffff, v9;
	v19 =	vadd.bf16 v25, v19;
	v9 =	vunpack.i.u.bf16.f32 v6;
	v6 =	vunpack.i.l.bf16.f32 v6  }
0x101: {  	(xrf2) =	vadd.scan.msk.f32 $0xffff, v8;
	v28 =	vshrl.u32 v45, $0x3;
	v8 =	vadd.bf16 v12, v18;
	v6 =	vadd.f32 v6, v9  }
0x102: {  	(xrf2) =	vadd.scan.msk.f32 $0xffff, v10;
	v56 =	vunpack.i.u.bf16.f32 v19;
	v1 =	vunpack.i.l.bf16.f32 v19;
	v23 =	vsub.bf16 v23, v49  }
0x103: {  	v10, _, _ =	vpop (xrf2);
	(xrf2) =	vadd.scan.msk.f32 $0xffff, v7;
	v1 =	vadd.f32 v1, v56;
	v9 =	vunpack.i.u.bf16.f32 v13;
	v18 =	vsub.bf16 v21, v52  }
0x104: {  	[tilespmem:v15+s31+$0x0] =	vst.idx.msk vm0, v10;
	v10 =	vunpack.i.l.bf16.f32 v13;
	v12 =	vmul.bf16 v23, v23;
	v19 =	vsub.bf16 v54, v20  }
0x105: {  	(xrf2) =	vadd.scan.msk.f32 $0xffff, v1;
	v1 =	vunpack.i.l.bf16.f32 v8;
	v7 =	vadd.f32 v10, v9;
	v13 =	vmul.bf16 v18, v18  }
0x106: {  	v9 =	vunpack.i.u.bf16.f32 v8;
	v12 =	vadd.bf16 v12, v16;
	v10 =	vmul.bf16 v19, v19  }
0x107: {  	v14 =	vshrl.u32 v14, $0x3;
	v1 =	vadd.f32 v1, v9;
	v11 =	vadd.bf16 v13, v11  }
0x108: {  	(xrf2) =	vadd.scan.msk.f32 $0xffff, v6;
	v8 =	vunpack.i.u.bf16.f32 v12;
	v6 =	vunpack.i.l.bf16.f32 v12;
	v9 =	vadd.bf16 v10, v17  }
0x109: {  	s28 =	sadd.s32 $0x5, s9;
	v6 =	vadd.f32 v6, v8;
	v10 =	vunpack.i.u.bf16.f32 v11;
	v8 =	vunpack.i.l.bf16.f32 v11  }
0x10a: {  	v51 =	vmov s28;
	v14 =	vshll.u32 v14, v0;
	(xrf2) =	vadd.scan.msk.f32 $0xffff, v7;
	v7 =	vadd.f32 v8, v10  }
0x10b: {  	v14 =	vadd.s32 $0x6, v14;
	v8 =	vunpack.i.u.bf16.f32 v9;
	v9 =	vunpack.i.l.bf16.f32 v9  }
0x10c: {  	v4 =	vbroadcast v4, $0x0;
	(xrf2) =	vadd.scan.msk.f32 $0xffff, v1;
	v1 =	vshll.u32 v28, v0;
	v8 =	vadd.f32 v9, v8  }
0x10d: {  	v14 =	vbroadcast v14, $0x0;
	v1 =	vadd.s32 $0x2, v1;
	(xrf2) =	vadd.scan.msk.f32 $0xffff, v6;
	v9 =	vshll.u32 v55, v0  }
0x10e: {  	v22 =	vbroadcast v22, $0x0;
	s12 =	sadd.s32 $0x6, s9;
	v1 =	vbroadcast v1, $0x0;
	(xrf2) =	vadd.scan.msk.f32 $0xffff, v7;
	v9 =	vadd.s32 $0x3, v9;
	v7, _, _ =	vpop (xrf2)  }
0x10f: {  	v6 =	vshrl.u32 v50, $0x3;
	(xrf2) =	vadd.scan.msk.f32 $0xffff, v8;
	[tilespmem:v2+s31+$0x0] =	vst.idx.msk vm0, v7;
	v7 =	vmov s12  }
0x110: {  	v10 =	vshrl.u32 v51, $0x3;
	v8, _, _ =	vpop (xrf2);
	v2 =	vshll.u32 v6, v0;
	v7 =	vshrl.u32 v7, $0x3  }
0x111: {  	v6 =	vbroadcast v9, $0x0;
	v9, _, _ =	vpop (xrf2);
	[tilespmem:v3+s31+$0x0] =	vst.idx.msk vm0, v8;
	v2 =	vadd.s32 $0x4, v2;
	v3 =	vshll.u32 v10, v0  }
0x112: {  	v8, _, _ =	vpop (xrf2);
	[tilespmem:v5+s31+$0x0] =	vst.idx.msk vm0, v9;
	v2 =	vbroadcast v2, $0x0;
	v3 =	vadd.s32 $0x5, v3;
	v5 =	vshll.u32 v7, v0  }
0x113: {  	[tilespmem:v14+s31+$0x0] =	vst.idx.msk vm0, v8;
	v3 =	vbroadcast v3, $0x0;
	v5 =	vadd.s32 $0x6, v5;
	v7, _, _ =	vpop (xrf2)  }
0x114: {  	v5 =	vbroadcast v5, $0x0;
	v8, _, _ =	vpop (xrf2);
	[tilespmem:v22+s31+$0x0] =	vst.idx.msk vm0, v7  }
0x115: {  	v7, _, _ =	vpop (xrf2);
	[tilespmem:v4+s31+$0x0] =	vst.idx.msk vm0, v8  }
0x116: {  	[tilespmem:v1+s31+$0x0] =	vst.idx.msk vm0, v7;
	v1, _, _ =	vpop (xrf2)  }
0x117: {  	[tilespmem:v6+s31+$0x0] =	vst.idx.msk vm0, v1;
	v1, _, _ =	vpop (xrf2)  }
0x118: {  	[tilespmem:v2+s31+$0x0] =	vst.idx.msk vm0, v1;
	v1, _, _ =	vpop (xrf2)  }
0x119: {  	[tilespmem:v3+s31+$0x0] =	vst.idx.msk vm0, v1;
	v1, _, _ =	vpop (xrf2)  }
0x11a: {  	[tilespmem:v5+s31+$0x0] =	vst.idx.msk vm0, v1  }
0x11b: {  	v1 =	vld [tilespmem:$0xC620];
	_ =	sdelay $0x4  }
0x11c: {  	v1 =	vadd.f32 $-1.000000000e+00, v1;
	_ =	sdelay $0x1  }
0x11d: {  	v1 =	vmul.f32 $1.442695020e+00, v1;
	_ =	sdelay $0x1  }
0x11e: {  	(erf) = vpow2.f32 v1;
	_ =	sdelay $0x3  }
0x11f: {  	v1 =	vld [tilespmem:$0xC630];
	_ =	sdelay $0x4  }
0x120: {  	v1 =	vadd.f32 $-1.000000000e+00, v1;
	v2 =	vpop (erf)  }
0x121: {  	v2 =	vadd.f32 $1.000000000e+00, v2  }
0x122: {  	v1 =	vmul.f32 $1.442695020e+00, v1  }
0x123: {  	(erf) = vrcp.f32 v2  }
0x124: {  	(erf) = vpow2.f32 v1;
	_ =	sdelay $0x3  }
0x125: {  	v1 =	vld [tilespmem:$0xC640];
	_ =	sdelay $0x3  }
0x126: {  	v2 =	vpop (erf)  }
0x127: {  	v1 =	vadd.f32 $-1.000000000e+00, v1;
	v3 =	vpop (erf)  }
0x128: {  	v3 =	vadd.f32 $1.000000000e+00, v3  }
0x129: {  	v1 =	vmul.f32 $1.442695020e+00, v1  }
0x12a: {  	(erf) = vrcp.f32 v3  }
0x12b: {  	(erf) = vpow2.f32 v1;
	_ =	sdelay $0x3  }
0x12c: {  	v1 =	vld [tilespmem:$0xC650];
	_ =	sdelay $0x3  }
0x12d: {  	v3 =	vpop (erf)  }
0x12e: {  	v1 =	vadd.f32 $-1.000000000e+00, v1;
	v4 =	vpop (erf)  }
0x12f: {  	v4 =	vadd.f32 $1.000000000e+00, v4  }
0x130: {  	v1 =	vmul.f32 $1.442695020e+00, v1  }
0x131: {  	(erf) = vrcp.f32 v4  }
0x132: {  	(erf) = vpow2.f32 v1;
	_ =	sdelay $0x3  }
0x133: {  	v1 =	vld [tilespmem:$0xC660];
	_ =	sdelay $0x3  }
0x134: {  	v4 =	vpop (erf)  }
0x135: {  	v1 =	vadd.f32 $-1.000000000e+00, v1;
	v5 =	vpop (erf)  }
0x136: {  	v5 =	vadd.f32 $1.000000000e+00, v5  }
0x137: {  	v1 =	vmul.f32 $1.442695020e+00, v1  }
0x138: {  	(erf) = vrcp.f32 v5  }
0x139: {  	(erf) = vpow2.f32 v1;
	_ =	sdelay $0x7  }
0x13a: {  	v1 =	vpop (erf)  }
0x13b: {  	v5 =	vpop (erf)  }
0x13c: {  	v5 =	vadd.f32 $1.000000000e+00, v5;
	_ =	sdelay $0x1  }
0x13d: {  	(erf) = vrcp.f32 v5;
	_ =	sdelay $0x5  }
0x13e: {  	s9 =	smul.u32 $0xF0, s8;
	[tilespmem:$0xC620] =	vst v2  }
0x13f: {  	[tilespmem:$0xC630] =	vst v3  }
0x140: {  	s13 =	sadd.s32 s5, s9;
	[tilespmem:$0xC640] =	vst v4  }
0x141: {  	s6 =	sshrl.u32 s13, $0x3;
	[tilespmem:$0xC650] =	vst v1;
	v1 =	vpop (erf)  }
0x142: {  	s6 =	sadd.s32 s2, s6;
	[tilespmem:$0xC660] =	vst v1  }
0x143: {  	[hbm4b:s6+s4] =	stream.linear.scatter [tilespmem:s31], [sflag:$0x5], $0x50, $0x38;
	[tilespmem:$0x16350] =	vst v63  }
0x144: {  	s14 =	sadd.s32 $0xF0, s9  }
0x145: {  	[tilespmem:s20], [sflag:$0x2] =	stream.indirect.gather [spmem:s3], $0x40, s14, s19, $0xb8;
	[tilespmem:$0x16350] =	vst v63  }
0x146: {  	s16 =	sadd.s32 $0x2800, s9  }
0x147: {  	[tilespmem:s21], [sflag:$0x2] =	stream.indirect.gather [spmem:s3], $0x40, s16, s19, $0xb8;
	[tilespmem:$0x16350] =	vst v63  }
0x148: {  	_ =	swait.ge [sflag:s0], $0x1400  }
0x149: {  	[sflag:s0] =	ssyncset.done $0x0  }
0x14a: {  	[sflag:s0] =	ssyncadd.s32 $0xFFFFEC00  }
0x14b: {  	_ =	swait.ge [sflag:s0], $0x1400  }
0x14c: {  	[sflag:s0] =	ssyncset.done $0x0  }
0x14d: {  	s6 =	simm.s32 @!p0 $0x6;
	[sflag:s0] =	ssyncadd.s32 $0xFFFFEC00  }
0x14e: {  	_ =	swait.ge @!p0 [sflag:s6], $0x50  }
0x14f: {  	[sflag:s6] =	ssyncset.done @!p0 $0x0  }
0x150: {  	s13 =	simm.s32 $0x7720;
	[sflag:s6] =	ssyncadd.s32 @!p0 $0xFFFFFFB0  }
0x151: {  	s12 =	simm.s32 $0x8B20;
	v1 =	vld [tilespmem:s13+$0xC0]  }
0x152: {  	v2 =	vld [tilespmem:s12+$0xC0]  }
0x153: {  	v3 =	vld [tilespmem:s13+$0xD0]  }
0x154: {  	v4 =	vld [tilespmem:s12+$0xD0]  }
0x155: {  	v5 =	vld [tilespmem:s13+$0xE0]  }
0x156: {  	v6 =	vld [tilespmem:s12+$0xE0]  }
0x157: {  	v7 =	vld [tilespmem:s13+$0xF0]  }
0x158: {  	v8 =	vld [tilespmem:s12+$0xF0]  }
0x159: {  	v9 =	vld [tilespmem:s12+$0xFFFFFF00]  }
0x15a: {  	v10 =	vld [tilespmem:s13+$0xFFFFFF10]  }
0x15b: {  	v11 =	vld [tilespmem:s12+$0xFFFFFF10]  }
0x15c: {  	v12 =	vld [tilespmem:s13+$0xFFFFFF40]  }
0x15d: {  	v13 =	vld [tilespmem:s12+$0xFFFFFF40]  }
0x15e: {  	v14 =	vld [tilespmem:s13+$0xFFFFFF50]  }
0x15f: {  	v15 =	vld [tilespmem:s12+$0xFFFFFF50]  }
0x160: {  	v16 =	vld [tilespmem:s13+$0xFFFFFF80]  }
0x161: {  	v17 =	vld [tilespmem:s12+$0xFFFFFF80]  }
0x162: {  	v18 =	vld [tilespmem:s13+$0xFFFFFF90]  }
0x163: {  	v19 =	vld [tilespmem:s12+$0xFFFFFF90]  }
0x164: {  	v20 =	vld [tilespmem:s13+$0xFFFFFFC0]  }
0x165: {  	v21 =	vld [tilespmem:s12+$0xFFFFFFC0]  }
0x166: {  	v22 =	vld [tilespmem:s13+$0xFFFFFFD0]  }
0x167: {  	v23 =	vld [tilespmem:s12+$0xFFFFFFD0]  }
0x168: {  	v57 =	vld [tilespmem:s13+$0x0]  }
0x169: {  	v58 =	vld [tilespmem:s12+$0x0]  }
0x16a: {  	v59 =	vld [tilespmem:s12+$0x40]  }
0x16b: {  	v60 =	vld [tilespmem:s12+$0x80]  }
0x16c: {  	v1 =	vsub.bf16 v1, v2;
	v2 =	vsub.bf16 v3, v4;
	v3 =	vld [tilespmem:s13+$0x10]  }
0x16d: {  	v4 =	vld [tilespmem:s12+$0x10]  }
0x16e: {  	v5 =	vsub.bf16 v5, v6;
	v6 =	vld [tilespmem:s13+$0x40]  }
0x16f: {  	v10 =	vsub.bf16 v10, v11;
	v11 =	vsub.bf16 v12, v13;
	v13 =	vld [tilespmem:s12+$0x90]  }
0x170: {  	v12 =	vsub.bf16 v14, v15;
	v14 =	vsub.bf16 v16, v17;
	v16 =	vld [tilespmem:s13+$0xFFFFFF00]  }
0x171: {  	v15 =	vsub.bf16 v18, v19;
	v19 =	vld [tilespmem:s13+$0xFFFFFF20]  }
0x172: {  	v18 =	vsub.bf16 v20, v21;
	v21 =	vld [tilespmem:s12+$0xFFFFFF20];
	v1 =	vmul.bf16 v1, v1;
	v2 =	vmul.bf16 v2, v2  }
0x173: {  	v20 =	vsub.bf16 v22, v23;
	v22 =	vld [tilespmem:s13+$0xFFFFFFA0];
	v11 =	vmul.bf16 v11, v11;
	v12 =	vmul.bf16 v12, v12  }
0x174: {  	v23 =	vld [tilespmem:s12+$0xFFFFFFE0];
	v14 =	vmul.bf16 v14, v14;
	v15 =	vmul.bf16 v15, v15  }
0x175: {  	v1 =	vadd.bf16 v2, v1;
	v2 =	vmul.bf16 v5, v5;
	v5 =	vsub.bf16 v7, v8;
	v7 =	vld [tilespmem:s13+$0x50]  }
0x176: {  	v8 =	vld [tilespmem:s12+$0x50];
	v11 =	vadd.bf16 v12, v11;
	v12 =	vmul.bf16 v18, v18;
	v18 =	vmul.bf16 v20, v20  }
0x177: {  	v20 =	vld [tilespmem:s12+$0xFFFFFF60];
	v14 =	vadd.bf16 v15, v14;
	v1 =	vadd.bf16 v2, v1;
	v2 =	vmul.bf16 v5, v5  }
0x178: {  	v15 =	vsub.bf16 v57, v58;
	v3 =	vsub.bf16 v3, v4;
	v5 =	vld [tilespmem:s13+$0x80]  }
0x179: {  	v6 =	vsub.bf16 v6, v59;
	v1 =	vadd.bf16 v2, v1;
	v2 =	vld [tilespmem:s13+$0x90]  }
0x17a: {  	v10 =	vmul.bf16 v10, v10;
	v4 =	vld [tilespmem:s12+$0xFFFFFFA0];
	v9 =	vsub.bf16 v16, v9;
	v19 =	vsub.bf16 v19, v21  }
0x17b: {  	s17 =	simm.s32 $0x7;
	v16 =	vld [tilespmem:s12+$0x20];
	v12 =	vadd.bf16 v18, v12;
	v17 =	vunpack.i.u.bf16.f32 v1;
	v1 =	vunpack.i.l.bf16.f32 v1  }
0x17c: {  	v18 =	vmov s17;
	v15 =	vmul.bf16 v15, v15;
	v1 =	vadd.f32 v1, v17;
	v17 =	vld [tilespmem:s13+$0xFFFFFF60]  }
0x17d: {  	v21 =	vld [tilespmem:s12+$0x60];
	v18 =	vshrl.u32 v18, $0x3;
	v3 =	vmul.bf16 v3, v3;
	v7 =	vsub.bf16 v7, v8  }
0x17e: {  	v6 =	vmul.bf16 v6, v6;
	v8 =	vld [tilespmem:s13+$0xFFFFFFE0];
	v5 =	vsub.bf16 v5, v60;
	v2 =	vsub.bf16 v2, v13  }
0x17f: {  	v9 =	vmul.bf16 v9, v9;
	v3 =	vadd.bf16 v3, v15;
	v7 =	vmul.bf16 v7, v7;
	v13 =	vld [tilespmem:s13+$0x20]  }
0x180: {  	v15 =	vld [tilespmem:s13+$0x60];
	v4 =	vsub.bf16 v22, v4;
	v5 =	vmul.bf16 v5, v5;
	v2 =	vmul.bf16 v2, v2  }
0x181: {  	v18 =	vshll.u32 v18, v0;
	v6 =	vadd.bf16 v7, v6;
	v7 =	vsub.bf16 v17, v20;
	v17 =	vld [tilespmem:s13+$0xA0]  }
0x182: {  	v5 =	vadd.bf16 v2, v5;
	v2 =	vadd.bf16 v10, v9;
	v9 =	vmul.bf16 v19, v19;
	v10 =	vld [tilespmem:s12+$0xA0]  }
0x183: {  	v18 =	vadd.s32 $0x7, v18;
	v8 =	vsub.bf16 v8, v23;
	v19 =	vld [tilespmem:s13+$0xFFFFFF30];
	v7 =	vmul.bf16 v7, v7  }
0x184: {  	v4 =	vmul.bf16 v4, v4;
	v20 =	vadd.bf16 v9, v2;
	v2 =	vsub.bf16 v13, v16;
	v9 =	vld [tilespmem:s12+$0xFFFFFF30]  }
0x185: {  	v15 =	vsub.bf16 v15, v21;
	v13 =	vld [tilespmem:s13+$0xFFFFFF70];
	v11 =	vadd.bf16 v7, v11;
	v7 =	vmul.bf16 v8, v8  }
0x186: {  	s16 =	simm.s32 $0x0;
	v18 =	vbroadcast v18, $0x0;
	v14 =	vadd.bf16 v4, v14;
	v16 =	vld [tilespmem:s12+$0xFFFFFF70];
	v2 =	vmul.bf16 v2, v2  }
0x187: {  	(xrf2) =	vadd.scan.msk.f32 $0xffff, v1;
	v1 =	vmul.bf16 v15, v15;
	v8 =	vmov s16;
	v21 =	vadd.bf16 v7, v12;
	v12 =	vld [tilespmem:s13+$0xFFFFFFB0]  }
0x188: {  	s18 =	simm.s32 $0x1;
	s28 =	simm.s32 $0x2;
	s17 =	simm.s32 $0x3;
	v4 =	vshrl.u32 v8, $0x3;
	v8 =	vadd.bf16 v2, v3;
	v2 =	vsub.bf16 v17, v10;
	v3 =	vld [tilespmem:s12+$0xFFFFFFB0]  }
0x189: {  	v15 =	vmov s28;
	v10 =	vmov s18;
	v17 =	vmov s17  }
0x18a: {  	v22 =	vld [tilespmem:s12+$0xFFFFFFF0];
	s18 =	simm.s32 $0x4;
	v7 =	vsub.bf16 v19, v9;
	v9 =	vadd.bf16 v1, v6;
	v1 =	vmul.bf16 v2, v2  }
0x18b: {  	s28 =	simm.s32 $0x5;
	v19 =	vld [tilespmem:s13+$0xFFFFFFF0];
	v6 =	vshll.u32 v4, v0;
	v4 =	vmov s18;
	v13 =	vsub.bf16 v13, v16  }
0x18c: {  	v16 =	vld [tilespmem:s13+$0x30];
	v2 =	vmov s28;
	v23 =	vmul.bf16 v7, v7;
	v7 =	vadd.bf16 v1, v5  }
0x18d: {  	v5 =	vshrl.u32 v10, $0x3;
	v10 =	vshrl.u32 v15, $0x3;
	v15 =	vld [tilespmem:s12+$0x30];
	v12 =	vsub.bf16 v12, v3  }
0x18e: {  	v13 =	vmul.bf16 v13, v13;
	v3 =	vshrl.u32 v17, $0x3;
	v17 =	vadd.bf16 v23, v20;
	v20 =	vld [tilespmem:s13+$0x70]  }
0x18f: {  	v1 =	vbroadcast v6, $0x0;
	v6 =	vshll.u32 v5, v0;
	v23 =	vld [tilespmem:s12+$0x70];
	v12 =	vmul.bf16 v12, v12  }
0x190: {  	v5 =	vshll.u32 v10, v0;
	v61 =	vadd.bf16 v13, v11;
	v11 =	vld [tilespmem:s13+$0xB0];
	v19 =	vsub.bf16 v19, v22  }
0x191: {  	v13 =	vld [tilespmem:s12+$0xB0];
	s13 =	simm.s32 $0x7920;
	v22 =	vunpack.i.u.bf16.f32 v17;
	v17 =	vunpack.i.l.bf16.f32 v17;
	v62 =	vadd.bf16 v12, v14  }
0x192: {  	v10 =	vld [tilespmem:s13+$0xC0];
	v14, _, _ =	vpop (xrf2);
	v12 =	vadd.s32 $0x1, v6;
	v6 =	vsub.bf16 v16, v15;
	v16 =	vmul.bf16 v19, v19  }
0x193: {  	s14 =	simm.s32 $0x8D20;
	v63 =	vunpack.i.u.bf16.f32 v61;
	v24 =	vunpack.i.l.bf16.f32 v61;
	v22 =	vadd.f32 v17, v22;
	v15 =	vld [tilespmem:s13+$0xD0];
	[tilespmem:v18+s1+$0x0] =	vst.idx.msk vm0, v14  }
0x194: {  	v14 =	vld [tilespmem:s14+$0xC0];
	v18 =	vsub.bf16 v20, v23;
	v17 =	vadd.bf16 v16, v21;
	v19 =	vmul.bf16 v6, v6  }
0x195: {  	s17 =	simm.s32 $0x10;
	s12 =	simm.s32 $0x8;
	(xrf2) =	vadd.scan.msk.f32 $0xffff, v22;
	v16 =	vld [tilespmem:s14+$0xD0];
	v6 =	vadd.f32 v24, v63;
	v20 =	vunpack.i.u.bf16.f32 v62;
	v21 =	vunpack.i.l.bf16.f32 v62  }
.LBB2_5:
0x196: {  	p1 =	slt.u32 s17, $0x48;
	v22 =	vld [tilespmem:s13+$0xE0];
	v8 =	vadd.bf16 v19, v8;
	v18 =	vmul.bf16 v18, v18;
	v11 =	vsub.bf16 v11, v13  }
0x197: {  	v19 =	vadd.f32 v21, v20;
	v20 =	vunpack.i.u.bf16.f32 v17;
	v17 =	vunpack.i.l.bf16.f32 v17;
	v13 =	vld [tilespmem:s14+$0xE0]  }
0x198: {  	v21 =	vld [tilespmem:s13+$0xF0];
	v23 =	vunpack.i.u.bf16.f32 v8;
	v9 =	vadd.bf16 v18, v9;
	v11 =	vmul.bf16 v11, v11;
	(xrf2) =	vadd.scan.msk.f32 $0xffff, v6  }
0x199: {  	v12 =	vbroadcast v12, $0x0;
	v17 =	vadd.f32 v17, v20;
	v8 =	vunpack.i.l.bf16.f32 v8;
	v18 =	vld [tilespmem:s14+$0xF0]  }
0x19a: {  	v10 =	vsub.bf16 v10, v14;
	v6 =	vld [tilespmem:s14+$0xFFFFFF00];
	v14 =	vsub.bf16 v15, v16;
	v15 =	vunpack.i.u.bf16.f32 v9  }
0x19b: {  	v8 =	vadd.f32 v8, v23;
	v9 =	vunpack.i.l.bf16.f32 v9;
	v7 =	vadd.bf16 v11, v7;
	v16 =	vld [tilespmem:s13+$0xFFFFFF10];
	(xrf2) =	vadd.scan.msk.f32 $0xffff, v19  }
0x19c: {  	v10 =	vmul.bf16 v10, v10;
	v11 =	vld [tilespmem:s14+$0xFFFFFF10];
	v14 =	vmul.bf16 v14, v14;
	v13 =	vsub.bf16 v22, v13  }
0x19d: {  	v9 =	vadd.f32 v9, v15;
	v22 =	vunpack.i.u.bf16.f32 v7;
	v7 =	vunpack.i.l.bf16.f32 v7;
	v19 =	vld [tilespmem:s13+$0xFFFFFF40]  }
0x19e: {  	v20 =	vld [tilespmem:s14+$0xFFFFFF40];
	v10 =	vadd.bf16 v14, v10;
	v13 =	vmul.bf16 v13, v13;
	v14 =	vsub.bf16 v21, v18;
	(xrf2) =	vadd.scan.msk.f32 $0xffff, v17  }
0x19f: {  	v5 =	vadd.s32 $0x2, v5;
	v4 =	vshrl.u32 v4, $0x3;
	v7 =	vadd.f32 v7, v22;
	v17 =	vld [tilespmem:s13+$0xFFFFFF50];
	v15, _, _ =	vpop (xrf2)  }
0x1a0: {  	v18 =	vld [tilespmem:s14+$0xFFFFFF50];
	v10 =	vadd.bf16 v13, v10;
	v14 =	vmul.bf16 v14, v14;
	[tilespmem:v1+s1+$0x0] =	vst.idx.msk vm0, v15;
	v1 =	vbroadcast v5, $0x0  }
0x1a1: {  	v3 =	vshll.u32 v3, v0;
	v2 =	vshrl.u32 v2, $0x3;
	v5 =	vsub.bf16 v16, v11;
	v11 =	vld [tilespmem:s13+$0xFFFFFF80];
	(xrf2) =	vadd.scan.msk.f32 $0xffff, v8  }
0x1a2: {  	v3 =	vadd.s32 $0x3, v3;
	v4 =	vshll.u32 v4, v0;
	v8 =	vld [tilespmem:s14+$0xFFFFFF80];
	v10 =	vadd.bf16 v14, v10;
	v13, _, _ =	vpop (xrf2)  }
0x1a3: {  	v3 =	vbroadcast v3, $0x0;
	v5 =	vmul.bf16 v5, v5;
	v14 =	vsub.bf16 v19, v20;
	v15 =	vld [tilespmem:s13+$0xFFFFFF90];
	[tilespmem:v12+s1+$0x0] =	vst.idx.msk vm0, v13  }
0x1a4: {  	v4 =	vadd.s32 $0x4, v4;
	v12 =	vld [tilespmem:s14+$0xFFFFFF90];
	v19 =	vunpack.i.u.bf16.f32 v10;
	v10 =	vunpack.i.l.bf16.f32 v10;
	(xrf2) =	vadd.scan.msk.f32 $0xffff, v9  }
0x1a5: {  	v9 =	vmul.bf16 v14, v14;
	v18 =	vsub.bf16 v17, v18;
	v16 =	vld [tilespmem:s13+$0xFFFFFFC0];
	v10 =	vadd.f32 v10, v19;
	v13, _, _ =	vpop (xrf2)  }
0x1a6: {  	v2 =	vshll.u32 v2, v0;
	v17 =	vld [tilespmem:s14+$0xFFFFFFC0];
	[tilespmem:v1+s1+$0x0] =	vst.idx.msk vm0, v13;
	v1 =	vbroadcast v4, $0x0  }
0x1a7: {  	s6 =	sadd.s32 $0x7, s12;
	v2 =	vadd.s32 $0x5, v2;
	v4 =	vmul.bf16 v18, v18;
	v8 =	vsub.bf16 v11, v8;
	v11 =	vld [tilespmem:s13+$0xFFFFFFD0];
	(xrf2) =	vadd.scan.msk.f32 $0xffff, v10  }
0x1a8: {  	v2 =	vbroadcast v2, $0x0;
	v13 =	vmov s6;
	v10 =	vld [tilespmem:s14+$0xFFFFFFD0];
	v14, _, _ =	vpop (xrf2)  }
0x1a9: {  	s6 =	sadd.s32 $0x6, s16;
	s16 =	smov.u32 s12;
	s12 =	smov.u32 s17;
	v13 =	vshrl.u32 v13, $0x3;
	v8 =	vmul.bf16 v8, v8;
	v12 =	vsub.bf16 v15, v12;
	v15 =	vld [tilespmem:s13+$0x0];
	[tilespmem:v3+s1+$0x0] =	vst.idx.msk vm0, v14  }
0x1aa: {  	v3 =	vadd.bf16 v4, v9;
	v9 =	vshll.u32 v13, v0;
	v13 =	vmov s6;
	v4 =	vld [tilespmem:s14+$0x0];
	(xrf2) =	vadd.scan.msk.f32 $0xffff, v7  }
0x1ab: {  	v9 =	vadd.s32 $0x7, v9;
	v7 =	vmul.bf16 v12, v12;
	v12 =	vsub.bf16 v16, v17;
	v14 =	vld [tilespmem:s13+$0x10];
	v16, _, _ =	vpop (xrf2)  }
0x1ac: {  	v9 =	vbroadcast v9, $0x0;
	v17 =	vld [tilespmem:s14+$0x10];
	[tilespmem:v1+s1+$0x0] =	vst.idx.msk vm0, v16;
	v1 =	vshrl.u32 v13, $0x3  }
0x1ad: {  	v7 =	vadd.bf16 v7, v8;
	v8 =	vmul.bf16 v12, v12;
	v10 =	vsub.bf16 v11, v10;
	v11 =	vld [tilespmem:s13+$0x40]  }
0x1ae: {  	v1 =	vshll.u32 v1, v0;
	v12 =	vld [tilespmem:s14+$0x40];
	v13, _, _ =	vpop (xrf2)  }
0x1af: {  	v1 =	vadd.s32 $0x6, v1;
	v10 =	vmul.bf16 v10, v10;
	v4 =	vsub.bf16 v15, v4;
	v15 =	vld [tilespmem:s13+$0x50];
	[tilespmem:v2+s1+$0x0] =	vst.idx.msk vm0, v13  }
0x1b0: {  	v1 =	vbroadcast v1, $0x0;
	v2 =	vld [tilespmem:s14+$0x50]  }
0x1b1: {  	v8 =	vadd.bf16 v10, v8;
	v4 =	vmul.bf16 v4, v4;
	v10 =	vsub.bf16 v14, v17;
	v13 =	vld [tilespmem:s13+$0x80];
	v14, _, _ =	vpop (xrf2)  }
0x1b2: {  	v16 =	vld [tilespmem:s14+$0x80];
	[tilespmem:v9+s1+$0x0] =	vst.idx.msk vm0, v14  }
0x1b3: {  	v9 =	vmul.bf16 v10, v10;
	v10 =	vsub.bf16 v11, v12;
	v11 =	vld [tilespmem:s13+$0x90]  }
0x1b4: {  	v12 =	vld [tilespmem:s14+$0x90];
	v14, _, _ =	vpop (xrf2)  }
0x1b5: {  	v17 =	vld [tilespmem:s13+$0xFFFFFF00];
	v4 =	vadd.bf16 v9, v4;
	v9 =	vmul.bf16 v10, v10;
	v2 =	vsub.bf16 v15, v2  }
0x1b6: {  	v10 =	vld [tilespmem:s13+$0xFFFFFF20];
	[tilespmem:v1+s1+$0x0] =	vst.idx.msk vm0, v14  }
0x1b7: {  	v1 =	vld [tilespmem:s14+$0xFFFFFF20];
	v2 =	vmul.bf16 v2, v2;
	v13 =	vsub.bf16 v13, v16  }
0x1b8: {  	v14 =	vld [tilespmem:s13+$0xFFFFFF60]  }
0x1b9: {  	v15 =	vld [tilespmem:s14+$0xFFFFFF60];
	v2 =	vadd.bf16 v2, v9;
	v9 =	vmul.bf16 v13, v13;
	v11 =	vsub.bf16 v11, v12  }
0x1ba: {  	v6 =	vsub.bf16 v17, v6;
	v12 =	vld [tilespmem:s13+$0xFFFFFFA0]  }
0x1bb: {  	v13 =	vld [tilespmem:s14+$0xFFFFFFA0];
	v11 =	vmul.bf16 v11, v11  }
0x1bc: {  	v6 =	vmul.bf16 v6, v6;
	v1 =	vsub.bf16 v10, v1;
	v10 =	vld [tilespmem:s13+$0xFFFFFFE0]  }
0x1bd: {  	v16 =	vld [tilespmem:s14+$0xFFFFFFE0];
	v11 =	vadd.bf16 v11, v9  }
0x1be: {  	v5 =	vadd.bf16 v5, v6;
	v1 =	vmul.bf16 v1, v1;
	v6 =	vsub.bf16 v14, v15;
	v9 =	vld [tilespmem:s13+$0x20]  }
0x1bf: {  	v14 =	vld [tilespmem:s14+$0x20]  }
0x1c0: {  	v1 =	vadd.bf16 v1, v5;
	v5 =	vmul.bf16 v6, v6;
	v6 =	vsub.bf16 v12, v13;
	v12 =	vld [tilespmem:s13+$0x60]  }
0x1c1: {  	v13 =	vld [tilespmem:s14+$0x60]  }
0x1c2: {  	v15 =	vadd.bf16 v5, v3;
	v3 =	vmul.bf16 v6, v6;
	v5 =	vsub.bf16 v10, v16;
	v6 =	vld [tilespmem:s13+$0xA0]  }
0x1c3: {  	v10 =	vld [tilespmem:s14+$0xA0]  }
0x1c4: {  	v16 =	vld [tilespmem:s13+$0xFFFFFF30];
	v17 =	vadd.bf16 v3, v7;
	v3 =	vmul.bf16 v5, v5;
	v5 =	vsub.bf16 v9, v14  }
0x1c5: {  	v9 =	vmov s16;
	v7 =	vld [tilespmem:s14+$0xFFFFFF30]  }
0x1c6: {  	v14 =	vld [tilespmem:s13+$0xFFFFFF70];
	v18 =	vadd.bf16 v3, v8;
	v3 =	vmul.bf16 v5, v5;
	v5 =	vsub.bf16 v12, v13  }
0x1c7: {  	v12 =	vshrl.u32 v9, $0x3;
	v13 =	vld [tilespmem:s14+$0xFFFFFF70]  }
0x1c8: {  	s18 =	sadd.s32 $0x2, s16;
	s28 =	sadd.s32 $0x3, s16;
	s6 =	sadd.s32 $0x1, s16;
	v19 =	vld [tilespmem:s13+$0xFFFFFFB0];
	v8 =	vadd.bf16 v3, v4;
	v3 =	vmul.bf16 v5, v5;
	v4 =	vsub.bf16 v6, v10  }
0x1c9: {  	v20 =	vmov s28;
	v5 =	vmov s6;
	v10 =	vmov s18;
	v6 =	vld [tilespmem:s14+$0xFFFFFFB0]  }
0x1ca: {  	s6 =	sadd.s32 $0x4, s16;
	s18 =	sadd.s32 $0x5, s16;
	v7 =	vsub.bf16 v16, v7;
	v16 =	vld [tilespmem:s13+$0xFFFFFFF0];
	v9 =	vadd.bf16 v3, v2;
	v3 =	vmul.bf16 v4, v4  }
0x1cb: {  	v12 =	vshll.u32 v12, v0;
	v4 =	vmov s6;
	v2 =	vmov s18;
	v21 =	vld [tilespmem:s14+$0xFFFFFFF0]  }
0x1cc: {  	v22 =	vmul.bf16 v7, v7;
	v13 =	vsub.bf16 v14, v13;
	v14 =	vld [tilespmem:s13+$0x30];
	v7 =	vadd.bf16 v3, v11  }
0x1cd: {  	v5 =	vshrl.u32 v5, $0x3;
	v10 =	vshrl.u32 v10, $0x3;
	v3 =	vshrl.u32 v20, $0x3;
	v20 =	vld [tilespmem:s14+$0x30]  }
0x1ce: {  	v22 =	vadd.bf16 v22, v1;
	v11 =	vmul.bf16 v13, v13;
	v6 =	vsub.bf16 v19, v6;
	v23 =	vld [tilespmem:s13+$0x70]  }
0x1cf: {  	v1 =	vbroadcast v12, $0x0;
	v12 =	vshll.u32 v5, v0;
	v5 =	vshll.u32 v10, v0;
	v24 =	vld [tilespmem:s14+$0x70]  }
0x1d0: {  	v15 =	vadd.bf16 v11, v15;
	v6 =	vmul.bf16 v6, v6;
	v16 =	vsub.bf16 v16, v21;
	v11 =	vld [tilespmem:s13+$0xB0]  }
.Ltmp1:
0x1d1: {  	v12 =	vadd.s32 $0x1, v12;
	v19 =	vunpack.i.u.bf16.f32 v22;
	v21 =	vunpack.i.l.bf16.f32 v22;
	s13 =	sadd.s32 $0x200, s13;
	v13 =	vld [tilespmem:s14+$0xB0];
	(pc) =	sbr.rel @p1 .LBB2_5-.Ltmp1, $4  }
0x1d2: {  	s14 =	sadd.s32 $0x200, s14;
	v10 =	vld [tilespmem:s13+$0xC0];
	v22 =	vadd.bf16 v6, v17;
	v6 =	vmul.bf16 v16, v16;
	v16 =	vsub.bf16 v14, v20  }
0x1d3: {  	v25 =	vadd.f32 v21, v19;
	v20 =	vunpack.i.u.bf16.f32 v15;
	v21 =	vunpack.i.l.bf16.f32 v15;
	v14 =	vld [tilespmem:s14+$0xC0]  }
0x1d4: {  	v15 =	vld [tilespmem:s13+$0xD0];
	v17 =	vadd.bf16 v6, v18;
	v19 =	vmul.bf16 v16, v16;
	v18 =	vsub.bf16 v23, v24  }
0x1d5: {  	s17 =	sadd.s32 $0x8, s17;
	v6 =	vadd.f32 v21, v20;
	v20 =	vunpack.i.u.bf16.f32 v22;
	v21 =	vunpack.i.l.bf16.f32 v22;
	v16 =	vld [tilespmem:s14+$0xD0];
	(xrf2) =	vadd.scan.msk.f32 $0xffff, v25  }
0x1d6: {  	v22 =	vld [tilespmem:s13+$0xE0]  }
0x1d7: {  	v23 =	vld [tilespmem:s14+$0xE0]  }
0x1d8: {  	v24 =	vld [tilespmem:s13+$0xF0]  }
0x1d9: {  	v25 =	vld [tilespmem:s14+$0xF0]  }
0x1da: {  	v26 =	vld [tilespmem:s14+$0xFFFFFF00]  }
0x1db: {  	v27 =	vld [tilespmem:s13+$0xFFFFFF10]  }
0x1dc: {  	v28 =	vld [tilespmem:s14+$0xFFFFFF10]  }
0x1dd: {  	v29 =	vld [tilespmem:s13+$0xFFFFFF40]  }
0x1de: {  	v30 =	vld [tilespmem:s14+$0xFFFFFF40]  }
0x1df: {  	v31 =	vld [tilespmem:s13+$0xFFFFFF50]  }
0x1e0: {  	v32 =	vld [tilespmem:s14+$0xFFFFFF50]  }
0x1e1: {  	v33 =	vld [tilespmem:s13+$0xFFFFFF80]  }
0x1e2: {  	v34 =	vld [tilespmem:s14+$0xFFFFFF80]  }
0x1e3: {  	v35 =	vld [tilespmem:s13+$0xFFFFFF90]  }
0x1e4: {  	v8 =	vadd.bf16 v19, v8;
	v19 =	vld [tilespmem:s14+$0xFFFFFF90]  }
0x1e5: {  	v11 =	vsub.bf16 v11, v13;
	v13 =	vadd.f32 v21, v20;
	v20 =	vld [tilespmem:s13+$0xFFFFFFC0]  }
0x1e6: {  	v41 =	vld [tilespmem:s13+$0x10]  }
0x1e7: {  	v45 =	vld [tilespmem:s13+$0x50]  }
0x1e8: {  	v48 =	vld [tilespmem:s14+$0x50]  }
0x1e9: {  	v49 =	vld [tilespmem:s13+$0x80]  }
0x1ea: {  	v18 =	vmul.bf16 v18, v18;
	v51 =	vld [tilespmem:s14+$0x80]  }
0x1eb: {  	v12 =	vbroadcast v12, $0x0;
	v5 =	vadd.s32 $0x2, v5;
	v52 =	vshrl.u32 v4, $0x3;
	v53 =	vld [tilespmem:s13+$0xFFFFFF20]  }
0x1ec: {  	v3 =	vshll.u32 v3, v0;
	v2 =	vshrl.u32 v2, $0x3;
	v54 =	vld [tilespmem:s14+$0xFFFFFF20];
	s6 =	sadd.s32 $0x7, s12;
	v4 =	vbroadcast v5, $0x0  }
0x1ed: {  	v56 =	vld [tilespmem:s13+$0xFFFFFFA0];
	v3 =	vadd.s32 $0x3, v3;
	v55 =	vshll.u32 v2, v0;
	v57 =	vmov s6  }
0x1ee: {  	v58 =	vld [tilespmem:s13+$0xFFFFFFE0];
	v10 =	vsub.bf16 v10, v14;
	v9 =	vadd.bf16 v18, v9;
	v36 =	vmul.bf16 v11, v11  }
0x1ef: {  	v59 =	vld [tilespmem:s13+$0x20];
	v14 =	vsub.bf16 v15, v16;
	v16 =	vunpack.i.u.bf16.f32 v17;
	v17 =	vunpack.i.l.bf16.f32 v17  }
0x1f0: {  	v60 =	vld [tilespmem:s14+$0x20];
	v10 =	vmul.bf16 v10, v10;
	v40 =	vunpack.i.u.bf16.f32 v9;
	v7 =	vadd.bf16 v36, v7  }
0x1f1: {  	v38 =	vld [tilespmem:s14+$0xFFFFFF30];
	v42 =	vunpack.i.l.bf16.f32 v9;
	v21 =	vsub.bf16 v22, v23;
	v11 =	vadd.f32 v17, v16  }
0x1f2: {  	v18 =	vld [tilespmem:s13+$0xFFFFFFD0];
	v23 =	vunpack.i.u.bf16.f32 v8;
	v17 =	vsub.bf16 v24, v25;
	v44 =	vsub.bf16 v27, v28  }
0x1f3: {  	v15 =	vld [tilespmem:s14+$0xFFFFFFC0];
	v8 =	vunpack.i.l.bf16.f32 v8;
	v46 =	vsub.bf16 v29, v30;
	v31 =	vsub.bf16 v31, v32  }
0x1f4: {  	v36 =	vld [tilespmem:s13+$0xFFFFFF30];
	v50 =	vsub.bf16 v33, v34;
	v5 =	vsub.bf16 v35, v19;
	v34 =	vshll.u32 v52, v0  }
0x1f5: {  	v22 =	vld [tilespmem:s14+$0xFFFFFFD0];
	v27 =	vsub.bf16 v45, v48;
	v29 =	vsub.bf16 v49, v51;
	v30 =	vshrl.u32 v57, $0x3  }
0x1f6: {  	v16 =	vld [tilespmem:s13+$0x0];
	v14 =	vmul.bf16 v14, v14;
	v9 =	vadd.f32 v8, v23;
	v8 =	vadd.f32 v42, v40  }
0x1f7: {  	s18 =	sadd.s32 $0x1, s12;
	v19 =	vld [tilespmem:s13+$0x90];
	v43 =	vunpack.i.u.bf16.f32 v7;
	v7 =	vunpack.i.l.bf16.f32 v7;
	v30 =	vshll.u32 v30, v0  }
0x1f8: {  	v23 =	vld [tilespmem:s13+$0x40];
	v42 =	vmov s18;
	v28 =	vmul.bf16 v46, v46;
	v31 =	vmul.bf16 v31, v31  }
0x1f9: {  	v7 =	vadd.f32 v7, v43;
	v32 =	vmul.bf16 v50, v50;
	v24 =	vmul.bf16 v44, v44;
	v44 =	vld [tilespmem:s13+$0xFFFFFFF0]  }
0x1fa: {  	v5 =	vmul.bf16 v5, v5;
	v27 =	vmul.bf16 v27, v27;
	v30 =	vadd.s32 $0x7, v30;
	v46 =	vld [tilespmem:s14+$0xFFFFFFF0]  }
0x1fb: {  	s28 =	sadd.s32 $0x2, s12;
	v10 =	vadd.bf16 v14, v10;
	v14 =	vmul.bf16 v21, v21;
	v21 =	vld [tilespmem:s14+$0x0];
	v15 =	vsub.bf16 v20, v15  }
0x1fc: {  	v43 =	vmov s28;
	v20 =	vld [tilespmem:s14+$0x90];
	v28 =	vadd.bf16 v31, v28;
	v32 =	vadd.bf16 v5, v32  }
0x1fd: {  	s18 =	sadd.s32 $0x5, s12;
	v10 =	vadd.bf16 v14, v10;
	v14 =	vmul.bf16 v17, v17;
	v17 =	vld [tilespmem:s14+$0x10];
	v18 =	vsub.bf16 v18, v22  }
0x1fe: {  	v49 =	vmov s18;
	v31 =	vsub.bf16 v53, v54;
	v25 =	vsub.bf16 v36, v38;
	v22 =	vld [tilespmem:s13+$0xFFFFFF00]  }
0x1ff: {  	v5 =	vmul.bf16 v15, v15;
	v10 =	vadd.bf16 v14, v10;
	v14 =	vld [tilespmem:s14+$0x40];
	v18 =	vmul.bf16 v18, v18  }
0x200: {  	v15 =	vbroadcast v3, $0x0;
	v3 =	vadd.s32 $0x4, v34;
	v16 =	vsub.bf16 v16, v21;
	v21 =	vld [tilespmem:s13+$0xFFFFFF60]  }
0x201: {  	v37 =	vmul.bf16 v31, v31;
	v25 =	vmul.bf16 v25, v25;
	v18 =	vadd.bf16 v18, v5;
	v5 =	vld [tilespmem:s14+$0xFFFFFF60]  }
0x202: {  	v2 =	vbroadcast v3, $0x0;
	v19 =	vsub.bf16 v19, v20;
	v20 =	vld [tilespmem:s14+$0xFFFFFFE0];
	v17 =	vsub.bf16 v41, v17  }
0x203: {  	v39 =	vld [tilespmem:s13+$0xFFFFFF70];
	v31 =	vsub.bf16 v44, v46;
	v47 =	vunpack.i.u.bf16.f32 v10;
	v10 =	vunpack.i.l.bf16.f32 v10  }
0x204: {  	v40 =	vld [tilespmem:s14+$0xFFFFFF70];
	v16 =	vmul.bf16 v16, v16;
	v14 =	vsub.bf16 v23, v14;
	v17 =	vmul.bf16 v17, v17  }
0x205: {  	v3 =	vadd.s32 $0x5, v55;
	v10 =	vadd.f32 v10, v47;
	v22 =	vsub.bf16 v22, v26;
	v23 =	vld [tilespmem:s14+$0xFFFFFFA0]  }
0x206: {  	v61 =	vld [tilespmem:s14+$0x60];
	(xrf2) =	vadd.scan.msk.f32 $0xffff, v6;
	v26 =	vsub.bf16 v59, v60;
	v14 =	vmul.bf16 v14, v14;
	v16 =	vadd.bf16 v17, v16  }
0x207: {  	v62 =	vld [tilespmem:s13+$0xA0];
	v3 =	vbroadcast v3, $0x0;
	v21 =	vsub.bf16 v21, v5;
	v20 =	vsub.bf16 v58, v20  }
0x208: {  	v27 =	vadd.bf16 v27, v14;
	v14 =	vmul.bf16 v19, v19;
	v19 =	vmul.bf16 v22, v22;
	v22 =	vld [tilespmem:s13+$0x60]  }
0x209: {  	v63 =	vld [tilespmem:s14+$0xA0];
	(xrf2) =	vadd.scan.msk.f32 $0xffff, v13;
	v17 =	vmul.bf16 v29, v29;
	v29 =	vsub.bf16 v39, v40;
	v20 =	vmul.bf16 v20, v20  }
0x20a: {  	v41 =	vld [tilespmem:s13+$0xFFFFFFB0];
	v5 =	vbroadcast v30, $0x0;
	v21 =	vmul.bf16 v21, v21;
	v23 =	vsub.bf16 v56, v23  }
0x20b: {  	s17 =	sadd.s32 $0x6, s16;
	v29 =	vmul.bf16 v29, v29;
	v17 =	vadd.bf16 v14, v17;
	v18 =	vadd.bf16 v20, v18;
	v20 =	vld [tilespmem:s14+$0xFFFFFFB0]  }
0x20c: {  	v14 =	vmov s17;
	v19 =	vadd.bf16 v24, v19;
	v6 =	vadd.bf16 v21, v28  }
0x20d: {  	v21 =	vmul.bf16 v26, v26;
	v24 =	vshrl.u32 v42, $0x3;
	v22 =	vsub.bf16 v22, v61  }
0x20e: {  	(xrf2) =	vadd.scan.msk.f32 $0xffff, v11;
	v28 =	vshrl.u32 v43, $0x3;
	v14 =	vshrl.u32 v14, $0x3;
	v23 =	vmul.bf16 v23, v23  }
0x20f: {  	v52 =	vld [tilespmem:s13+$0xB0];
	v51, _, _ =	vpop (xrf2);
	v16 =	vadd.bf16 v21, v16;
	v21 =	vmul.bf16 v22, v22;
	v22 =	vsub.bf16 v62, v63  }
0x210: {  	v50 =	vld [tilespmem:s14+$0x70];
	[tilespmem:v1+s1+$0x0] =	vst.idx.msk vm0, v51;
	v1, _, _ =	vpop (xrf2);
	v13 =	vadd.bf16 v23, v32;
	v23 =	vmov s12;
	v20 =	vsub.bf16 v41, v20  }
0x211: {  	[tilespmem:v12+s1+$0x0] =	vst.idx.msk vm0, v1;
	v47 =	vld [tilespmem:s14+$0x30];
	v23 =	vshrl.u32 v23, $0x3;
	v11 =	vadd.bf16 v21, v27;
	v21 =	vmul.bf16 v22, v22  }
0x212: {  	v19 =	vadd.bf16 v37, v19;
	v22 =	vshll.u32 v23, v0;
	v23 =	vld [tilespmem:s13+$0x30];
	v20 =	vmul.bf16 v20, v20  }
0x213: {  	v1, _, _ =	vpop (xrf2);
	v12 =	vshll.u32 v24, v0;
	v6 =	vadd.bf16 v29, v6;
	v17 =	vadd.bf16 v21, v17;
	v21 =	vld [tilespmem:s13+$0x70]  }
0x214: {  	[tilespmem:v4+s1+$0x0] =	vst.idx.msk vm0, v1;
	v4 =	vadd.s32 $0x1, v12;
	v12 =	vmul.bf16 v31, v31;
	v13 =	vadd.bf16 v20, v13;
	v20 =	vld [tilespmem:s14+$0xB0]  }
0x215: {  	(xrf2) =	vadd.scan.msk.f32 $0xffff, v9;
	s17 =	sadd.s32 $0x3, s12;
	v19 =	vadd.bf16 v25, v19;
	v9 =	vunpack.i.u.bf16.f32 v6;
	v6 =	vunpack.i.l.bf16.f32 v6  }
0x216: {  	(xrf2) =	vadd.scan.msk.f32 $0xffff, v8;
	v45 =	vmov s17;
	v8 =	vadd.bf16 v12, v18;
	v6 =	vadd.f32 v6, v9  }
0x217: {  	(xrf2) =	vadd.scan.msk.f32 $0xffff, v10;
	v54 =	vunpack.i.u.bf16.f32 v19;
	v1 =	vunpack.i.l.bf16.f32 v19;
	v23 =	vsub.bf16 v23, v47  }
0x218: {  	v10, _, _ =	vpop (xrf2);
	(xrf2) =	vadd.scan.msk.f32 $0xffff, v7;
	v1 =	vadd.f32 v1, v54;
	v9 =	vunpack.i.u.bf16.f32 v13;
	v18 =	vsub.bf16 v21, v50  }
0x219: {  	[tilespmem:v15+s1+$0x0] =	vst.idx.msk vm0, v10;
	v10 =	vunpack.i.l.bf16.f32 v13;
	v12 =	vmul.bf16 v23, v23;
	v19 =	vsub.bf16 v52, v20  }
0x21a: {  	(xrf2) =	vadd.scan.msk.f32 $0xffff, v1;
	v1 =	vunpack.i.l.bf16.f32 v8;
	v7 =	vadd.f32 v10, v9;
	v13 =	vmul.bf16 v18, v18  }
0x21b: {  	v9 =	vunpack.i.u.bf16.f32 v8;
	v12 =	vadd.bf16 v12, v16;
	v10 =	vmul.bf16 v19, v19  }
0x21c: {  	v14 =	vshll.u32 v14, v0;
	v1 =	vadd.f32 v1, v9;
	v11 =	vadd.bf16 v13, v11  }
0x21d: {  	(xrf2) =	vadd.scan.msk.f32 $0xffff, v6;
	v8 =	vunpack.i.u.bf16.f32 v12;
	v6 =	vunpack.i.l.bf16.f32 v12;
	v9 =	vadd.bf16 v10, v17  }
0x21e: {  	s17 =	sadd.s32 $0x4, s12;
	v6 =	vadd.f32 v6, v8;
	v10 =	vunpack.i.u.bf16.f32 v11;
	v8 =	vunpack.i.l.bf16.f32 v11  }
0x21f: {  	v48 =	vmov s17;
	v53 =	vshrl.u32 v45, $0x3;
	(xrf2) =	vadd.scan.msk.f32 $0xffff, v7;
	v7 =	vadd.f32 v8, v10  }
0x220: {  	v14 =	vadd.s32 $0x6, v14;
	v8 =	vunpack.i.u.bf16.f32 v9;
	v9 =	vunpack.i.l.bf16.f32 v9  }
0x221: {  	v4 =	vbroadcast v4, $0x0;
	(xrf2) =	vadd.scan.msk.f32 $0xffff, v1;
	v1 =	vshll.u32 v28, v0;
	v8 =	vadd.f32 v9, v8  }
0x222: {  	v14 =	vbroadcast v14, $0x0;
	v1 =	vadd.s32 $0x2, v1;
	(xrf2) =	vadd.scan.msk.f32 $0xffff, v6;
	v9 =	vshll.u32 v53, v0  }
0x223: {  	s28 =	sadd.s32 $0x6, s12;
	v22 =	vbroadcast v22, $0x0;
	v1 =	vbroadcast v1, $0x0;
	(xrf2) =	vadd.scan.msk.f32 $0xffff, v7;
	v9 =	vadd.s32 $0x3, v9;
	v7, _, _ =	vpop (xrf2)  }
0x224: {  	v6 =	vshrl.u32 v48, $0x3;
	(xrf2) =	vadd.scan.msk.f32 $0xffff, v8;
	[tilespmem:v2+s1+$0x0] =	vst.idx.msk vm0, v7;
	v7 =	vmov s28  }
0x225: {  	v10 =	vshrl.u32 v49, $0x3;
	v8, _, _ =	vpop (xrf2);
	v2 =	vshll.u32 v6, v0;
	v7 =	vshrl.u32 v7, $0x3  }
0x226: {  	v6 =	vbroadcast v9, $0x0;
	v9, _, _ =	vpop (xrf2);
	[tilespmem:v3+s1+$0x0] =	vst.idx.msk vm0, v8;
	v2 =	vadd.s32 $0x4, v2;
	v3 =	vshll.u32 v10, v0  }
0x227: {  	v8, _, _ =	vpop (xrf2);
	[tilespmem:v5+s1+$0x0] =	vst.idx.msk vm0, v9;
	v2 =	vbroadcast v2, $0x0;
	v3 =	vadd.s32 $0x5, v3;
	v5 =	vshll.u32 v7, v0  }
0x228: {  	[tilespmem:v14+s1+$0x0] =	vst.idx.msk vm0, v8;
	v3 =	vbroadcast v3, $0x0;
	v5 =	vadd.s32 $0x6, v5;
	v7, _, _ =	vpop (xrf2)  }
0x229: {  	v5 =	vbroadcast v5, $0x0;
	v8, _, _ =	vpop (xrf2);
	[tilespmem:v22+s1+$0x0] =	vst.idx.msk vm0, v7  }
0x22a: {  	v7, _, _ =	vpop (xrf2);
	[tilespmem:v4+s1+$0x0] =	vst.idx.msk vm0, v8  }
0x22b: {  	[tilespmem:v1+s1+$0x0] =	vst.idx.msk vm0, v7;
	v1, _, _ =	vpop (xrf2)  }
0x22c: {  	[tilespmem:v6+s1+$0x0] =	vst.idx.msk vm0, v1;
	v1, _, _ =	vpop (xrf2)  }
0x22d: {  	[tilespmem:v2+s1+$0x0] =	vst.idx.msk vm0, v1;
	v1, _, _ =	vpop (xrf2)  }
0x22e: {  	[tilespmem:v3+s1+$0x0] =	vst.idx.msk vm0, v1;
	v1, _, _ =	vpop (xrf2)  }
0x22f: {  	[tilespmem:v5+s1+$0x0] =	vst.idx.msk vm0, v1  }
0x230: {  	v1 =	vld [tilespmem:$0xC670];
	_ =	sdelay $0x4  }
0x231: {  	v1 =	vadd.f32 $-1.000000000e+00, v1;
	_ =	sdelay $0x1  }
0x232: {  	v1 =	vmul.f32 $1.442695020e+00, v1;
	_ =	sdelay $0x1  }
0x233: {  	(erf) = vpow2.f32 v1;
	_ =	sdelay $0x3  }
0x234: {  	v1 =	vld [tilespmem:$0xC680];
	_ =	sdelay $0x4  }
0x235: {  	v1 =	vadd.f32 $-1.000000000e+00, v1;
	v2 =	vpop (erf)  }
0x236: {  	v2 =	vadd.f32 $1.000000000e+00, v2  }
0x237: {  	v1 =	vmul.f32 $1.442695020e+00, v1  }
0x238: {  	(erf) = vrcp.f32 v2  }
0x239: {  	(erf) = vpow2.f32 v1;
	_ =	sdelay $0x3  }
0x23a: {  	v1 =	vld [tilespmem:$0xC690];
	_ =	sdelay $0x3  }
0x23b: {  	v2 =	vpop (erf)  }
0x23c: {  	v1 =	vadd.f32 $-1.000000000e+00, v1;
	v3 =	vpop (erf)  }
0x23d: {  	v3 =	vadd.f32 $1.000000000e+00, v3  }
0x23e: {  	v1 =	vmul.f32 $1.442695020e+00, v1  }
0x23f: {  	(erf) = vrcp.f32 v3  }
0x240: {  	(erf) = vpow2.f32 v1;
	_ =	sdelay $0x3  }
0x241: {  	v1 =	vld [tilespmem:$0xC6A0];
	_ =	sdelay $0x3  }
0x242: {  	v3 =	vpop (erf)  }
0x243: {  	v1 =	vadd.f32 $-1.000000000e+00, v1;
	v4 =	vpop (erf)  }
0x244: {  	v4 =	vadd.f32 $1.000000000e+00, v4  }
0x245: {  	v1 =	vmul.f32 $1.442695020e+00, v1  }
0x246: {  	(erf) = vrcp.f32 v4  }
0x247: {  	(erf) = vpow2.f32 v1;
	_ =	sdelay $0x3  }
0x248: {  	v1 =	vld [tilespmem:$0xC6B0];
	_ =	sdelay $0x3  }
0x249: {  	v4 =	vpop (erf)  }
0x24a: {  	v1 =	vadd.f32 $-1.000000000e+00, v1;
	v5 =	vpop (erf)  }
0x24b: {  	v5 =	vadd.f32 $1.000000000e+00, v5  }
0x24c: {  	v1 =	vmul.f32 $1.442695020e+00, v1  }
0x24d: {  	(erf) = vrcp.f32 v5  }
0x24e: {  	(erf) = vpow2.f32 v1;
	_ =	sdelay $0x7  }
0x24f: {  	v1 =	vpop (erf)  }
0x250: {  	v5 =	vpop (erf)  }
0x251: {  	v5 =	vadd.f32 $1.000000000e+00, v5;
	_ =	sdelay $0x1  }
0x252: {  	(erf) = vrcp.f32 v5;
	_ =	sdelay $0x5  }
0x253: {  	[tilespmem:$0xC670] =	vst v2  }
0x254: {  	[tilespmem:$0xC680] =	vst v3  }
0x255: {  	s12 =	sadd.s32 s9, s10;
	[tilespmem:$0xC690] =	vst v4  }
0x256: {  	s6 =	sshrl.u32 s12, $0x3;
	[tilespmem:$0xC6A0] =	vst v1;
	v1 =	vpop (erf)  }
0x257: {  	s6 =	sadd.s32 s2, s6;
	[tilespmem:$0xC6B0] =	vst v1  }
0x258: {  	[hbm4b:s6+s4] =	stream.linear.scatter [tilespmem:s1], [sflag:$0x6], $0x50, $0x38;
	[tilespmem:$0x16350] =	vst v63  }
0x259: {  	s13 =	sadd.s32 $0x140, s9  }
0x25a: {  	[tilespmem:s22], [sflag:$0x3] =	stream.indirect.gather [spmem:s3], $0x40, s13, s19, $0xb8;
	[tilespmem:$0x16350] =	vst v63  }
0x25b: {  	s14 =	sadd.s32 $0x2850, s9  }
0x25c: {  	[tilespmem:s24], [sflag:$0x3] =	stream.indirect.gather [spmem:s3], $0x40, s14, s19, $0xb8;
	[tilespmem:$0x16350] =	vst v63  }
0x25d: {  	_ =	swait.ge [sflag:s23], $0x1400  }
0x25e: {  	[sflag:s23] =	ssyncset.done $0x0  }
0x25f: {  	[sflag:s23] =	ssyncadd.s32 $0xFFFFEC00  }
0x260: {  	_ =	swait.ge [sflag:s23], $0x1400  }
0x261: {  	[sflag:s23] =	ssyncset.done $0x0  }
0x262: {  	s6 =	simm.s32 @!p0 $0x7;
	[sflag:s23] =	ssyncadd.s32 $0xFFFFEC00  }
0x263: {  	_ =	swait.ge @!p0 [sflag:s6], $0x50  }
0x264: {  	[sflag:s6] =	ssyncset.done @!p0 $0x0  }
0x265: {  	s14 =	simm.s32 $0x9F20;
	[sflag:s6] =	ssyncadd.s32 @!p0 $0xFFFFFFB0  }
0x266: {  	s12 =	simm.s32 $0xB320;
	v1 =	vld [tilespmem:s14+$0xC0]  }
0x267: {  	v2 =	vld [tilespmem:s12+$0xC0]  }
0x268: {  	v3 =	vld [tilespmem:s14+$0xD0]  }
0x269: {  	v4 =	vld [tilespmem:s12+$0xD0]  }
0x26a: {  	v5 =	vld [tilespmem:s14+$0xE0]  }
0x26b: {  	v6 =	vld [tilespmem:s12+$0xE0]  }
0x26c: {  	v7 =	vld [tilespmem:s14+$0xF0]  }
0x26d: {  	v8 =	vld [tilespmem:s12+$0xF0]  }
0x26e: {  	v9 =	vld [tilespmem:s12+$0xFFFFFF00]  }
0x26f: {  	v10 =	vld [tilespmem:s14+$0xFFFFFF10]  }
0x270: {  	v11 =	vld [tilespmem:s12+$0xFFFFFF10]  }
0x271: {  	v12 =	vld [tilespmem:s14+$0xFFFFFF40]  }
0x272: {  	v13 =	vld [tilespmem:s12+$0xFFFFFF40]  }
0x273: {  	v14 =	vld [tilespmem:s14+$0xFFFFFF50]  }
0x274: {  	v15 =	vld [tilespmem:s12+$0xFFFFFF50]  }
0x275: {  	v16 =	vld [tilespmem:s14+$0xFFFFFF80]  }
0x276: {  	v17 =	vld [tilespmem:s12+$0xFFFFFF80]  }
0x277: {  	v18 =	vld [tilespmem:s14+$0xFFFFFF90]  }
0x278: {  	v19 =	vld [tilespmem:s12+$0xFFFFFF90]  }
0x279: {  	v20 =	vld [tilespmem:s14+$0xFFFFFFC0]  }
0x27a: {  	v21 =	vld [tilespmem:s12+$0xFFFFFFC0]  }
0x27b: {  	v22 =	vld [tilespmem:s14+$0xFFFFFFD0]  }
0x27c: {  	v23 =	vld [tilespmem:s12+$0xFFFFFFD0]  }
0x27d: {  	v55 =	vld [tilespmem:s14+$0x0]  }
0x27e: {  	v56 =	vld [tilespmem:s12+$0x0]  }
0x27f: {  	v57 =	vld [tilespmem:s12+$0x40]  }
0x280: {  	v58 =	vld [tilespmem:s12+$0x80]  }
0x281: {  	v1 =	vsub.bf16 v1, v2;
	v2 =	vsub.bf16 v3, v4;
	v3 =	vld [tilespmem:s14+$0x10]  }
0x282: {  	v4 =	vld [tilespmem:s12+$0x10]  }
0x283: {  	v5 =	vsub.bf16 v5, v6;
	v6 =	vld [tilespmem:s14+$0x40]  }
0x284: {  	v10 =	vsub.bf16 v10, v11;
	v11 =	vsub.bf16 v12, v13;
	v13 =	vld [tilespmem:s12+$0x90]  }
0x285: {  	v12 =	vsub.bf16 v14, v15;
	v14 =	vsub.bf16 v16, v17;
	v16 =	vld [tilespmem:s14+$0xFFFFFF00]  }
0x286: {  	v15 =	vsub.bf16 v18, v19;
	v19 =	vld [tilespmem:s14+$0xFFFFFF20]  }
0x287: {  	v18 =	vsub.bf16 v20, v21;
	v21 =	vld [tilespmem:s12+$0xFFFFFF20];
	v1 =	vmul.bf16 v1, v1;
	v2 =	vmul.bf16 v2, v2  }
0x288: {  	v20 =	vsub.bf16 v22, v23;
	v22 =	vld [tilespmem:s14+$0xFFFFFFA0];
	v11 =	vmul.bf16 v11, v11;
	v12 =	vmul.bf16 v12, v12  }
0x289: {  	v23 =	vld [tilespmem:s12+$0xFFFFFFE0];
	v14 =	vmul.bf16 v14, v14;
	v15 =	vmul.bf16 v15, v15  }
0x28a: {  	v1 =	vadd.bf16 v2, v1;
	v2 =	vmul.bf16 v5, v5;
	v5 =	vsub.bf16 v7, v8;
	v7 =	vld [tilespmem:s14+$0x50]  }
0x28b: {  	v8 =	vld [tilespmem:s12+$0x50];
	v11 =	vadd.bf16 v12, v11;
	v12 =	vmul.bf16 v18, v18  }
0x28c: {  	v18 =	vmul.bf16 v20, v20;
	v20 =	vld [tilespmem:s12+$0xFFFFFF60];
	v14 =	vadd.bf16 v15, v14;
	v15 =	vsub.bf16 v55, v56  }
0x28d: {  	v3 =	vsub.bf16 v3, v4;
	v4 =	vld [tilespmem:s12+$0xFFFFFFA0];
	v1 =	vadd.bf16 v2, v1;
	v2 =	vmul.bf16 v5, v5  }
0x28e: {  	v5 =	vld [tilespmem:s14+$0x80]  }
0x28f: {  	v15 =	vmul.bf16 v15, v15;
	v3 =	vmul.bf16 v3, v3;
	v1 =	vadd.bf16 v2, v1;
	v2 =	vld [tilespmem:s14+$0x90]  }
0x290: {  	v6 =	vsub.bf16 v6, v57;
	v19 =	vsub.bf16 v19, v21;
	v21 =	vld [tilespmem:s12+$0x60]  }
0x291: {  	v3 =	vadd.bf16 v3, v15;
	v15 =	vld [tilespmem:s14+$0x60];
	v17 =	vunpack.i.u.bf16.f32 v1;
	v1 =	vunpack.i.l.bf16.f32 v1  }
0x292: {  	v10 =	vmul.bf16 v10, v10;
	v7 =	vsub.bf16 v7, v8;
	v1 =	vadd.f32 v1, v17;
	v17 =	vld [tilespmem:s14+$0xFFFFFF60]  }
0x293: {  	v9 =	vsub.bf16 v16, v9;
	v16 =	vld [tilespmem:s12+$0x20];
	v12 =	vadd.bf16 v18, v12;
	v6 =	vmul.bf16 v6, v6  }
0x294: {  	s16 =	simm.s32 $0x7;
	v8 =	vld [tilespmem:s14+$0xFFFFFFE0];
	v5 =	vsub.bf16 v5, v58;
	v7 =	vmul.bf16 v7, v7;
	v2 =	vsub.bf16 v2, v13  }
0x295: {  	v18 =	vmov s16;
	v9 =	vmul.bf16 v9, v9;
	v4 =	vsub.bf16 v22, v4;
	v13 =	vld [tilespmem:s14+$0x20]  }
0x296: {  	v5 =	vmul.bf16 v5, v5;
	v6 =	vadd.bf16 v7, v6;
	v2 =	vmul.bf16 v2, v2  }
0x297: {  	v18 =	vshrl.u32 v18, $0x3;
	v15 =	vsub.bf16 v15, v21;
	v21 =	vld [tilespmem:s12+$0xFFFFFF70];
	v7 =	vsub.bf16 v17, v20  }
0x298: {  	v17 =	vld [tilespmem:s14+$0xA0];
	v5 =	vadd.bf16 v2, v5;
	v2 =	vadd.bf16 v10, v9;
	v9 =	vmul.bf16 v19, v19  }
0x299: {  	v18 =	vshll.u32 v18, v0;
	v8 =	vsub.bf16 v8, v23;
	v10 =	vld [tilespmem:s12+$0xA0];
	v7 =	vmul.bf16 v7, v7  }
0x29a: {  	v4 =	vmul.bf16 v4, v4;
	v19 =	vld [tilespmem:s14+$0xFFFFFF30];
	v20 =	vadd.bf16 v9, v2;
	v2 =	vsub.bf16 v13, v16  }
0x29b: {  	v18 =	vadd.s32 $0x7, v18;
	v13 =	vld [tilespmem:s12+$0xFFFFFF30];
	v11 =	vadd.bf16 v7, v11;
	v7 =	vmul.bf16 v8, v8  }
0x29c: {  	s17 =	simm.s32 $0x1;
	v18 =	vbroadcast v18, $0x0;
	v22 =	vadd.bf16 v4, v14;
	v16 =	vld [tilespmem:s14+$0xFFFFFF70];
	v2 =	vmul.bf16 v2, v2  }
0x29d: {  	s13 =	simm.s32 $0x0;
	(xrf2) =	vadd.scan.msk.f32 $0xffff, v1;
	v14 =	vmov s17;
	v1 =	vmul.bf16 v15, v15;
	v23 =	vadd.bf16 v7, v12;
	v12 =	vld [tilespmem:s14+$0xFFFFFFB0]  }
0x29e: {  	s18 =	simm.s32 $0x2;
	v8 =	vmov s13;
	v9 =	vadd.bf16 v2, v3;
	v2 =	vsub.bf16 v17, v10;
	v10 =	vld [tilespmem:s12+$0xFFFFFFB0]  }
0x29f: {  	v15 =	vmov s18;
	v4 =	vshrl.u32 v8, $0x3;
	v8 =	vadd.bf16 v1, v6  }
0x2a0: {  	s28 =	simm.s32 $0x3;
	s18 =	simm.s32 $0x4;
	v6 =	vshll.u32 v4, v0;
	v7 =	vsub.bf16 v19, v13;
	v13 =	vld [tilespmem:s14+$0xFFFFFFF0];
	v1 =	vmul.bf16 v2, v2  }
0x2a1: {  	v17 =	vmov s28;
	v3 =	vmov s18;
	v19 =	vld [tilespmem:s12+$0xFFFFFFF0];
	v16 =	vsub.bf16 v16, v21  }
0x2a2: {  	v21 =	vld [tilespmem:s14+$0x30];
	v4 =	vshrl.u32 v17, $0x3;
	v59 =	vmul.bf16 v7, v7;
	v7 =	vadd.bf16 v1, v5  }
0x2a3: {  	s28 =	simm.s32 $0x5;
	v5 =	vshrl.u32 v14, $0x3;
	v14 =	vshrl.u32 v15, $0x3;
	v15 =	vld [tilespmem:s12+$0x30];
	v10 =	vsub.bf16 v12, v10  }
0x2a4: {  	v2 =	vmov s28;
	v1 =	vbroadcast v6, $0x0;
	v12 =	vmul.bf16 v16, v16;
	v16 =	vld [tilespmem:s14+$0x70]  }
0x2a5: {  	v17 =	vadd.bf16 v59, v20;
	v6 =	vshll.u32 v5, v0;
	v20 =	vld [tilespmem:s12+$0x70];
	v10 =	vmul.bf16 v10, v10  }
0x2a6: {  	v5 =	vshll.u32 v14, v0;
	v14 =	vld [tilespmem:s12+$0xB0];
	v13 =	vsub.bf16 v13, v19;
	v60 =	vadd.bf16 v12, v11  }
0x2a7: {  	v12 =	vld [tilespmem:s14+$0xB0];
	v19 =	vunpack.i.u.bf16.f32 v17;
	v17 =	vunpack.i.l.bf16.f32 v17;
	s14 =	simm.s32 $0xA120;
	v22 =	vadd.bf16 v10, v22  }
0x2a8: {  	s16 =	simm.s32 $0xB520;
	v61, _, _ =	vpop (xrf2);
	v11 =	vld [tilespmem:s14+$0xC0];
	v10 =	vadd.s32 $0x1, v6;
	v6 =	vsub.bf16 v21, v15;
	v21 =	vmul.bf16 v13, v13  }
0x2a9: {  	[tilespmem:v18+s25+$0x0] =	vst.idx.msk vm0, v61;
	v62 =	vadd.f32 v17, v19;
	v13 =	vld [tilespmem:s16+$0xC0];
	v63 =	vunpack.i.u.bf16.f32 v60;
	v24 =	vunpack.i.l.bf16.f32 v60  }
0x2aa: {  	v15 =	vld [tilespmem:s14+$0xD0];
	v19 =	vsub.bf16 v16, v20;
	v17 =	vadd.bf16 v21, v23;
	v18 =	vmul.bf16 v6, v6  }
0x2ab: {  	s17 =	simm.s32 $0x10;
	s12 =	simm.s32 $0x8;
	v16 =	vld [tilespmem:s16+$0xD0];
	(xrf2) =	vadd.scan.msk.f32 $0xffff, v62;
	v6 =	vadd.f32 v24, v63;
	v20 =	vunpack.i.u.bf16.f32 v22;
	v21 =	vunpack.i.l.bf16.f32 v22  }
.LBB2_7:
0x2ac: {  	p0 =	slt.u32 s17, $0x48;
	v22 =	vld [tilespmem:s14+$0xE0];
	v9 =	vadd.bf16 v18, v9;
	v18 =	vmul.bf16 v19, v19;
	v12 =	vsub.bf16 v12, v14  }
0x2ad: {  	v19 =	vadd.f32 v21, v20;
	v20 =	vunpack.i.u.bf16.f32 v17;
	v17 =	vunpack.i.l.bf16.f32 v17;
	v14 =	vld [tilespmem:s16+$0xE0]  }
0x2ae: {  	v21 =	vld [tilespmem:s14+$0xF0];
	v23 =	vunpack.i.u.bf16.f32 v9;
	v8 =	vadd.bf16 v18, v8;
	v12 =	vmul.bf16 v12, v12;
	(xrf2) =	vadd.scan.msk.f32 $0xffff, v6  }
0x2af: {  	v10 =	vbroadcast v10, $0x0;
	v17 =	vadd.f32 v17, v20;
	v9 =	vunpack.i.l.bf16.f32 v9;
	v18 =	vld [tilespmem:s16+$0xF0]  }
0x2b0: {  	v11 =	vsub.bf16 v11, v13;
	v6 =	vld [tilespmem:s16+$0xFFFFFF00];
	v13 =	vsub.bf16 v15, v16;
	v15 =	vunpack.i.u.bf16.f32 v8  }
0x2b1: {  	v9 =	vadd.f32 v9, v23;
	v8 =	vunpack.i.l.bf16.f32 v8;
	v7 =	vadd.bf16 v12, v7;
	v16 =	vld [tilespmem:s14+$0xFFFFFF10];
	(xrf2) =	vadd.scan.msk.f32 $0xffff, v19  }
0x2b2: {  	v11 =	vmul.bf16 v11, v11;
	v12 =	vld [tilespmem:s16+$0xFFFFFF10];
	v13 =	vmul.bf16 v13, v13;
	v14 =	vsub.bf16 v22, v14  }
0x2b3: {  	v8 =	vadd.f32 v8, v15;
	v22 =	vunpack.i.u.bf16.f32 v7;
	v7 =	vunpack.i.l.bf16.f32 v7;
	v19 =	vld [tilespmem:s14+$0xFFFFFF40]  }
0x2b4: {  	v20 =	vld [tilespmem:s16+$0xFFFFFF40];
	v11 =	vadd.bf16 v13, v11;
	v13 =	vmul.bf16 v14, v14;
	v14 =	vsub.bf16 v21, v18;
	(xrf2) =	vadd.scan.msk.f32 $0xffff, v17  }
0x2b5: {  	v5 =	vadd.s32 $0x2, v5;
	v3 =	vshrl.u32 v3, $0x3;
	v7 =	vadd.f32 v7, v22;
	v17 =	vld [tilespmem:s14+$0xFFFFFF50];
	v15, _, _ =	vpop (xrf2)  }
0x2b6: {  	v18 =	vld [tilespmem:s16+$0xFFFFFF50];
	v11 =	vadd.bf16 v13, v11;
	v14 =	vmul.bf16 v14, v14;
	[tilespmem:v1+s25+$0x0] =	vst.idx.msk vm0, v15;
	v1 =	vbroadcast v5, $0x0  }
0x2b7: {  	v4 =	vshll.u32 v4, v0;
	v2 =	vshrl.u32 v2, $0x3;
	v5 =	vsub.bf16 v16, v12;
	v12 =	vld [tilespmem:s14+$0xFFFFFF80];
	(xrf2) =	vadd.scan.msk.f32 $0xffff, v9  }
0x2b8: {  	v4 =	vadd.s32 $0x3, v4;
	v3 =	vshll.u32 v3, v0;
	v9 =	vld [tilespmem:s16+$0xFFFFFF80];
	v11 =	vadd.bf16 v14, v11;
	v13, _, _ =	vpop (xrf2)  }
0x2b9: {  	v4 =	vbroadcast v4, $0x0;
	v5 =	vmul.bf16 v5, v5;
	v14 =	vsub.bf16 v19, v20;
	v15 =	vld [tilespmem:s14+$0xFFFFFF90];
	[tilespmem:v10+s25+$0x0] =	vst.idx.msk vm0, v13  }
0x2ba: {  	v3 =	vadd.s32 $0x4, v3;
	v10 =	vld [tilespmem:s16+$0xFFFFFF90];
	v19 =	vunpack.i.u.bf16.f32 v11;
	v11 =	vunpack.i.l.bf16.f32 v11;
	(xrf2) =	vadd.scan.msk.f32 $0xffff, v8  }
0x2bb: {  	v8 =	vmul.bf16 v14, v14;
	v18 =	vsub.bf16 v17, v18;
	v16 =	vld [tilespmem:s14+$0xFFFFFFC0];
	v11 =	vadd.f32 v11, v19;
	v13, _, _ =	vpop (xrf2)  }
0x2bc: {  	v2 =	vshll.u32 v2, v0;
	v17 =	vld [tilespmem:s16+$0xFFFFFFC0];
	[tilespmem:v1+s25+$0x0] =	vst.idx.msk vm0, v13;
	v1 =	vbroadcast v3, $0x0  }
0x2bd: {  	s6 =	sadd.s32 $0x7, s12;
	v2 =	vadd.s32 $0x5, v2;
	v3 =	vmul.bf16 v18, v18;
	v9 =	vsub.bf16 v12, v9;
	v12 =	vld [tilespmem:s14+$0xFFFFFFD0];
	(xrf2) =	vadd.scan.msk.f32 $0xffff, v11  }
0x2be: {  	v2 =	vbroadcast v2, $0x0;
	v13 =	vmov s6;
	v11 =	vld [tilespmem:s16+$0xFFFFFFD0];
	v14, _, _ =	vpop (xrf2)  }
0x2bf: {  	s6 =	sadd.s32 $0x6, s13;
	s13 =	smov.u32 s12;
	s12 =	smov.u32 s17;
	v13 =	vshrl.u32 v13, $0x3;
	v9 =	vmul.bf16 v9, v9;
	v10 =	vsub.bf16 v15, v10;
	v15 =	vld [tilespmem:s14+$0x0];
	[tilespmem:v4+s25+$0x0] =	vst.idx.msk vm0, v14  }
0x2c0: {  	v3 =	vadd.bf16 v3, v8;
	v8 =	vshll.u32 v13, v0;
	v13 =	vmov s6;
	v4 =	vld [tilespmem:s16+$0x0];
	(xrf2) =	vadd.scan.msk.f32 $0xffff, v7  }
0x2c1: {  	v8 =	vadd.s32 $0x7, v8;
	v7 =	vmul.bf16 v10, v10;
	v10 =	vsub.bf16 v16, v17;
	v14 =	vld [tilespmem:s14+$0x10];
	v16, _, _ =	vpop (xrf2)  }
0x2c2: {  	v8 =	vbroadcast v8, $0x0;
	v17 =	vld [tilespmem:s16+$0x10];
	[tilespmem:v1+s25+$0x0] =	vst.idx.msk vm0, v16;
	v1 =	vshrl.u32 v13, $0x3  }
0x2c3: {  	v7 =	vadd.bf16 v7, v9;
	v9 =	vmul.bf16 v10, v10;
	v10 =	vsub.bf16 v12, v11;
	v11 =	vld [tilespmem:s14+$0x40]  }
0x2c4: {  	v1 =	vshll.u32 v1, v0;
	v12 =	vld [tilespmem:s16+$0x40];
	v13, _, _ =	vpop (xrf2)  }
0x2c5: {  	v1 =	vadd.s32 $0x6, v1;
	v10 =	vmul.bf16 v10, v10;
	v4 =	vsub.bf16 v15, v4;
	v15 =	vld [tilespmem:s14+$0x50];
	[tilespmem:v2+s25+$0x0] =	vst.idx.msk vm0, v13  }
0x2c6: {  	v1 =	vbroadcast v1, $0x0;
	v2 =	vld [tilespmem:s16+$0x50]  }
0x2c7: {  	v9 =	vadd.bf16 v10, v9;
	v4 =	vmul.bf16 v4, v4;
	v10 =	vsub.bf16 v14, v17;
	v13 =	vld [tilespmem:s14+$0x80];
	v14, _, _ =	vpop (xrf2)  }
0x2c8: {  	v16 =	vld [tilespmem:s16+$0x80];
	[tilespmem:v8+s25+$0x0] =	vst.idx.msk vm0, v14  }
0x2c9: {  	v8 =	vmul.bf16 v10, v10;
	v10 =	vsub.bf16 v11, v12;
	v11 =	vld [tilespmem:s14+$0x90]  }
0x2ca: {  	v12 =	vld [tilespmem:s16+$0x90];
	v14, _, _ =	vpop (xrf2)  }
0x2cb: {  	v17 =	vld [tilespmem:s14+$0xFFFFFF00];
	v4 =	vadd.bf16 v8, v4;
	v8 =	vmul.bf16 v10, v10;
	v2 =	vsub.bf16 v15, v2  }
0x2cc: {  	v10 =	vld [tilespmem:s14+$0xFFFFFF20];
	[tilespmem:v1+s25+$0x0] =	vst.idx.msk vm0, v14  }
0x2cd: {  	v1 =	vld [tilespmem:s16+$0xFFFFFF20];
	v2 =	vmul.bf16 v2, v2;
	v13 =	vsub.bf16 v13, v16  }
0x2ce: {  	v14 =	vld [tilespmem:s14+$0xFFFFFF60]  }
0x2cf: {  	v15 =	vld [tilespmem:s16+$0xFFFFFF60];
	v2 =	vadd.bf16 v2, v8;
	v8 =	vmul.bf16 v13, v13;
	v11 =	vsub.bf16 v11, v12  }
0x2d0: {  	v6 =	vsub.bf16 v17, v6;
	v12 =	vld [tilespmem:s14+$0xFFFFFFA0]  }
0x2d1: {  	v13 =	vld [tilespmem:s16+$0xFFFFFFA0];
	v11 =	vmul.bf16 v11, v11  }
0x2d2: {  	v6 =	vmul.bf16 v6, v6;
	v1 =	vsub.bf16 v10, v1;
	v10 =	vld [tilespmem:s14+$0xFFFFFFE0]  }
0x2d3: {  	v16 =	vld [tilespmem:s16+$0xFFFFFFE0];
	v11 =	vadd.bf16 v11, v8  }
0x2d4: {  	v5 =	vadd.bf16 v5, v6;
	v1 =	vmul.bf16 v1, v1;
	v6 =	vsub.bf16 v14, v15;
	v8 =	vld [tilespmem:s14+$0x20]  }
0x2d5: {  	v14 =	vld [tilespmem:s16+$0x20]  }
0x2d6: {  	v1 =	vadd.bf16 v1, v5;
	v5 =	vmul.bf16 v6, v6;
	v6 =	vsub.bf16 v12, v13;
	v12 =	vld [tilespmem:s14+$0x60]  }
0x2d7: {  	v13 =	vld [tilespmem:s16+$0x60]  }
0x2d8: {  	v15 =	vadd.bf16 v5, v3;
	v3 =	vmul.bf16 v6, v6;
	v5 =	vsub.bf16 v10, v16;
	v6 =	vld [tilespmem:s14+$0xA0]  }
0x2d9: {  	v10 =	vld [tilespmem:s16+$0xA0]  }
0x2da: {  	v16 =	vld [tilespmem:s14+$0xFFFFFF30];
	v17 =	vadd.bf16 v3, v7;
	v3 =	vmul.bf16 v5, v5;
	v5 =	vsub.bf16 v8, v14  }
0x2db: {  	v8 =	vmov s13;
	v7 =	vld [tilespmem:s16+$0xFFFFFF30]  }
0x2dc: {  	v14 =	vld [tilespmem:s14+$0xFFFFFF70];
	v18 =	vadd.bf16 v3, v9;
	v3 =	vmul.bf16 v5, v5;
	v5 =	vsub.bf16 v12, v13  }
0x2dd: {  	v12 =	vshrl.u32 v8, $0x3;
	v13 =	vld [tilespmem:s16+$0xFFFFFF70]  }
0x2de: {  	s18 =	sadd.s32 $0x2, s13;
	s28 =	sadd.s32 $0x3, s13;
	s6 =	sadd.s32 $0x1, s13;
	v19 =	vld [tilespmem:s14+$0xFFFFFFB0];
	v9 =	vadd.bf16 v3, v4;
	v3 =	vmul.bf16 v5, v5;
	v4 =	vsub.bf16 v6, v10  }
0x2df: {  	v20 =	vmov s28;
	v5 =	vmov s6;
	v10 =	vmov s18;
	v6 =	vld [tilespmem:s16+$0xFFFFFFB0]  }
0x2e0: {  	s6 =	sadd.s32 $0x4, s13;
	s18 =	sadd.s32 $0x5, s13;
	v7 =	vsub.bf16 v16, v7;
	v16 =	vld [tilespmem:s14+$0xFFFFFFF0];
	v8 =	vadd.bf16 v3, v2;
	v4 =	vmul.bf16 v4, v4  }
0x2e1: {  	v12 =	vshll.u32 v12, v0;
	v3 =	vmov s6;
	v2 =	vmov s18;
	v21 =	vld [tilespmem:s16+$0xFFFFFFF0]  }
0x2e2: {  	v22 =	vmul.bf16 v7, v7;
	v13 =	vsub.bf16 v14, v13;
	v23 =	vld [tilespmem:s14+$0x30];
	v7 =	vadd.bf16 v4, v11  }
0x2e3: {  	v5 =	vshrl.u32 v5, $0x3;
	v10 =	vshrl.u32 v10, $0x3;
	v4 =	vshrl.u32 v20, $0x3;
	v20 =	vld [tilespmem:s16+$0x30]  }
0x2e4: {  	v11 =	vadd.bf16 v22, v1;
	v13 =	vmul.bf16 v13, v13;
	v6 =	vsub.bf16 v19, v6;
	v19 =	vld [tilespmem:s14+$0x70]  }
0x2e5: {  	v14 =	vshll.u32 v5, v0;
	v5 =	vshll.u32 v10, v0;
	v1 =	vbroadcast v12, $0x0;
	v22 =	vld [tilespmem:s16+$0x70]  }
0x2e6: {  	v15 =	vadd.bf16 v13, v15;
	v6 =	vmul.bf16 v6, v6;
	v13 =	vsub.bf16 v16, v21;
	v12 =	vld [tilespmem:s14+$0xB0]  }
.Ltmp2:
0x2e7: {  	v10 =	vadd.s32 $0x1, v14;
	v16 =	vunpack.i.u.bf16.f32 v11;
	v21 =	vunpack.i.l.bf16.f32 v11;
	s14 =	sadd.s32 $0x200, s14;
	v14 =	vld [tilespmem:s16+$0xB0];
	(pc) =	sbr.rel @p0 .LBB2_7-.Ltmp2, $4  }
0x2e8: {  	s16 =	sadd.s32 $0x200, s16;
	v11 =	vld [tilespmem:s14+$0xC0];
	v24 =	vadd.bf16 v6, v17;
	v6 =	vmul.bf16 v13, v13;
	v20 =	vsub.bf16 v23, v20  }
0x2e9: {  	v23 =	vadd.f32 v21, v16;
	v21 =	vunpack.i.u.bf16.f32 v15;
	v25 =	vunpack.i.l.bf16.f32 v15;
	v13 =	vld [tilespmem:s16+$0xC0]  }
0x2ea: {  	v15 =	vld [tilespmem:s14+$0xD0];
	v17 =	vadd.bf16 v6, v18;
	v18 =	vmul.bf16 v20, v20;
	v19 =	vsub.bf16 v19, v22  }
0x2eb: {  	s17 =	sadd.s32 $0x8, s17;
	v6 =	vadd.f32 v25, v21;
	v20 =	vunpack.i.u.bf16.f32 v24;
	v21 =	vunpack.i.l.bf16.f32 v24;
	v16 =	vld [tilespmem:s16+$0xD0];
	(xrf2) =	vadd.scan.msk.f32 $0xffff, v23  }
0x2ec: {  	v22 =	vld [tilespmem:s14+$0xE0]  }
0x2ed: {  	v23 =	vld [tilespmem:s16+$0xE0]  }
0x2ee: {  	v24 =	vld [tilespmem:s14+$0xF0]  }
0x2ef: {  	v25 =	vld [tilespmem:s16+$0xF0]  }
0x2f0: {  	v26 =	vld [tilespmem:s16+$0xFFFFFF00]  }
0x2f1: {  	v27 =	vld [tilespmem:s14+$0xFFFFFF10]  }
0x2f2: {  	v28 =	vld [tilespmem:s16+$0xFFFFFF10]  }
0x2f3: {  	v29 =	vld [tilespmem:s14+$0xFFFFFF40]  }
0x2f4: {  	v30 =	vld [tilespmem:s16+$0xFFFFFF40]  }
0x2f5: {  	v31 =	vld [tilespmem:s14+$0xFFFFFF50]  }
0x2f6: {  	v32 =	vld [tilespmem:s16+$0xFFFFFF50]  }
0x2f7: {  	v33 =	vld [tilespmem:s14+$0xFFFFFF80]  }
0x2f8: {  	v34 =	vld [tilespmem:s16+$0xFFFFFF80]  }
0x2f9: {  	v35 =	vld [tilespmem:s14+$0xFFFFFF90]  }
0x2fa: {  	v36 =	vld [tilespmem:s16+$0xFFFFFF90]  }
0x2fb: {  	v37 =	vld [tilespmem:s14+$0xFFFFFFC0]  }
0x2fc: {  	v42 =	vmul.bf16 v19, v19;
	v19 =	vld [tilespmem:s16+$0xFFFFFFC0]  }
0x2fd: {  	v45 =	vld [tilespmem:s14+$0xFFFFFFD0]  }
0x2fe: {  	v46 =	vld [tilespmem:s16+$0xFFFFFFD0]  }
0x2ff: {  	v49 =	vld [tilespmem:s16+$0x0]  }
0x300: {  	v9 =	vadd.bf16 v18, v9;
	v14 =	vsub.bf16 v12, v14;
	v51 =	vld [tilespmem:s14+$0x10]  }
0x301: {  	v12 =	vadd.f32 v21, v20;
	v43 =	vunpack.i.u.bf16.f32 v17;
	v44 =	vunpack.i.l.bf16.f32 v17;
	v54 =	vld [tilespmem:s16+$0x10]  }
0x302: {  	v57 =	vld [tilespmem:s14+$0x40];
	v10 =	vbroadcast v10, $0x0;
	v5 =	vadd.s32 $0x2, v5;
	v3 =	vshrl.u32 v3, $0x3  }
0x303: {  	v59 =	vld [tilespmem:s16+$0x40];
	v4 =	vshll.u32 v4, v0;
	v11 =	vsub.bf16 v11, v13;
	v38 =	vunpack.i.u.bf16.f32 v9  }
0x304: {  	v60 =	vld [tilespmem:s14+$0x50];
	v18 =	vadd.bf16 v42, v8;
	v47 =	vmul.bf16 v14, v14;
	v9 =	vunpack.i.l.bf16.f32 v9  }
0x305: {  	v62 =	vld [tilespmem:s16+$0x50];
	v5 =	vbroadcast v5, $0x0;
	v13 =	vadd.f32 v44, v43;
	v8 =	vadd.f32 v9, v38  }
0x306: {  	v39 =	vld [tilespmem:s14+$0x80];
	v15 =	vsub.bf16 v15, v16;
	v50 =	vunpack.i.u.bf16.f32 v18;
	v7 =	vadd.bf16 v47, v7  }
0x307: {  	v14 =	vld [tilespmem:s14+$0x0];
	v55 =	vunpack.i.l.bf16.f32 v18;
	v48 =	vsub.bf16 v22, v23;
	v53 =	vsub.bf16 v24, v25  }
0x308: {  	v4 =	vadd.s32 $0x3, v4;
	v42 =	vld [tilespmem:s16+$0x80];
	v9 =	vadd.f32 v55, v50;
	v61 =	vsub.bf16 v27, v28  }
0x309: {  	v3 =	vshll.u32 v3, v0;
	v44 =	vld [tilespmem:s14+$0x90];
	v63 =	vsub.bf16 v29, v30;
	v38 =	vsub.bf16 v31, v32  }
0x30a: {  	v4 =	vbroadcast v4, $0x0;
	v47 =	vld [tilespmem:s14+$0xFFFFFF20];
	v40 =	vsub.bf16 v33, v34;
	v41 =	vsub.bf16 v35, v36  }
0x30b: {  	v11 =	vmul.bf16 v11, v11;
	v19 =	vsub.bf16 v37, v19;
	v16 =	vsub.bf16 v45, v46;
	v45 =	vld [tilespmem:s16+$0x90]  }
0x30c: {  	v46 =	vld [tilespmem:s14+$0xFFFFFF00];
	v17 =	vsub.bf16 v57, v59;
	v15 =	vmul.bf16 v15, v15;
	v56 =	vunpack.i.u.bf16.f32 v7  }
0x30d: {  	v55 =	vld [tilespmem:s14+$0xFFFFFFE0];
	v7 =	vunpack.i.l.bf16.f32 v7;
	v52 =	vmul.bf16 v48, v48;
	v58 =	vmul.bf16 v53, v53  }
0x30e: {  	v57 =	vld [tilespmem:s16+$0xFFFFFFE0];
	v7 =	vadd.f32 v7, v56;
	v27 =	vmul.bf16 v63, v63;
	v28 =	vmul.bf16 v38, v38  }
0x30f: {  	v30 =	vmul.bf16 v40, v40;
	v31 =	vmul.bf16 v41, v41;
	v14 =	vsub.bf16 v14, v49;
	v49 =	vld [tilespmem:s16+$0xFFFFFF20]  }
0x310: {  	v19 =	vmul.bf16 v19, v19;
	v16 =	vmul.bf16 v16, v16;
	v48 =	vsub.bf16 v51, v54;
	v53 =	vld [tilespmem:s14+$0xFFFFFFA0]  }
0x311: {  	s6 =	sadd.s32 $0x7, s12;
	v54 =	vld [tilespmem:s16+$0xFFFFFFA0];
	v17 =	vmul.bf16 v17, v17;
	v29 =	vsub.bf16 v39, v42;
	v56 =	vshrl.u32 v2, $0x3  }
0x312: {  	v22 =	vmul.bf16 v61, v61;
	v61 =	vld [tilespmem:s14+$0x60];
	v38 =	vmov s6;
	v11 =	vadd.bf16 v15, v11  }
0x313: {  	v63 =	vld [tilespmem:s16+$0x60];
	v15 =	vsub.bf16 v60, v62;
	v62 =	vshll.u32 v56, v0;
	v27 =	vadd.bf16 v28, v27  }
0x314: {  	v39 =	vld [tilespmem:s14+$0xFFFFFF30];
	v50 =	vadd.bf16 v31, v30;
	v16 =	vadd.bf16 v16, v19;
	v14 =	vmul.bf16 v14, v14  }
0x315: {  	s28 =	sadd.s32 $0x3, s12;
	v40 =	vld [tilespmem:s16+$0xFFFFFF30];
	v20 =	vmul.bf16 v48, v48;
	v29 =	vmul.bf16 v29, v29;
	v28 =	vadd.s32 $0x5, v62  }
0x316: {  	v41 =	vld [tilespmem:s14+$0xFFFFFF70];
	v31 =	vmov s28;
	v11 =	vadd.bf16 v52, v11;
	v15 =	vmul.bf16 v15, v15  }
0x317: {  	v42 =	vld [tilespmem:s16+$0xFFFFFF70];
	v2 =	vsub.bf16 v46, v26;
	v26 =	vsub.bf16 v55, v57;
	v55 =	vmov s12  }
0x318: {  	v36 =	vld [tilespmem:s14+$0xA0];
	v21 =	vsub.bf16 v44, v45;
	v14 =	vadd.bf16 v20, v14;
	v25 =	vshrl.u32 v55, $0x3  }
0x319: {  	v37 =	vld [tilespmem:s16+$0xA0];
	v11 =	vadd.bf16 v58, v11;
	v15 =	vadd.bf16 v15, v17;
	v59 =	vmul.bf16 v2, v2  }
0x31a: {  	(xrf2) =	vadd.scan.msk.f32 $0xffff, v6;
	v32 =	vld [tilespmem:s16+$0xB0];
	v2 =	vadd.s32 $0x4, v3;
	v3 =	vsub.bf16 v47, v49;
	v21 =	vmul.bf16 v21, v21  }
0x31b: {  	(xrf2) =	vadd.scan.msk.f32 $0xffff, v12;
	v51 =	vld [tilespmem:s14+$0xFFFFFF60];
	v18 =	vsub.bf16 v53, v54;
	v26 =	vmul.bf16 v26, v26;
	v23 =	vsub.bf16 v61, v63  }
0x31c: {  	s18 =	sadd.s32 $0x2, s12;
	(xrf2) =	vadd.scan.msk.f32 $0xffff, v13;
	v30 =	vld [tilespmem:s14+$0xB0];
	v49 =	vsub.bf16 v39, v40;
	v53 =	vsub.bf16 v41, v42;
	v25 =	vshll.u32 v25, v0  }
0x31d: {  	v52 =	vld [tilespmem:s16+$0xFFFFFF60];
	v63 =	vmov s18;
	v2 =	vbroadcast v2, $0x0;
	v39 =	vbroadcast v25, $0x0  }
0x31e: {  	v44 =	vld [tilespmem:s14+$0xFFFFFFB0];
	v43 =	vunpack.i.u.bf16.f32 v11;
	v11 =	vunpack.i.l.bf16.f32 v11;
	v22 =	vadd.bf16 v22, v59  }
0x31f: {  	v45 =	vld [tilespmem:s16+$0xFFFFFFB0];
	v3 =	vmul.bf16 v3, v3;
	v21 =	vadd.bf16 v21, v29;
	v18 =	vmul.bf16 v18, v18  }
0x320: {  	v29 =	vshrl.u32 v38, $0x3;
	v16 =	vadd.bf16 v26, v16;
	v23 =	vmul.bf16 v23, v23  }
0x321: {  	s13 =	sadd.s32 $0x6, s13;
	v60 =	vld [tilespmem:s16+$0x20];
	v62, _, _ =	vpop (xrf2);
	v57 =	vmul.bf16 v53, v53;
	v38 =	vshrl.u32 v31, $0x3;
	v40 =	vsub.bf16 v30, v32  }
0x322: {  	v56 =	vld [tilespmem:s16+$0x30];
	[tilespmem:v1+s25+$0x0] =	vst.idx.msk vm0, v62;
	v11 =	vadd.f32 v11, v43;
	v19 =	vsub.bf16 v51, v52;
	v43 =	vmov s13  }
0x323: {  	(xrf2) =	vadd.scan.msk.f32 $0xffff, v8;
	v58 =	vld [tilespmem:s14+$0x20];
	v29 =	vshll.u32 v29, v0;
	v51 =	vsub.bf16 v36, v37;
	v52 =	vmul.bf16 v49, v49  }
0x324: {  	v54 =	vld [tilespmem:s14+$0x30];
	v1, _, _ =	vpop (xrf2);
	(xrf2) =	vadd.scan.msk.f32 $0xffff, v9;
	v26 =	vsub.bf16 v44, v45;
	v37 =	vshrl.u32 v63, $0x3;
	v49 =	vshll.u32 v38, v0  }
0x325: {  	[tilespmem:v10+s25+$0x0] =	vst.idx.msk vm0, v1;
	v1, _, _ =	vpop (xrf2);
	v22 =	vadd.bf16 v3, v22;
	v3 =	vbroadcast v28, $0x0;
	v18 =	vadd.bf16 v18, v50  }
0x326: {  	[tilespmem:v5+s25+$0x0] =	vst.idx.msk vm0, v1;
	v1, _, _ =	vpop (xrf2);
	v46 =	vadd.s32 $0x7, v29;
	v15 =	vadd.bf16 v23, v15;
	v9 =	vmul.bf16 v40, v40  }
0x327: {  	v59 =	vld [tilespmem:s16+$0x70];
	[tilespmem:v4+s25+$0x0] =	vst.idx.msk vm0, v1;
	v4 =	vshll.u32 v37, v0;
	v19 =	vmul.bf16 v19, v19;
	v6 =	vbroadcast v46, $0x0  }
0x328: {  	s17 =	sadd.s32 $0x1, s12;
	v50 =	vld [tilespmem:s16+$0xFFFFFFF0];
	s16 =	sadd.s32 $0x4, s12;
	v17 =	vsub.bf16 v58, v60;
	v13 =	vmul.bf16 v51, v51;
	v26 =	vmul.bf16 v26, v26  }
0x329: {  	v47 =	vld [tilespmem:s14+$0xFFFFFFF0];
	v60 =	vmov s17;
	v24 =	vsub.bf16 v54, v56;
	v35 =	vmov s16  }
0x32a: {  	v4 =	vadd.s32 $0x2, v4;
	v20 =	vadd.bf16 v52, v22;
	v1 =	vshrl.u32 v60, $0x3  }
0x32b: {  	v58 =	vld [tilespmem:s14+$0x70];
	v19 =	vadd.bf16 v19, v27;
	v17 =	vmul.bf16 v17, v17;
	v27 =	vshrl.u32 v43, $0x3  }
0x32c: {  	v13 =	vadd.bf16 v13, v21;
	v18 =	vadd.bf16 v26, v18;
	v24 =	vmul.bf16 v24, v24  }
0x32d: {  	v27 =	vshll.u32 v27, v0;
	v61 =	vunpack.i.u.bf16.f32 v20;
	v20 =	vunpack.i.l.bf16.f32 v20  }
0x32e: {  	v14 =	vadd.bf16 v17, v14;
	v48 =	vadd.s32 $0x6, v27;
	v17 =	vsub.bf16 v47, v50  }
0x32f: {  	v19 =	vadd.bf16 v57, v19;
	v20 =	vadd.f32 v20, v61;
	v41 =	vunpack.i.u.bf16.f32 v18  }
0x330: {  	v42 =	vunpack.i.l.bf16.f32 v18;
	v33 =	vsub.bf16 v58, v59;
	v17 =	vmul.bf16 v17, v17  }
0x331: {  	v9 =	vadd.bf16 v9, v13;
	v43 =	vadd.f32 v42, v41;
	v34 =	vunpack.i.u.bf16.f32 v19  }
0x332: {  	(xrf2) =	vadd.scan.msk.f32 $0xffff, v11;
	v19 =	vunpack.i.l.bf16.f32 v19;
	v10 =	vmul.bf16 v33, v33;
	v16 =	vadd.bf16 v17, v16  }
0x333: {  	(xrf2) =	vadd.scan.msk.f32 $0xffff, v7;
	v12 =	vbroadcast v48, $0x0;
	v14 =	vadd.bf16 v24, v14;
	v19 =	vadd.f32 v19, v34  }
0x334: {  	(xrf2) =	vadd.scan.msk.f32 $0xffff, v20;
	v10 =	vadd.bf16 v10, v15;
	v44 =	vunpack.i.u.bf16.f32 v16;
	v16 =	vunpack.i.l.bf16.f32 v16  }
0x335: {  	v45 =	vunpack.i.u.bf16.f32 v14;
	v14 =	vunpack.i.l.bf16.f32 v14;
	(xrf2) =	vadd.scan.msk.f32 $0xffff, v19;
	v11 =	vadd.f32 v16, v44  }
0x336: {  	v14 =	vadd.f32 v14, v45;
	(xrf2) =	vadd.scan.msk.f32 $0xffff, v43;
	v46 =	vunpack.i.u.bf16.f32 v10;
	v10 =	vunpack.i.l.bf16.f32 v10  }
0x337: {  	s18 =	sadd.s32 $0x6, s12;
	v48 =	vunpack.i.u.bf16.f32 v9;
	v9 =	vunpack.i.l.bf16.f32 v9;
	v47 =	vadd.f32 v10, v46;
	(xrf2) =	vadd.scan.msk.f32 $0xffff, v11  }
0x338: {  	s17 =	sadd.s32 $0x5, s12;
	v54 =	vmov s18;
	v1 =	vshll.u32 v1, v0;
	v9 =	vadd.f32 v9, v48;
	(xrf2) =	vadd.scan.msk.f32 $0xffff, v14  }
0x339: {  	v36 =	vmov s17;
	v5 =	vshrl.u32 v35, $0x3;
	v1 =	vadd.s32 $0x1, v1;
	(xrf2) =	vadd.scan.msk.f32 $0xffff, v47  }
0x33a: {  	v4 =	vbroadcast v4, $0x0;
	v7 =	vshrl.u32 v54, $0x3;
	v1 =	vbroadcast v1, $0x0;
	v50, _, _ =	vpop (xrf2);
	(xrf2) =	vadd.scan.msk.f32 $0xffff, v9  }
0x33b: {  	v51 =	vshrl.u32 v36, $0x3;
	v52, _, _ =	vpop (xrf2);
	[tilespmem:v2+s25+$0x0] =	vst.idx.msk vm0, v50;
	v2 =	vshll.u32 v5, v0;
	v10 =	vadd.s32 $0x3, v49  }
0x33c: {  	[tilespmem:v3+s25+$0x0] =	vst.idx.msk vm0, v52;
	v2 =	vadd.s32 $0x4, v2;
	v3 =	vshll.u32 v51, v0;
	v55, _, _ =	vpop (xrf2);
	v53 =	vbroadcast v10, $0x0  }
0x33d: {  	v57 =	vshll.u32 v7, v0;
	v2 =	vbroadcast v2, $0x0;
	v3 =	vadd.s32 $0x5, v3;
	v56, _, _ =	vpop (xrf2);
	[tilespmem:v6+s25+$0x0] =	vst.idx.msk vm0, v55  }
0x33e: {  	v3 =	vbroadcast v3, $0x0;
	v6 =	vadd.s32 $0x6, v57;
	[tilespmem:v12+s25+$0x0] =	vst.idx.msk vm0, v56;
	v58, _, _ =	vpop (xrf2)  }
0x33f: {  	v6 =	vbroadcast v6, $0x0;
	[tilespmem:v39+s25+$0x0] =	vst.idx.msk vm0, v58;
	v59, _, _ =	vpop (xrf2)  }
0x340: {  	v60, _, _ =	vpop (xrf2);
	[tilespmem:v1+s25+$0x0] =	vst.idx.msk vm0, v59  }
0x341: {  	[tilespmem:v4+s25+$0x0] =	vst.idx.msk vm0, v60;
	v1, _, _ =	vpop (xrf2)  }
0x342: {  	[tilespmem:v53+s25+$0x0] =	vst.idx.msk vm0, v1;
	v1, _, _ =	vpop (xrf2)  }
0x343: {  	[tilespmem:v2+s25+$0x0] =	vst.idx.msk vm0, v1;
	v1, _, _ =	vpop (xrf2)  }
0x344: {  	[tilespmem:v3+s25+$0x0] =	vst.idx.msk vm0, v1;
	v1, _, _ =	vpop (xrf2)  }
0x345: {  	[tilespmem:v6+s25+$0x0] =	vst.idx.msk vm0, v1  }
0x346: {  	v1 =	vld [tilespmem:$0xC6C0];
	_ =	sdelay $0x4  }
0x347: {  	v1 =	vadd.f32 $-1.000000000e+00, v1;
	_ =	sdelay $0x1  }
0x348: {  	v1 =	vmul.f32 $1.442695020e+00, v1;
	_ =	sdelay $0x1  }
0x349: {  	(erf) = vpow2.f32 v1;
	_ =	sdelay $0x3  }
0x34a: {  	v1 =	vld [tilespmem:$0xC6D0];
	_ =	sdelay $0x4  }
0x34b: {  	v1 =	vadd.f32 $-1.000000000e+00, v1;
	v2 =	vpop (erf)  }
0x34c: {  	v2 =	vadd.f32 $1.000000000e+00, v2  }
0x34d: {  	v1 =	vmul.f32 $1.442695020e+00, v1  }
0x34e: {  	(erf) = vrcp.f32 v2  }
0x34f: {  	(erf) = vpow2.f32 v1;
	_ =	sdelay $0x3  }
0x350: {  	v1 =	vld [tilespmem:$0xC6E0];
	_ =	sdelay $0x3  }
0x351: {  	v2 =	vpop (erf)  }
0x352: {  	v1 =	vadd.f32 $-1.000000000e+00, v1;
	v3 =	vpop (erf)  }
0x353: {  	v3 =	vadd.f32 $1.000000000e+00, v3  }
0x354: {  	v1 =	vmul.f32 $1.442695020e+00, v1  }
0x355: {  	(erf) = vrcp.f32 v3  }
0x356: {  	(erf) = vpow2.f32 v1;
	_ =	sdelay $0x3  }
0x357: {  	v1 =	vld [tilespmem:$0xC6F0];
	_ =	sdelay $0x3  }
0x358: {  	v3 =	vpop (erf)  }
0x359: {  	v1 =	vadd.f32 $-1.000000000e+00, v1;
	v61 =	vpop (erf)  }
0x35a: {  	v4 =	vadd.f32 $1.000000000e+00, v61  }
0x35b: {  	v1 =	vmul.f32 $1.442695020e+00, v1  }
0x35c: {  	(erf) = vrcp.f32 v4  }
0x35d: {  	(erf) = vpow2.f32 v1;
	_ =	sdelay $0x3  }
0x35e: {  	v1 =	vld [tilespmem:$0xC700];
	_ =	sdelay $0x3  }
0x35f: {  	v4 =	vpop (erf)  }
0x360: {  	v1 =	vadd.f32 $-1.000000000e+00, v1;
	v62 =	vpop (erf)  }
0x361: {  	v5 =	vadd.f32 $1.000000000e+00, v62  }
0x362: {  	v1 =	vmul.f32 $1.442695020e+00, v1  }
0x363: {  	(erf) = vrcp.f32 v5  }
0x364: {  	(erf) = vpow2.f32 v1;
	_ =	sdelay $0x7  }
0x365: {  	v1 =	vpop (erf)  }
0x366: {  	v63 =	vpop (erf)  }
0x367: {  	v5 =	vadd.f32 $1.000000000e+00, v63;
	_ =	sdelay $0x1  }
0x368: {  	(erf) = vrcp.f32 v5;
	_ =	sdelay $0x5  }
0x369: {  	p0 =	seq.s32 s8, $0x28;
	[tilespmem:$0xC6C0] =	vst v2  }
.Ltmp3:
0x36a: {  	[tilespmem:$0xC6D0] =	vst v3;
	(pc) =	sbr.rel @p0 .LBB2_10-.Ltmp3, $4  }
0x36b: {  	s28 =	sadd.s32 s9, s11;
	[tilespmem:$0xC6E0] =	vst v4  }
0x36c: {  	s6 =	sshrl.u32 s28, $0x3;
	[tilespmem:$0xC6F0] =	vst v1;
	v1 =	vpop (erf)  }
0x36d: {  	s6 =	sadd.s32 s2, s6;
	[tilespmem:$0xC700] =	vst v1  }
0x36e: {  	[hbm4b:s6+s4] =	stream.linear.scatter [tilespmem:s25], [sflag:$0x7], $0x50, $0x38;
	[tilespmem:$0x16350] =	vst v63  }
.Ltmp4:
0x36f: {  	(pc) =	sbr.rel .LBB2_2-.Ltmp4, $4  }
0x370: {  	s6 =	sadd.s32 $0x190, s9  }
0x371: {  	[tilespmem:s26], [sflag:$0x4] =	stream.indirect.gather [spmem:s3], $0x40, s6, s19, $0xb8;
	[tilespmem:$0x16350] =	vst v63  }
0x372: {  	s28 =	sadd.s32 $0x28A0, s9;
	s8 =	sadd.s32 $0x1, s8  }
0x373: {  	[tilespmem:s29], [sflag:$0x4] =	stream.indirect.gather [spmem:s3], $0x40, s28, s19, $0xb8;
	[tilespmem:$0x16350] =	vst v63  }
.LBB2_10:
0x374: {  	_ =	swait.ge [sflag:s30], $0x1400  }
0x375: {  	[sflag:s30] =	ssyncset.done $0x0  }
0x376: {  	[sflag:s30] =	ssyncadd.s32 $0xFFFFEC00  }
0x377: {  	_ =	swait.ge [sflag:s30], $0x1400  }
0x378: {  	[sflag:s30] =	ssyncset.done $0x0  }
0x379: {  	s18 =	simm.s32 $0x5;
	[sflag:s30] =	ssyncadd.s32 $0xFFFFEC00  }
0x37a: {  	_ =	swait.ge [sflag:s18], $0x50  }
0x37b: {  	[sflag:s18] =	ssyncset.done $0x0  }
0x37c: {  	s9 =	simm.s32 $0x4F20;
	[sflag:s18] =	ssyncadd.s32 $0xFFFFFFB0  }
0x37d: {  	s8 =	simm.s32 $0x6320;
	v1 =	vld [tilespmem:s9+$0xC0]  }
0x37e: {  	v2 =	vld [tilespmem:s8+$0xC0]  }
0x37f: {  	v3 =	vld [tilespmem:s9+$0xD0]  }
0x380: {  	v4 =	vld [tilespmem:s8+$0xD0]  }
0x381: {  	v5 =	vld [tilespmem:s9+$0xE0]  }
0x382: {  	v6 =	vld [tilespmem:s8+$0xE0]  }
0x383: {  	v7 =	vld [tilespmem:s9+$0xF0]  }
0x384: {  	v8 =	vld [tilespmem:s8+$0xF0]  }
0x385: {  	v9 =	vld [tilespmem:s8+$0xFFFFFF00]  }
0x386: {  	v10 =	vld [tilespmem:s9+$0xFFFFFF10]  }
0x387: {  	v11 =	vld [tilespmem:s8+$0xFFFFFF10]  }
0x388: {  	v12 =	vld [tilespmem:s9+$0xFFFFFF40]  }
0x389: {  	v13 =	vld [tilespmem:s8+$0xFFFFFF40]  }
0x38a: {  	v14 =	vld [tilespmem:s9+$0xFFFFFF50]  }
0x38b: {  	v15 =	vld [tilespmem:s8+$0xFFFFFF50]  }
0x38c: {  	v16 =	vld [tilespmem:s9+$0xFFFFFF80]  }
0x38d: {  	v17 =	vld [tilespmem:s8+$0xFFFFFF80]  }
0x38e: {  	v18 =	vld [tilespmem:s9+$0xFFFFFF90]  }
0x38f: {  	v19 =	vld [tilespmem:s8+$0xFFFFFF90]  }
0x390: {  	v20 =	vld [tilespmem:s9+$0xFFFFFFC0]  }
0x391: {  	v21 =	vld [tilespmem:s8+$0xFFFFFFC0]  }
0x392: {  	v22 =	vld [tilespmem:s9+$0xFFFFFFD0]  }
0x393: {  	v23 =	vld [tilespmem:s8+$0xFFFFFFD0]  }
0x394: {  	v24 =	vld [tilespmem:s9+$0x0]  }
0x395: {  	v25 =	vld [tilespmem:s8+$0x0]  }
0x396: {  	v26 =	vld [tilespmem:s8+$0x40]  }
0x397: {  	v27 =	vld [tilespmem:s8+$0x80]  }
0x398: {  	v1 =	vsub.bf16 v1, v2;
	v2 =	vsub.bf16 v3, v4;
	v3 =	vld [tilespmem:s9+$0x10]  }
0x399: {  	v4 =	vld [tilespmem:s8+$0x10]  }
0x39a: {  	v5 =	vsub.bf16 v5, v6;
	v6 =	vld [tilespmem:s9+$0x40]  }
0x39b: {  	v10 =	vsub.bf16 v10, v11;
	v11 =	vsub.bf16 v12, v13;
	v13 =	vld [tilespmem:s8+$0x90]  }
0x39c: {  	v12 =	vsub.bf16 v14, v15;
	v14 =	vsub.bf16 v16, v17;
	v16 =	vld [tilespmem:s9+$0xFFFFFF00]  }
0x39d: {  	v15 =	vsub.bf16 v18, v19;
	v19 =	vld [tilespmem:s9+$0xFFFFFF20]  }
0x39e: {  	v18 =	vsub.bf16 v20, v21;
	v21 =	vld [tilespmem:s8+$0xFFFFFF20];
	v1 =	vmul.bf16 v1, v1;
	v2 =	vmul.bf16 v2, v2  }
0x39f: {  	v20 =	vsub.bf16 v22, v23;
	v22 =	vld [tilespmem:s9+$0xFFFFFFA0];
	v11 =	vmul.bf16 v11, v11;
	v12 =	vmul.bf16 v12, v12  }
0x3a0: {  	v23 =	vld [tilespmem:s8+$0xFFFFFFE0];
	v14 =	vmul.bf16 v14, v14;
	v15 =	vmul.bf16 v15, v15  }
0x3a1: {  	v1 =	vadd.bf16 v2, v1;
	v2 =	vmul.bf16 v5, v5;
	v5 =	vsub.bf16 v7, v8;
	v7 =	vld [tilespmem:s9+$0x50]  }
0x3a2: {  	v8 =	vld [tilespmem:s8+$0x50];
	v11 =	vadd.bf16 v12, v11;
	v12 =	vmul.bf16 v18, v18;
	v18 =	vmul.bf16 v20, v20  }
0x3a3: {  	v20 =	vld [tilespmem:s8+$0xFFFFFF60];
	v14 =	vadd.bf16 v15, v14;
	v1 =	vadd.bf16 v2, v1;
	v2 =	vmul.bf16 v5, v5  }
0x3a4: {  	v15 =	vsub.bf16 v24, v25;
	v3 =	vsub.bf16 v3, v4;
	v5 =	vld [tilespmem:s9+$0x80]  }
0x3a5: {  	v6 =	vsub.bf16 v6, v26;
	v1 =	vadd.bf16 v2, v1;
	v2 =	vld [tilespmem:s9+$0x90]  }
0x3a6: {  	v10 =	vmul.bf16 v10, v10;
	v4 =	vld [tilespmem:s8+$0xFFFFFFA0];
	v9 =	vsub.bf16 v16, v9;
	v19 =	vsub.bf16 v19, v21  }
0x3a7: {  	s6 =	simm.s32 $0x7;
	v16 =	vld [tilespmem:s8+$0x20];
	v12 =	vadd.bf16 v18, v12;
	v17 =	vunpack.i.u.bf16.f32 v1;
	v1 =	vunpack.i.l.bf16.f32 v1  }
0x3a8: {  	v18 =	vmov s6;
	v15 =	vmul.bf16 v15, v15;
	v1 =	vadd.f32 v1, v17;
	v17 =	vld [tilespmem:s9+$0xFFFFFF60]  }
0x3a9: {  	v21 =	vld [tilespmem:s8+$0x60];
	v18 =	vshrl.u32 v18, $0x3;
	v3 =	vmul.bf16 v3, v3;
	v7 =	vsub.bf16 v7, v8  }
0x3aa: {  	v6 =	vmul.bf16 v6, v6;
	v8 =	vld [tilespmem:s9+$0xFFFFFFE0];
	v5 =	vsub.bf16 v5, v27;
	v2 =	vsub.bf16 v2, v13  }
0x3ab: {  	v9 =	vmul.bf16 v9, v9;
	v3 =	vadd.bf16 v3, v15;
	v7 =	vmul.bf16 v7, v7;
	v13 =	vld [tilespmem:s9+$0x20]  }
0x3ac: {  	v15 =	vld [tilespmem:s9+$0x60];
	v4 =	vsub.bf16 v22, v4;
	v5 =	vmul.bf16 v5, v5;
	v2 =	vmul.bf16 v2, v2  }
0x3ad: {  	v18 =	vshll.u32 v18, v0;
	v6 =	vadd.bf16 v7, v6;
	v7 =	vsub.bf16 v17, v20;
	v17 =	vld [tilespmem:s9+$0xA0]  }
0x3ae: {  	v5 =	vadd.bf16 v2, v5;
	v2 =	vadd.bf16 v10, v9;
	v9 =	vmul.bf16 v19, v19;
	v10 =	vld [tilespmem:s8+$0xA0]  }
0x3af: {  	v18 =	vadd.s32 $0x7, v18;
	v8 =	vsub.bf16 v8, v23;
	v19 =	vld [tilespmem:s9+$0xFFFFFF30];
	v7 =	vmul.bf16 v7, v7  }
0x3b0: {  	v4 =	vmul.bf16 v4, v4;
	v20 =	vadd.bf16 v9, v2;
	v2 =	vsub.bf16 v13, v16;
	v9 =	vld [tilespmem:s8+$0xFFFFFF30]  }
0x3b1: {  	v15 =	vsub.bf16 v15, v21;
	v13 =	vld [tilespmem:s9+$0xFFFFFF70];
	v11 =	vadd.bf16 v7, v11;
	v7 =	vmul.bf16 v8, v8  }
0x3b2: {  	s13 =	simm.s32 $0x0;
	v18 =	vbroadcast v18, $0x0;
	v14 =	vadd.bf16 v4, v14;
	v16 =	vld [tilespmem:s8+$0xFFFFFF70];
	v2 =	vmul.bf16 v2, v2  }
0x3b3: {  	(xrf2) =	vadd.scan.msk.f32 $0xffff, v1;
	v1 =	vmul.bf16 v15, v15;
	v8 =	vmov s13;
	v21 =	vadd.bf16 v7, v12;
	v12 =	vld [tilespmem:s9+$0xFFFFFFB0]  }
0x3b4: {  	s16 =	simm.s32 $0x1;
	s12 =	simm.s32 $0x2;
	s14 =	simm.s32 $0x3;
	v4 =	vshrl.u32 v8, $0x3;
	v8 =	vadd.bf16 v2, v3;
	v2 =	vsub.bf16 v17, v10;
	v3 =	vld [tilespmem:s8+$0xFFFFFFB0]  }
0x3b5: {  	v15 =	vmov s12;
	v10 =	vmov s16;
	v17 =	vmov s14  }
0x3b6: {  	s17 =	simm.s32 $0x4;
	v22 =	vld [tilespmem:s8+$0xFFFFFFF0];
	v7 =	vsub.bf16 v19, v9;
	v9 =	vadd.bf16 v1, v6;
	v1 =	vmul.bf16 v2, v2  }
0x3b7: {  	s28 =	simm.s32 $0x5;
	v19 =	vld [tilespmem:s9+$0xFFFFFFF0];
	v6 =	vshll.u32 v4, v0;
	v4 =	vmov s17;
	v13 =	vsub.bf16 v13, v16  }
0x3b8: {  	v16 =	vld [tilespmem:s9+$0x30];
	v2 =	vmov s28;
	v23 =	vmul.bf16 v7, v7;
	v7 =	vadd.bf16 v1, v5  }
0x3b9: {  	v5 =	vshrl.u32 v10, $0x3;
	v10 =	vshrl.u32 v15, $0x3;
	v15 =	vld [tilespmem:s8+$0x30];
	v12 =	vsub.bf16 v12, v3  }
0x3ba: {  	v13 =	vmul.bf16 v13, v13;
	v3 =	vshrl.u32 v17, $0x3;
	v17 =	vadd.bf16 v23, v20;
	v20 =	vld [tilespmem:s9+$0x70]  }
0x3bb: {  	v1 =	vbroadcast v6, $0x0;
	v6 =	vshll.u32 v5, v0;
	v23 =	vld [tilespmem:s8+$0x70];
	v12 =	vmul.bf16 v12, v12  }
0x3bc: {  	v5 =	vshll.u32 v10, v0;
	v61 =	vadd.bf16 v13, v11;
	v11 =	vld [tilespmem:s9+$0xB0];
	v19 =	vsub.bf16 v19, v22  }
0x3bd: {  	v13 =	vld [tilespmem:s8+$0xB0];
	s9 =	simm.s32 $0x5120;
	v22 =	vunpack.i.u.bf16.f32 v17;
	v17 =	vunpack.i.l.bf16.f32 v17;
	v62 =	vadd.bf16 v12, v14  }
0x3be: {  	v10 =	vld [tilespmem:s9+$0xC0];
	v14, _, _ =	vpop (xrf2);
	v12 =	vadd.s32 $0x1, v6;
	v6 =	vsub.bf16 v16, v15;
	v16 =	vmul.bf16 v19, v19  }
0x3bf: {  	s12 =	simm.s32 $0x6520;
	v63 =	vunpack.i.u.bf16.f32 v61;
	v24 =	vunpack.i.l.bf16.f32 v61;
	v22 =	vadd.f32 v17, v22;
	v15 =	vld [tilespmem:s9+$0xD0];
	[tilespmem:v18+s31+$0x0] =	vst.idx.msk vm0, v14  }
0x3c0: {  	v14 =	vld [tilespmem:s12+$0xC0];
	v18 =	vsub.bf16 v20, v23;
	v17 =	vadd.bf16 v16, v21;
	v19 =	vmul.bf16 v6, v6  }
0x3c1: {  	s14 =	simm.s32 $0x10;
	s8 =	simm.s32 $0x8;
	(xrf2) =	vadd.scan.msk.f32 $0xffff, v22;
	v16 =	vld [tilespmem:s12+$0xD0];
	v6 =	vadd.f32 v24, v63;
	v20 =	vunpack.i.u.bf16.f32 v62;
	v21 =	vunpack.i.l.bf16.f32 v62  }
.LBB2_11:
0x3c2: {  	p0 =	slt.u32 s14, $0x48;
	v22 =	vld [tilespmem:s9+$0xE0];
	v8 =	vadd.bf16 v19, v8;
	v18 =	vmul.bf16 v18, v18;
	v11 =	vsub.bf16 v11, v13  }
0x3c3: {  	v19 =	vadd.f32 v21, v20;
	v20 =	vunpack.i.u.bf16.f32 v17;
	v17 =	vunpack.i.l.bf16.f32 v17;
	v13 =	vld [tilespmem:s12+$0xE0]  }
0x3c4: {  	v21 =	vld [tilespmem:s9+$0xF0];
	v23 =	vunpack.i.u.bf16.f32 v8;
	v9 =	vadd.bf16 v18, v9;
	v11 =	vmul.bf16 v11, v11;
	(xrf2) =	vadd.scan.msk.f32 $0xffff, v6  }
0x3c5: {  	v12 =	vbroadcast v12, $0x0;
	v17 =	vadd.f32 v17, v20;
	v8 =	vunpack.i.l.bf16.f32 v8;
	v18 =	vld [tilespmem:s12+$0xF0]  }
0x3c6: {  	v10 =	vsub.bf16 v10, v14;
	v6 =	vld [tilespmem:s12+$0xFFFFFF00];
	v14 =	vsub.bf16 v15, v16;
	v15 =	vunpack.i.u.bf16.f32 v9  }
0x3c7: {  	v8 =	vadd.f32 v8, v23;
	v9 =	vunpack.i.l.bf16.f32 v9;
	v7 =	vadd.bf16 v11, v7;
	v16 =	vld [tilespmem:s9+$0xFFFFFF10];
	(xrf2) =	vadd.scan.msk.f32 $0xffff, v19  }
0x3c8: {  	v10 =	vmul.bf16 v10, v10;
	v11 =	vld [tilespmem:s12+$0xFFFFFF10];
	v14 =	vmul.bf16 v14, v14;
	v13 =	vsub.bf16 v22, v13  }
0x3c9: {  	v9 =	vadd.f32 v9, v15;
	v22 =	vunpack.i.u.bf16.f32 v7;
	v7 =	vunpack.i.l.bf16.f32 v7;
	v19 =	vld [tilespmem:s9+$0xFFFFFF40]  }
0x3ca: {  	v20 =	vld [tilespmem:s12+$0xFFFFFF40];
	v10 =	vadd.bf16 v14, v10;
	v13 =	vmul.bf16 v13, v13;
	v14 =	vsub.bf16 v21, v18;
	(xrf2) =	vadd.scan.msk.f32 $0xffff, v17  }
0x3cb: {  	v5 =	vadd.s32 $0x2, v5;
	v4 =	vshrl.u32 v4, $0x3;
	v7 =	vadd.f32 v7, v22;
	v17 =	vld [tilespmem:s9+$0xFFFFFF50];
	v15, _, _ =	vpop (xrf2)  }
0x3cc: {  	v18 =	vld [tilespmem:s12+$0xFFFFFF50];
	v10 =	vadd.bf16 v13, v10;
	v14 =	vmul.bf16 v14, v14;
	[tilespmem:v1+s31+$0x0] =	vst.idx.msk vm0, v15;
	v1 =	vbroadcast v5, $0x0  }
0x3cd: {  	v3 =	vshll.u32 v3, v0;
	v2 =	vshrl.u32 v2, $0x3;
	v5 =	vsub.bf16 v16, v11;
	v11 =	vld [tilespmem:s9+$0xFFFFFF80];
	(xrf2) =	vadd.scan.msk.f32 $0xffff, v8  }
0x3ce: {  	v3 =	vadd.s32 $0x3, v3;
	v4 =	vshll.u32 v4, v0;
	v8 =	vld [tilespmem:s12+$0xFFFFFF80];
	v10 =	vadd.bf16 v14, v10;
	v13, _, _ =	vpop (xrf2)  }
0x3cf: {  	v3 =	vbroadcast v3, $0x0;
	v5 =	vmul.bf16 v5, v5;
	v14 =	vsub.bf16 v19, v20;
	v15 =	vld [tilespmem:s9+$0xFFFFFF90];
	[tilespmem:v12+s31+$0x0] =	vst.idx.msk vm0, v13  }
0x3d0: {  	v4 =	vadd.s32 $0x4, v4;
	v12 =	vld [tilespmem:s12+$0xFFFFFF90];
	v19 =	vunpack.i.u.bf16.f32 v10;
	v10 =	vunpack.i.l.bf16.f32 v10;
	(xrf2) =	vadd.scan.msk.f32 $0xffff, v9  }
0x3d1: {  	v9 =	vmul.bf16 v14, v14;
	v18 =	vsub.bf16 v17, v18;
	v16 =	vld [tilespmem:s9+$0xFFFFFFC0];
	v10 =	vadd.f32 v10, v19;
	v13, _, _ =	vpop (xrf2)  }
0x3d2: {  	v2 =	vshll.u32 v2, v0;
	v17 =	vld [tilespmem:s12+$0xFFFFFFC0];
	[tilespmem:v1+s31+$0x0] =	vst.idx.msk vm0, v13;
	v1 =	vbroadcast v4, $0x0  }
0x3d3: {  	s6 =	sadd.s32 $0x7, s8;
	v2 =	vadd.s32 $0x5, v2;
	v4 =	vmul.bf16 v18, v18;
	v8 =	vsub.bf16 v11, v8;
	v11 =	vld [tilespmem:s9+$0xFFFFFFD0];
	(xrf2) =	vadd.scan.msk.f32 $0xffff, v10  }
0x3d4: {  	v2 =	vbroadcast v2, $0x0;
	v13 =	vmov s6;
	v10 =	vld [tilespmem:s12+$0xFFFFFFD0];
	v14, _, _ =	vpop (xrf2)  }
0x3d5: {  	s6 =	sadd.s32 $0x6, s13;
	s13 =	smov.u32 s8;
	s8 =	smov.u32 s14;
	v13 =	vshrl.u32 v13, $0x3;
	v8 =	vmul.bf16 v8, v8;
	v12 =	vsub.bf16 v15, v12;
	v15 =	vld [tilespmem:s9+$0x0];
	[tilespmem:v3+s31+$0x0] =	vst.idx.msk vm0, v14  }
0x3d6: {  	v3 =	vadd.bf16 v4, v9;
	v9 =	vshll.u32 v13, v0;
	v13 =	vmov s6;
	v4 =	vld [tilespmem:s12+$0x0];
	(xrf2) =	vadd.scan.msk.f32 $0xffff, v7  }
0x3d7: {  	v9 =	vadd.s32 $0x7, v9;
	v7 =	vmul.bf16 v12, v12;
	v12 =	vsub.bf16 v16, v17;
	v14 =	vld [tilespmem:s9+$0x10];
	v16, _, _ =	vpop (xrf2)  }
0x3d8: {  	v9 =	vbroadcast v9, $0x0;
	v17 =	vld [tilespmem:s12+$0x10];
	[tilespmem:v1+s31+$0x0] =	vst.idx.msk vm0, v16;
	v1 =	vshrl.u32 v13, $0x3  }
0x3d9: {  	v7 =	vadd.bf16 v7, v8;
	v8 =	vmul.bf16 v12, v12;
	v10 =	vsub.bf16 v11, v10;
	v11 =	vld [tilespmem:s9+$0x40]  }
0x3da: {  	v1 =	vshll.u32 v1, v0;
	v12 =	vld [tilespmem:s12+$0x40];
	v13, _, _ =	vpop (xrf2)  }
0x3db: {  	v1 =	vadd.s32 $0x6, v1;
	v10 =	vmul.bf16 v10, v10;
	v4 =	vsub.bf16 v15, v4;
	v15 =	vld [tilespmem:s9+$0x50];
	[tilespmem:v2+s31+$0x0] =	vst.idx.msk vm0, v13  }
0x3dc: {  	v1 =	vbroadcast v1, $0x0;
	v2 =	vld [tilespmem:s12+$0x50]  }
0x3dd: {  	v8 =	vadd.bf16 v10, v8;
	v4 =	vmul.bf16 v4, v4;
	v10 =	vsub.bf16 v14, v17;
	v13 =	vld [tilespmem:s9+$0x80];
	v14, _, _ =	vpop (xrf2)  }
0x3de: {  	v16 =	vld [tilespmem:s12+$0x80];
	[tilespmem:v9+s31+$0x0] =	vst.idx.msk vm0, v14  }
0x3df: {  	v9 =	vmul.bf16 v10, v10;
	v10 =	vsub.bf16 v11, v12;
	v11 =	vld [tilespmem:s9+$0x90]  }
0x3e0: {  	v12 =	vld [tilespmem:s12+$0x90];
	v14, _, _ =	vpop (xrf2)  }
0x3e1: {  	v17 =	vld [tilespmem:s9+$0xFFFFFF00];
	v4 =	vadd.bf16 v9, v4;
	v9 =	vmul.bf16 v10, v10;
	v2 =	vsub.bf16 v15, v2  }
0x3e2: {  	v10 =	vld [tilespmem:s9+$0xFFFFFF20];
	[tilespmem:v1+s31+$0x0] =	vst.idx.msk vm0, v14  }
0x3e3: {  	v1 =	vld [tilespmem:s12+$0xFFFFFF20];
	v2 =	vmul.bf16 v2, v2;
	v13 =	vsub.bf16 v13, v16  }
0x3e4: {  	v14 =	vld [tilespmem:s9+$0xFFFFFF60]  }
0x3e5: {  	v15 =	vld [tilespmem:s12+$0xFFFFFF60];
	v2 =	vadd.bf16 v2, v9;
	v9 =	vmul.bf16 v13, v13;
	v11 =	vsub.bf16 v11, v12  }
0x3e6: {  	v6 =	vsub.bf16 v17, v6;
	v12 =	vld [tilespmem:s9+$0xFFFFFFA0]  }
0x3e7: {  	v13 =	vld [tilespmem:s12+$0xFFFFFFA0];
	v11 =	vmul.bf16 v11, v11  }
0x3e8: {  	v6 =	vmul.bf16 v6, v6;
	v1 =	vsub.bf16 v10, v1;
	v10 =	vld [tilespmem:s9+$0xFFFFFFE0]  }
0x3e9: {  	v16 =	vld [tilespmem:s12+$0xFFFFFFE0];
	v11 =	vadd.bf16 v11, v9  }
0x3ea: {  	v5 =	vadd.bf16 v5, v6;
	v1 =	vmul.bf16 v1, v1;
	v6 =	vsub.bf16 v14, v15;
	v9 =	vld [tilespmem:s9+$0x20]  }
0x3eb: {  	v14 =	vld [tilespmem:s12+$0x20]  }
0x3ec: {  	v1 =	vadd.bf16 v1, v5;
	v5 =	vmul.bf16 v6, v6;
	v6 =	vsub.bf16 v12, v13;
	v12 =	vld [tilespmem:s9+$0x60]  }
0x3ed: {  	v13 =	vld [tilespmem:s12+$0x60]  }
0x3ee: {  	v15 =	vadd.bf16 v5, v3;
	v3 =	vmul.bf16 v6, v6;
	v5 =	vsub.bf16 v10, v16;
	v6 =	vld [tilespmem:s9+$0xA0]  }
0x3ef: {  	v10 =	vld [tilespmem:s12+$0xA0]  }
0x3f0: {  	v16 =	vld [tilespmem:s9+$0xFFFFFF30];
	v17 =	vadd.bf16 v3, v7;
	v3 =	vmul.bf16 v5, v5;
	v5 =	vsub.bf16 v9, v14  }
0x3f1: {  	v9 =	vmov s13;
	v7 =	vld [tilespmem:s12+$0xFFFFFF30]  }
0x3f2: {  	v14 =	vld [tilespmem:s9+$0xFFFFFF70];
	v18 =	vadd.bf16 v3, v8;
	v3 =	vmul.bf16 v5, v5;
	v5 =	vsub.bf16 v12, v13  }
0x3f3: {  	v12 =	vshrl.u32 v9, $0x3;
	v13 =	vld [tilespmem:s12+$0xFFFFFF70]  }
0x3f4: {  	s16 =	sadd.s32 $0x2, s13;
	s17 =	sadd.s32 $0x3, s13;
	s6 =	sadd.s32 $0x1, s13;
	v19 =	vld [tilespmem:s9+$0xFFFFFFB0];
	v8 =	vadd.bf16 v3, v4;
	v3 =	vmul.bf16 v5, v5;
	v4 =	vsub.bf16 v6, v10  }
0x3f5: {  	v20 =	vmov s17;
	v5 =	vmov s6;
	v10 =	vmov s16;
	v6 =	vld [tilespmem:s12+$0xFFFFFFB0]  }
0x3f6: {  	s6 =	sadd.s32 $0x4, s13;
	s16 =	sadd.s32 $0x5, s13;
	v7 =	vsub.bf16 v16, v7;
	v16 =	vld [tilespmem:s9+$0xFFFFFFF0];
	v9 =	vadd.bf16 v3, v2;
	v3 =	vmul.bf16 v4, v4  }
0x3f7: {  	v12 =	vshll.u32 v12, v0;
	v4 =	vmov s6;
	v2 =	vmov s16;
	v21 =	vld [tilespmem:s12+$0xFFFFFFF0]  }
0x3f8: {  	v22 =	vmul.bf16 v7, v7;
	v13 =	vsub.bf16 v14, v13;
	v14 =	vld [tilespmem:s9+$0x30];
	v7 =	vadd.bf16 v3, v11  }
0x3f9: {  	v5 =	vshrl.u32 v5, $0x3;
	v10 =	vshrl.u32 v10, $0x3;
	v3 =	vshrl.u32 v20, $0x3;
	v20 =	vld [tilespmem:s12+$0x30]  }
0x3fa: {  	v22 =	vadd.bf16 v22, v1;
	v11 =	vmul.bf16 v13, v13;
	v6 =	vsub.bf16 v19, v6;
	v23 =	vld [tilespmem:s9+$0x70]  }
0x3fb: {  	v1 =	vbroadcast v12, $0x0;
	v12 =	vshll.u32 v5, v0;
	v5 =	vshll.u32 v10, v0;
	v24 =	vld [tilespmem:s12+$0x70]  }
0x3fc: {  	v15 =	vadd.bf16 v11, v15;
	v6 =	vmul.bf16 v6, v6;
	v16 =	vsub.bf16 v16, v21;
	v11 =	vld [tilespmem:s9+$0xB0]  }
.Ltmp5:
0x3fd: {  	v12 =	vadd.s32 $0x1, v12;
	v19 =	vunpack.i.u.bf16.f32 v22;
	v21 =	vunpack.i.l.bf16.f32 v22;
	s9 =	sadd.s32 $0x200, s9;
	v13 =	vld [tilespmem:s12+$0xB0];
	(pc) =	sbr.rel @p0 .LBB2_11-.Ltmp5, $4  }
0x3fe: {  	s12 =	sadd.s32 $0x200, s12;
	v10 =	vld [tilespmem:s9+$0xC0];
	v22 =	vadd.bf16 v6, v17;
	v6 =	vmul.bf16 v16, v16;
	v16 =	vsub.bf16 v14, v20  }
0x3ff: {  	v25 =	vadd.f32 v21, v19;
	v20 =	vunpack.i.u.bf16.f32 v15;
	v21 =	vunpack.i.l.bf16.f32 v15;
	v14 =	vld [tilespmem:s12+$0xC0]  }
0x400: {  	v15 =	vld [tilespmem:s9+$0xD0];
	v17 =	vadd.bf16 v6, v18;
	v19 =	vmul.bf16 v16, v16;
	v18 =	vsub.bf16 v23, v24  }
0x401: {  	s14 =	sadd.s32 $0x8, s14;
	v6 =	vadd.f32 v21, v20;
	v20 =	vunpack.i.u.bf16.f32 v22;
	v21 =	vunpack.i.l.bf16.f32 v22;
	v16 =	vld [tilespmem:s12+$0xD0];
	(xrf2) =	vadd.scan.msk.f32 $0xffff, v25  }
0x402: {  	v22 =	vld [tilespmem:s9+$0xE0]  }
0x403: {  	v23 =	vld [tilespmem:s12+$0xE0]  }
0x404: {  	v24 =	vld [tilespmem:s9+$0xF0]  }
0x405: {  	v25 =	vld [tilespmem:s12+$0xF0]  }
0x406: {  	v26 =	vld [tilespmem:s12+$0xFFFFFF00]  }
0x407: {  	v27 =	vld [tilespmem:s9+$0xFFFFFF10]  }
0x408: {  	v28 =	vld [tilespmem:s12+$0xFFFFFF10]  }
0x409: {  	v29 =	vld [tilespmem:s9+$0xFFFFFF40]  }
0x40a: {  	v30 =	vld [tilespmem:s12+$0xFFFFFF40]  }
0x40b: {  	v31 =	vld [tilespmem:s9+$0xFFFFFF50]  }
0x40c: {  	v32 =	vld [tilespmem:s12+$0xFFFFFF50]  }
0x40d: {  	v33 =	vld [tilespmem:s9+$0xFFFFFF80]  }
0x40e: {  	v34 =	vld [tilespmem:s12+$0xFFFFFF80]  }
0x40f: {  	v35 =	vld [tilespmem:s9+$0xFFFFFF90]  }
0x410: {  	v8 =	vadd.bf16 v19, v8;
	v19 =	vld [tilespmem:s12+$0xFFFFFF90]  }
0x411: {  	v11 =	vsub.bf16 v11, v13;
	v13 =	vadd.f32 v21, v20;
	v20 =	vld [tilespmem:s9+$0xFFFFFFC0]  }
0x412: {  	v41 =	vld [tilespmem:s9+$0x10]  }
0x413: {  	v45 =	vld [tilespmem:s9+$0x50]  }
0x414: {  	v48 =	vld [tilespmem:s12+$0x50]  }
0x415: {  	v49 =	vld [tilespmem:s9+$0x80]  }
0x416: {  	v18 =	vmul.bf16 v18, v18;
	v51 =	vld [tilespmem:s12+$0x80]  }
0x417: {  	v12 =	vbroadcast v12, $0x0;
	v5 =	vadd.s32 $0x2, v5;
	v52 =	vshrl.u32 v4, $0x3;
	v53 =	vld [tilespmem:s9+$0xFFFFFF20]  }
0x418: {  	v3 =	vshll.u32 v3, v0;
	v2 =	vshrl.u32 v2, $0x3;
	v54 =	vld [tilespmem:s12+$0xFFFFFF20];
	s6 =	sadd.s32 $0x7, s8;
	v4 =	vbroadcast v5, $0x0  }
0x419: {  	v56 =	vld [tilespmem:s9+$0xFFFFFFA0];
	v3 =	vadd.s32 $0x3, v3;
	v55 =	vshll.u32 v2, v0;
	v57 =	vmov s6  }
0x41a: {  	v58 =	vld [tilespmem:s9+$0xFFFFFFE0];
	v10 =	vsub.bf16 v10, v14;
	v9 =	vadd.bf16 v18, v9;
	v36 =	vmul.bf16 v11, v11  }
0x41b: {  	v59 =	vld [tilespmem:s9+$0x20];
	v14 =	vsub.bf16 v15, v16;
	v16 =	vunpack.i.u.bf16.f32 v17;
	v17 =	vunpack.i.l.bf16.f32 v17  }
0x41c: {  	v60 =	vld [tilespmem:s12+$0x20];
	v10 =	vmul.bf16 v10, v10;
	v40 =	vunpack.i.u.bf16.f32 v9;
	v7 =	vadd.bf16 v36, v7  }
0x41d: {  	v61 =	vld [tilespmem:s12+$0x60];
	v42 =	vunpack.i.l.bf16.f32 v9;
	v21 =	vsub.bf16 v22, v23;
	v11 =	vadd.f32 v17, v16  }
0x41e: {  	v38 =	vld [tilespmem:s12+$0xFFFFFF30];
	v23 =	vunpack.i.u.bf16.f32 v8;
	v17 =	vsub.bf16 v24, v25;
	v44 =	vsub.bf16 v27, v28  }
0x41f: {  	v39 =	vld [tilespmem:s9+$0xFFFFFF70];
	v8 =	vunpack.i.l.bf16.f32 v8;
	v46 =	vsub.bf16 v29, v30;
	v31 =	vsub.bf16 v31, v32  }
0x420: {  	v18 =	vld [tilespmem:s9+$0xFFFFFFD0];
	v50 =	vsub.bf16 v33, v34;
	v5 =	vsub.bf16 v35, v19;
	v34 =	vshll.u32 v52, v0  }
0x421: {  	s16 =	sadd.s32 $0x6, s13;
	s14 =	sadd.s32 $0x3, s8;
	s13 =	sadd.s32 $0x4, s8;
	v15 =	vld [tilespmem:s12+$0xFFFFFFC0];
	v27 =	vsub.bf16 v45, v48;
	v29 =	vsub.bf16 v49, v51;
	v30 =	vshrl.u32 v57, $0x3  }
0x422: {  	v36 =	vld [tilespmem:s9+$0xFFFFFF30];
	v45 =	vmov s14;
	v48 =	vmov s13;
	v14 =	vmul.bf16 v14, v14  }
0x423: {  	s17 =	sadd.s32 $0x1, s8;
	v22 =	vld [tilespmem:s12+$0xFFFFFFD0];
	v9 =	vadd.f32 v8, v23;
	v8 =	vadd.f32 v42, v40;
	v43 =	vunpack.i.u.bf16.f32 v7  }
0x424: {  	v16 =	vld [tilespmem:s9+$0x0];
	s14 =	sadd.s32 $0x5, s8;
	v7 =	vunpack.i.l.bf16.f32 v7;
	v30 =	vshll.u32 v30, v0;
	v42 =	vmov s17  }
0x425: {  	v19 =	vld [tilespmem:s9+$0x90];
	v49 =	vmov s14;
	v28 =	vmul.bf16 v46, v46;
	v31 =	vmul.bf16 v31, v31  }
0x426: {  	v23 =	vld [tilespmem:s9+$0x40];
	v7 =	vadd.f32 v7, v43;
	v32 =	vmul.bf16 v50, v50;
	v5 =	vmul.bf16 v5, v5  }
0x427: {  	v24 =	vmul.bf16 v44, v44;
	v44 =	vld [tilespmem:s9+$0xFFFFFFF0];
	v10 =	vadd.bf16 v14, v10;
	v14 =	vmul.bf16 v21, v21  }
0x428: {  	v27 =	vmul.bf16 v27, v27;
	v30 =	vadd.s32 $0x7, v30;
	v46 =	vld [tilespmem:s12+$0xFFFFFFF0];
	v15 =	vsub.bf16 v20, v15  }
0x429: {  	s28 =	sadd.s32 $0x2, s8;
	v20 =	vld [tilespmem:s12+$0x90];
	v28 =	vadd.bf16 v31, v28;
	v10 =	vadd.bf16 v14, v10;
	v14 =	vmul.bf16 v17, v17  }
0x42a: {  	v43 =	vmov s28;
	v21 =	vld [tilespmem:s12+$0x0];
	v32 =	vadd.bf16 v5, v32;
	v31 =	vsub.bf16 v53, v54  }
0x42b: {  	v25 =	vsub.bf16 v36, v38;
	v53 =	vshrl.u32 v45, $0x3;
	v10 =	vadd.bf16 v14, v10;
	v14 =	vld [tilespmem:s12+$0x40]  }
0x42c: {  	v17 =	vld [tilespmem:s12+$0x10];
	v18 =	vsub.bf16 v18, v22;
	v5 =	vmul.bf16 v15, v15;
	v15 =	vbroadcast v3, $0x0  }
0x42d: {  	v22 =	vld [tilespmem:s9+$0xFFFFFF00];
	v3 =	vadd.s32 $0x4, v34;
	v37 =	vmul.bf16 v31, v31;
	v25 =	vmul.bf16 v25, v25  }
0x42e: {  	v18 =	vmul.bf16 v18, v18;
	v2 =	vbroadcast v3, $0x0;
	v19 =	vsub.bf16 v19, v20;
	v20 =	vld [tilespmem:s12+$0xFFFFFFE0]  }
0x42f: {  	v3 =	vadd.s32 $0x5, v55;
	v31 =	vsub.bf16 v44, v46;
	v16 =	vsub.bf16 v16, v21;
	v21 =	vld [tilespmem:s9+$0xFFFFFF60]  }
0x430: {  	v3 =	vbroadcast v3, $0x0;
	v18 =	vadd.bf16 v18, v5;
	v5 =	vld [tilespmem:s12+$0xFFFFFF60];
	v14 =	vsub.bf16 v23, v14  }
0x431: {  	v40 =	vld [tilespmem:s12+$0xFFFFFF70];
	v47 =	vunpack.i.u.bf16.f32 v10;
	v10 =	vunpack.i.l.bf16.f32 v10;
	v17 =	vsub.bf16 v41, v17  }
0x432: {  	v62 =	vld [tilespmem:s9+$0xA0];
	(xrf2) =	vadd.scan.msk.f32 $0xffff, v6;
	v10 =	vadd.f32 v10, v47;
	v22 =	vsub.bf16 v22, v26;
	v14 =	vmul.bf16 v14, v14  }
0x433: {  	v16 =	vmul.bf16 v16, v16;
	v23 =	vld [tilespmem:s12+$0xFFFFFFA0];
	v17 =	vmul.bf16 v17, v17;
	v20 =	vsub.bf16 v58, v20  }
0x434: {  	v27 =	vadd.bf16 v27, v14;
	v14 =	vmul.bf16 v19, v19;
	v19 =	vmul.bf16 v22, v22;
	v22 =	vld [tilespmem:s9+$0x60]  }
0x435: {  	v63 =	vld [tilespmem:s12+$0xA0];
	(xrf2) =	vadd.scan.msk.f32 $0xffff, v13;
	v26 =	vsub.bf16 v59, v60;
	v21 =	vsub.bf16 v21, v5;
	v20 =	vmul.bf16 v20, v20  }
0x436: {  	v41 =	vld [tilespmem:s9+$0xFFFFFFB0];
	v16 =	vadd.bf16 v17, v16;
	v17 =	vmul.bf16 v29, v29;
	v29 =	vsub.bf16 v39, v40  }
0x437: {  	v5 =	vbroadcast v30, $0x0;
	v21 =	vmul.bf16 v21, v21;
	v18 =	vadd.bf16 v20, v18;
	v20 =	vld [tilespmem:s12+$0xFFFFFFB0]  }
0x438: {  	v29 =	vmul.bf16 v29, v29;
	v23 =	vsub.bf16 v56, v23;
	v17 =	vadd.bf16 v14, v17  }
0x439: {  	v6 =	vadd.bf16 v21, v28;
	v21 =	vmul.bf16 v26, v26;
	v22 =	vsub.bf16 v22, v61  }
0x43a: {  	(xrf2) =	vadd.scan.msk.f32 $0xffff, v11;
	v19 =	vadd.bf16 v24, v19;
	v24 =	vshrl.u32 v42, $0x3;
	v23 =	vmul.bf16 v23, v23  }
0x43b: {  	v52 =	vld [tilespmem:s9+$0xB0];
	v51, _, _ =	vpop (xrf2);
	v16 =	vadd.bf16 v21, v16;
	v21 =	vmul.bf16 v22, v22;
	v22 =	vsub.bf16 v62, v63  }
0x43c: {  	v50 =	vld [tilespmem:s12+$0x70];
	[tilespmem:v1+s31+$0x0] =	vst.idx.msk vm0, v51;
	v1, _, _ =	vpop (xrf2);
	v13 =	vadd.bf16 v23, v32;
	v23 =	vmov s8;
	v20 =	vsub.bf16 v41, v20  }
0x43d: {  	[tilespmem:v12+s31+$0x0] =	vst.idx.msk vm0, v1;
	v47 =	vld [tilespmem:s12+$0x30];
	v23 =	vshrl.u32 v23, $0x3;
	v11 =	vadd.bf16 v21, v27;
	v21 =	vmul.bf16 v22, v22  }
0x43e: {  	v19 =	vadd.bf16 v37, v19;
	v22 =	vshll.u32 v23, v0;
	v23 =	vld [tilespmem:s9+$0x30];
	v20 =	vmul.bf16 v20, v20  }
0x43f: {  	v1, _, _ =	vpop (xrf2);
	v12 =	vshll.u32 v24, v0;
	v6 =	vadd.bf16 v29, v6;
	v17 =	vadd.bf16 v21, v17;
	v21 =	vld [tilespmem:s9+$0x70]  }
0x440: {  	[tilespmem:v4+s31+$0x0] =	vst.idx.msk vm0, v1;
	v4 =	vadd.s32 $0x1, v12;
	v12 =	vmul.bf16 v31, v31;
	v13 =	vadd.bf16 v20, v13;
	v20 =	vld [tilespmem:s12+$0xB0]  }
0x441: {  	(xrf2) =	vadd.scan.msk.f32 $0xffff, v9;
	v19 =	vadd.bf16 v25, v19;
	v9 =	vunpack.i.u.bf16.f32 v6;
	v6 =	vunpack.i.l.bf16.f32 v6  }
0x442: {  	(xrf2) =	vadd.scan.msk.f32 $0xffff, v8;
	v14 =	vmov s16;
	v8 =	vadd.bf16 v12, v18;
	v6 =	vadd.f32 v6, v9  }
0x443: {  	(xrf2) =	vadd.scan.msk.f32 $0xffff, v10;
	v54 =	vunpack.i.u.bf16.f32 v19;
	v1 =	vunpack.i.l.bf16.f32 v19;
	v23 =	vsub.bf16 v23, v47  }
0x444: {  	v10, _, _ =	vpop (xrf2);
	(xrf2) =	vadd.scan.msk.f32 $0xffff, v7;
	v1 =	vadd.f32 v1, v54;
	v9 =	vunpack.i.u.bf16.f32 v13;
	v18 =	vsub.bf16 v21, v50  }
0x445: {  	[tilespmem:v15+s31+$0x0] =	vst.idx.msk vm0, v10;
	v10 =	vunpack.i.l.bf16.f32 v13;
	v12 =	vmul.bf16 v23, v23;
	v19 =	vsub.bf16 v52, v20  }
0x446: {  	(xrf2) =	vadd.scan.msk.f32 $0xffff, v1;
	v1 =	vunpack.i.l.bf16.f32 v8;
	v7 =	vadd.f32 v10, v9;
	v13 =	vmul.bf16 v18, v18  }
0x447: {  	v9 =	vunpack.i.u.bf16.f32 v8;
	v12 =	vadd.bf16 v12, v16;
	v10 =	vmul.bf16 v19, v19  }
0x448: {  	v14 =	vshrl.u32 v14, $0x3;
	v1 =	vadd.f32 v1, v9;
	v11 =	vadd.bf16 v13, v11  }
0x449: {  	(xrf2) =	vadd.scan.msk.f32 $0xffff, v6;
	v8 =	vunpack.i.u.bf16.f32 v12;
	v6 =	vunpack.i.l.bf16.f32 v12;
	v9 =	vadd.bf16 v10, v17  }
0x44a: {  	v6 =	vadd.f32 v6, v8;
	v10 =	vunpack.i.u.bf16.f32 v11;
	v8 =	vunpack.i.l.bf16.f32 v11  }
0x44b: {  	v28 =	vshrl.u32 v43, $0x3;
	v14 =	vshll.u32 v14, v0;
	(xrf2) =	vadd.scan.msk.f32 $0xffff, v7;
	v7 =	vadd.f32 v8, v10  }
0x44c: {  	v14 =	vadd.s32 $0x6, v14;
	v8 =	vunpack.i.u.bf16.f32 v9;
	v9 =	vunpack.i.l.bf16.f32 v9  }
0x44d: {  	v4 =	vbroadcast v4, $0x0;
	(xrf2) =	vadd.scan.msk.f32 $0xffff, v1;
	v1 =	vshll.u32 v28, v0;
	v8 =	vadd.f32 v9, v8  }
0x44e: {  	v14 =	vbroadcast v14, $0x0;
	v1 =	vadd.s32 $0x2, v1;
	(xrf2) =	vadd.scan.msk.f32 $0xffff, v6;
	v9 =	vshll.u32 v53, v0  }
0x44f: {  	s16 =	sadd.s32 $0x6, s8;
	v22 =	vbroadcast v22, $0x0;
	v1 =	vbroadcast v1, $0x0;
	(xrf2) =	vadd.scan.msk.f32 $0xffff, v7;
	v9 =	vadd.s32 $0x3, v9;
	v7, _, _ =	vpop (xrf2)  }
0x450: {  	v6 =	vshrl.u32 v48, $0x3;
	(xrf2) =	vadd.scan.msk.f32 $0xffff, v8;
	[tilespmem:v2+s31+$0x0] =	vst.idx.msk vm0, v7;
	v7 =	vmov s16  }
0x451: {  	v10 =	vshrl.u32 v49, $0x3;
	v8, _, _ =	vpop (xrf2);
	v2 =	vshll.u32 v6, v0;
	v7 =	vshrl.u32 v7, $0x3  }
0x452: {  	v6 =	vbroadcast v9, $0x0;
	v9, _, _ =	vpop (xrf2);
	[tilespmem:v3+s31+$0x0] =	vst.idx.msk vm0, v8;
	v2 =	vadd.s32 $0x4, v2;
	v3 =	vshll.u32 v10, v0  }
0x453: {  	v8, _, _ =	vpop (xrf2);
	[tilespmem:v5+s31+$0x0] =	vst.idx.msk vm0, v9;
	v2 =	vbroadcast v2, $0x0;
	v3 =	vadd.s32 $0x5, v3;
	v5 =	vshll.u32 v7, v0  }
0x454: {  	[tilespmem:v14+s31+$0x0] =	vst.idx.msk vm0, v8;
	v3 =	vbroadcast v3, $0x0;
	v5 =	vadd.s32 $0x6, v5;
	v7, _, _ =	vpop (xrf2)  }
0x455: {  	v5 =	vbroadcast v5, $0x0;
	v8, _, _ =	vpop (xrf2);
	[tilespmem:v22+s31+$0x0] =	vst.idx.msk vm0, v7  }
0x456: {  	v7, _, _ =	vpop (xrf2);
	[tilespmem:v4+s31+$0x0] =	vst.idx.msk vm0, v8  }
0x457: {  	[tilespmem:v1+s31+$0x0] =	vst.idx.msk vm0, v7;
	v1, _, _ =	vpop (xrf2)  }
0x458: {  	[tilespmem:v6+s31+$0x0] =	vst.idx.msk vm0, v1;
	v1, _, _ =	vpop (xrf2)  }
0x459: {  	[tilespmem:v2+s31+$0x0] =	vst.idx.msk vm0, v1;
	v1, _, _ =	vpop (xrf2)  }
0x45a: {  	[tilespmem:v3+s31+$0x0] =	vst.idx.msk vm0, v1;
	v1, _, _ =	vpop (xrf2)  }
0x45b: {  	[tilespmem:v5+s31+$0x0] =	vst.idx.msk vm0, v1  }
0x45c: {  	v1 =	vld [tilespmem:$0xC620];
	_ =	sdelay $0x4  }
0x45d: {  	v1 =	vadd.f32 $-1.000000000e+00, v1;
	_ =	sdelay $0x1  }
0x45e: {  	v1 =	vmul.f32 $1.442695020e+00, v1;
	_ =	sdelay $0x1  }
0x45f: {  	(erf) = vpow2.f32 v1;
	_ =	sdelay $0x3  }
0x460: {  	v1 =	vld [tilespmem:$0xC630];
	_ =	sdelay $0x4  }
0x461: {  	v1 =	vadd.f32 $-1.000000000e+00, v1;
	v2 =	vpop (erf)  }
0x462: {  	v2 =	vadd.f32 $1.000000000e+00, v2  }
0x463: {  	v1 =	vmul.f32 $1.442695020e+00, v1  }
0x464: {  	(erf) = vrcp.f32 v2  }
0x465: {  	(erf) = vpow2.f32 v1;
	_ =	sdelay $0x3  }
0x466: {  	v1 =	vld [tilespmem:$0xC640];
	_ =	sdelay $0x3  }
0x467: {  	v2 =	vpop (erf)  }
0x468: {  	v1 =	vadd.f32 $-1.000000000e+00, v1;
	v3 =	vpop (erf)  }
0x469: {  	v3 =	vadd.f32 $1.000000000e+00, v3  }
0x46a: {  	v1 =	vmul.f32 $1.442695020e+00, v1  }
0x46b: {  	(erf) = vrcp.f32 v3  }
0x46c: {  	(erf) = vpow2.f32 v1;
	_ =	sdelay $0x3  }
0x46d: {  	v1 =	vld [tilespmem:$0xC650];
	_ =	sdelay $0x3  }
0x46e: {  	v3 =	vpop (erf)  }
0x46f: {  	v1 =	vadd.f32 $-1.000000000e+00, v1;
	v4 =	vpop (erf)  }
0x470: {  	v4 =	vadd.f32 $1.000000000e+00, v4  }
0x471: {  	v1 =	vmul.f32 $1.442695020e+00, v1  }
0x472: {  	(erf) = vrcp.f32 v4  }
0x473: {  	(erf) = vpow2.f32 v1;
	_ =	sdelay $0x3  }
0x474: {  	v1 =	vld [tilespmem:$0xC660];
	_ =	sdelay $0x3  }
0x475: {  	v4 =	vpop (erf)  }
0x476: {  	v1 =	vadd.f32 $-1.000000000e+00, v1;
	v5 =	vpop (erf)  }
0x477: {  	v5 =	vadd.f32 $1.000000000e+00, v5  }
0x478: {  	v1 =	vmul.f32 $1.442695020e+00, v1  }
0x479: {  	(erf) = vrcp.f32 v5  }
0x47a: {  	(erf) = vpow2.f32 v1;
	_ =	sdelay $0x7  }
0x47b: {  	v1 =	vpop (erf)  }
0x47c: {  	v5 =	vpop (erf)  }
0x47d: {  	v5 =	vadd.f32 $1.000000000e+00, v5;
	_ =	sdelay $0x1  }
0x47e: {  	(erf) = vrcp.f32 v5;
	_ =	sdelay $0x5  }
0x47f: {  	[tilespmem:$0xC620] =	vst v2  }
0x480: {  	[tilespmem:$0xC630] =	vst v3  }
0x481: {  	[tilespmem:$0xC640] =	vst v4  }
0x482: {  	[tilespmem:$0xC650] =	vst v1;
	v1 =	vpop (erf)  }
0x483: {  	s8 =	simm.s32 $0x0;
	s17 =	rddreg [dreg:$0x8];
	[tilespmem:$0xC660] =	vst v1  }
0x484: {  	[hbm4b:s17+s8] =	stream.linear.scatter [tilespmem:s31], [sflag:$0x5], $0x50, $0x38;
	[tilespmem:$0x16350] =	vst v63  }
0x485: {  	_ =	swait.ge [sflag:s0], $0x1400  }
0x486: {  	[sflag:s0] =	ssyncset.done $0x0  }
0x487: {  	[sflag:s0] =	ssyncadd.s32 $0xFFFFEC00  }
0x488: {  	_ =	swait.ge [sflag:s0], $0x1400  }
0x489: {  	[sflag:s0] =	ssyncset.done $0x0  }
0x48a: {  	[sflag:s0] =	ssyncadd.s32 $0xFFFFEC00  }
0x48b: {  	_ =	swait.ge [sflag:s15], $0x50  }
0x48c: {  	[sflag:s15] =	ssyncset.done $0x0  }
0x48d: {  	s12 =	simm.s32 $0x7720;
	[sflag:s15] =	ssyncadd.s32 $0xFFFFFFB0  }
0x48e: {  	s9 =	simm.s32 $0x8B20;
	v1 =	vld [tilespmem:s12+$0xC0]  }
0x48f: {  	v2 =	vld [tilespmem:s9+$0xC0]  }
0x490: {  	v3 =	vld [tilespmem:s12+$0xD0]  }
0x491: {  	v4 =	vld [tilespmem:s9+$0xD0]  }
0x492: {  	v5 =	vld [tilespmem:s12+$0xE0]  }
0x493: {  	v6 =	vld [tilespmem:s9+$0xE0]  }
0x494: {  	v7 =	vld [tilespmem:s12+$0xF0]  }
0x495: {  	v8 =	vld [tilespmem:s9+$0xF0]  }
0x496: {  	v9 =	vld [tilespmem:s9+$0xFFFFFF00]  }
0x497: {  	v10 =	vld [tilespmem:s12+$0xFFFFFF10]  }
0x498: {  	v11 =	vld [tilespmem:s9+$0xFFFFFF10]  }
0x499: {  	v12 =	vld [tilespmem:s12+$0xFFFFFF40]  }
0x49a: {  	v13 =	vld [tilespmem:s9+$0xFFFFFF40]  }
0x49b: {  	v14 =	vld [tilespmem:s12+$0xFFFFFF50]  }
0x49c: {  	v15 =	vld [tilespmem:s9+$0xFFFFFF50]  }
0x49d: {  	v16 =	vld [tilespmem:s12+$0xFFFFFF80]  }
0x49e: {  	v17 =	vld [tilespmem:s9+$0xFFFFFF80]  }
0x49f: {  	v18 =	vld [tilespmem:s12+$0xFFFFFF90]  }
0x4a0: {  	v19 =	vld [tilespmem:s9+$0xFFFFFF90]  }
0x4a1: {  	v20 =	vld [tilespmem:s12+$0xFFFFFFC0]  }
0x4a2: {  	v21 =	vld [tilespmem:s9+$0xFFFFFFC0]  }
0x4a3: {  	v22 =	vld [tilespmem:s12+$0xFFFFFFD0]  }
0x4a4: {  	v23 =	vld [tilespmem:s9+$0xFFFFFFD0]  }
0x4a5: {  	v55 =	vld [tilespmem:s12+$0x0]  }
0x4a6: {  	v56 =	vld [tilespmem:s9+$0x0]  }
0x4a7: {  	v57 =	vld [tilespmem:s9+$0x40]  }
0x4a8: {  	v58 =	vld [tilespmem:s9+$0x80]  }
0x4a9: {  	v1 =	vsub.bf16 v1, v2;
	v2 =	vsub.bf16 v3, v4;
	v3 =	vld [tilespmem:s12+$0x10]  }
0x4aa: {  	v4 =	vld [tilespmem:s9+$0x10]  }
0x4ab: {  	v5 =	vsub.bf16 v5, v6;
	v6 =	vld [tilespmem:s12+$0x40]  }
0x4ac: {  	v10 =	vsub.bf16 v10, v11;
	v11 =	vsub.bf16 v12, v13;
	v13 =	vld [tilespmem:s9+$0x90]  }
0x4ad: {  	v12 =	vsub.bf16 v14, v15;
	v14 =	vsub.bf16 v16, v17;
	v16 =	vld [tilespmem:s12+$0xFFFFFF00]  }
0x4ae: {  	v15 =	vsub.bf16 v18, v19;
	v19 =	vld [tilespmem:s12+$0xFFFFFF20]  }
0x4af: {  	v18 =	vsub.bf16 v20, v21;
	v21 =	vld [tilespmem:s9+$0xFFFFFF20];
	v1 =	vmul.bf16 v1, v1;
	v2 =	vmul.bf16 v2, v2  }
0x4b0: {  	v20 =	vsub.bf16 v22, v23;
	v22 =	vld [tilespmem:s12+$0xFFFFFFA0];
	v11 =	vmul.bf16 v11, v11;
	v12 =	vmul.bf16 v12, v12  }
0x4b1: {  	v23 =	vld [tilespmem:s9+$0xFFFFFFE0];
	v14 =	vmul.bf16 v14, v14;
	v15 =	vmul.bf16 v15, v15  }
0x4b2: {  	v1 =	vadd.bf16 v2, v1;
	v2 =	vmul.bf16 v5, v5;
	v5 =	vsub.bf16 v7, v8;
	v7 =	vld [tilespmem:s12+$0x50]  }
0x4b3: {  	v8 =	vld [tilespmem:s9+$0x50];
	v11 =	vadd.bf16 v12, v11;
	v12 =	vmul.bf16 v18, v18  }
0x4b4: {  	v18 =	vmul.bf16 v20, v20;
	v20 =	vld [tilespmem:s9+$0xFFFFFF60];
	v14 =	vadd.bf16 v15, v14;
	v15 =	vsub.bf16 v55, v56  }
0x4b5: {  	v3 =	vsub.bf16 v3, v4;
	v4 =	vld [tilespmem:s9+$0xFFFFFFA0];
	v1 =	vadd.bf16 v2, v1;
	v2 =	vmul.bf16 v5, v5  }
0x4b6: {  	v5 =	vld [tilespmem:s12+$0x80]  }
0x4b7: {  	v15 =	vmul.bf16 v15, v15;
	v3 =	vmul.bf16 v3, v3;
	v1 =	vadd.bf16 v2, v1;
	v2 =	vld [tilespmem:s12+$0x90]  }
0x4b8: {  	v6 =	vsub.bf16 v6, v57;
	v19 =	vsub.bf16 v19, v21;
	v21 =	vld [tilespmem:s9+$0x60]  }
0x4b9: {  	v3 =	vadd.bf16 v3, v15;
	v15 =	vld [tilespmem:s12+$0x60];
	v17 =	vunpack.i.u.bf16.f32 v1;
	v1 =	vunpack.i.l.bf16.f32 v1  }
0x4ba: {  	v10 =	vmul.bf16 v10, v10;
	v7 =	vsub.bf16 v7, v8;
	v1 =	vadd.f32 v1, v17;
	v17 =	vld [tilespmem:s12+$0xFFFFFF60]  }
0x4bb: {  	v9 =	vsub.bf16 v16, v9;
	v16 =	vld [tilespmem:s9+$0x20];
	v12 =	vadd.bf16 v18, v12;
	v6 =	vmul.bf16 v6, v6  }
0x4bc: {  	s28 =	simm.s32 $0x7;
	v8 =	vld [tilespmem:s12+$0xFFFFFFE0];
	v5 =	vsub.bf16 v5, v58;
	v7 =	vmul.bf16 v7, v7;
	v2 =	vsub.bf16 v2, v13  }
0x4bd: {  	v18 =	vmov s28;
	v9 =	vmul.bf16 v9, v9;
	v4 =	vsub.bf16 v22, v4;
	v13 =	vld [tilespmem:s12+$0x20]  }
0x4be: {  	v5 =	vmul.bf16 v5, v5;
	v6 =	vadd.bf16 v7, v6;
	v2 =	vmul.bf16 v2, v2  }
0x4bf: {  	v18 =	vshrl.u32 v18, $0x3;
	v15 =	vsub.bf16 v15, v21;
	v21 =	vld [tilespmem:s9+$0xFFFFFF70];
	v7 =	vsub.bf16 v17, v20  }
0x4c0: {  	v17 =	vld [tilespmem:s12+$0xA0];
	v5 =	vadd.bf16 v2, v5;
	v2 =	vadd.bf16 v10, v9;
	v9 =	vmul.bf16 v19, v19  }
0x4c1: {  	v18 =	vshll.u32 v18, v0;
	v8 =	vsub.bf16 v8, v23;
	v10 =	vld [tilespmem:s9+$0xA0];
	v7 =	vmul.bf16 v7, v7  }
0x4c2: {  	v4 =	vmul.bf16 v4, v4;
	v19 =	vld [tilespmem:s12+$0xFFFFFF30];
	v20 =	vadd.bf16 v9, v2;
	v2 =	vsub.bf16 v13, v16  }
0x4c3: {  	v18 =	vadd.s32 $0x7, v18;
	v13 =	vld [tilespmem:s9+$0xFFFFFF30];
	v11 =	vadd.bf16 v7, v11;
	v7 =	vmul.bf16 v8, v8  }
0x4c4: {  	s13 =	simm.s32 $0x1;
	v18 =	vbroadcast v18, $0x0;
	v22 =	vadd.bf16 v4, v14;
	v16 =	vld [tilespmem:s12+$0xFFFFFF70];
	v2 =	vmul.bf16 v2, v2  }
0x4c5: {  	(xrf2) =	vadd.scan.msk.f32 $0xffff, v1;
	v14 =	vmov s13;
	v1 =	vmul.bf16 v15, v15;
	v23 =	vadd.bf16 v7, v12;
	v12 =	vld [tilespmem:s12+$0xFFFFFFB0]  }
0x4c6: {  	s14 =	simm.s32 $0x2;
	v8 =	vmov s8;
	v9 =	vadd.bf16 v2, v3;
	v2 =	vsub.bf16 v17, v10;
	v10 =	vld [tilespmem:s9+$0xFFFFFFB0]  }
0x4c7: {  	v15 =	vmov s14;
	v4 =	vshrl.u32 v8, $0x3;
	v8 =	vadd.bf16 v1, v6  }
0x4c8: {  	s16 =	simm.s32 $0x3;
	s17 =	simm.s32 $0x4;
	v6 =	vshll.u32 v4, v0;
	v7 =	vsub.bf16 v19, v13;
	v13 =	vld [tilespmem:s12+$0xFFFFFFF0];
	v1 =	vmul.bf16 v2, v2  }
0x4c9: {  	v17 =	vmov s16;
	v3 =	vmov s17;
	v19 =	vld [tilespmem:s9+$0xFFFFFFF0];
	v16 =	vsub.bf16 v16, v21  }
0x4ca: {  	v21 =	vld [tilespmem:s12+$0x30];
	v4 =	vshrl.u32 v17, $0x3;
	v59 =	vmul.bf16 v7, v7;
	v7 =	vadd.bf16 v1, v5  }
0x4cb: {  	s28 =	simm.s32 $0x5;
	v5 =	vshrl.u32 v14, $0x3;
	v14 =	vshrl.u32 v15, $0x3;
	v15 =	vld [tilespmem:s9+$0x30];
	v10 =	vsub.bf16 v12, v10  }
0x4cc: {  	v2 =	vmov s28;
	v1 =	vbroadcast v6, $0x0;
	v12 =	vmul.bf16 v16, v16;
	v16 =	vld [tilespmem:s12+$0x70]  }
0x4cd: {  	v17 =	vadd.bf16 v59, v20;
	v6 =	vshll.u32 v5, v0;
	v20 =	vld [tilespmem:s9+$0x70];
	v10 =	vmul.bf16 v10, v10  }
0x4ce: {  	v5 =	vshll.u32 v14, v0;
	v14 =	vld [tilespmem:s9+$0xB0];
	v13 =	vsub.bf16 v13, v19;
	v60 =	vadd.bf16 v12, v11  }
0x4cf: {  	v12 =	vld [tilespmem:s12+$0xB0];
	v19 =	vunpack.i.u.bf16.f32 v17;
	v17 =	vunpack.i.l.bf16.f32 v17;
	s12 =	simm.s32 $0x7920;
	v22 =	vadd.bf16 v10, v22  }
0x4d0: {  	s13 =	simm.s32 $0x8D20;
	v61, _, _ =	vpop (xrf2);
	v11 =	vld [tilespmem:s12+$0xC0];
	v10 =	vadd.s32 $0x1, v6;
	v6 =	vsub.bf16 v21, v15;
	v21 =	vmul.bf16 v13, v13  }
0x4d1: {  	[tilespmem:v18+s1+$0x0] =	vst.idx.msk vm0, v61;
	v62 =	vadd.f32 v17, v19;
	v13 =	vld [tilespmem:s13+$0xC0];
	v63 =	vunpack.i.u.bf16.f32 v60;
	v24 =	vunpack.i.l.bf16.f32 v60  }
0x4d2: {  	v15 =	vld [tilespmem:s12+$0xD0];
	v19 =	vsub.bf16 v16, v20;
	v17 =	vadd.bf16 v21, v23;
	v18 =	vmul.bf16 v6, v6  }
0x4d3: {  	s14 =	simm.s32 $0x10;
	s9 =	simm.s32 $0x8;
	v16 =	vld [tilespmem:s13+$0xD0];
	(xrf2) =	vadd.scan.msk.f32 $0xffff, v62;
	v6 =	vadd.f32 v24, v63;
	v20 =	vunpack.i.u.bf16.f32 v22;
	v21 =	vunpack.i.l.bf16.f32 v22  }
.LBB2_13:
0x4d4: {  	p0 =	slt.u32 s14, $0x48;
	v22 =	vld [tilespmem:s12+$0xE0];
	v9 =	vadd.bf16 v18, v9;
	v18 =	vmul.bf16 v19, v19;
	v12 =	vsub.bf16 v12, v14  }
0x4d5: {  	v19 =	vadd.f32 v21, v20;
	v20 =	vunpack.i.u.bf16.f32 v17;
	v17 =	vunpack.i.l.bf16.f32 v17;
	v14 =	vld [tilespmem:s13+$0xE0]  }
0x4d6: {  	v21 =	vld [tilespmem:s12+$0xF0];
	v23 =	vunpack.i.u.bf16.f32 v9;
	v8 =	vadd.bf16 v18, v8;
	v12 =	vmul.bf16 v12, v12;
	(xrf2) =	vadd.scan.msk.f32 $0xffff, v6  }
0x4d7: {  	v10 =	vbroadcast v10, $0x0;
	v17 =	vadd.f32 v17, v20;
	v9 =	vunpack.i.l.bf16.f32 v9;
	v18 =	vld [tilespmem:s13+$0xF0]  }
0x4d8: {  	v11 =	vsub.bf16 v11, v13;
	v6 =	vld [tilespmem:s13+$0xFFFFFF00];
	v13 =	vsub.bf16 v15, v16;
	v15 =	vunpack.i.u.bf16.f32 v8  }
0x4d9: {  	v9 =	vadd.f32 v9, v23;
	v8 =	vunpack.i.l.bf16.f32 v8;
	v7 =	vadd.bf16 v12, v7;
	v16 =	vld [tilespmem:s12+$0xFFFFFF10];
	(xrf2) =	vadd.scan.msk.f32 $0xffff, v19  }
0x4da: {  	v11 =	vmul.bf16 v11, v11;
	v12 =	vld [tilespmem:s13+$0xFFFFFF10];
	v13 =	vmul.bf16 v13, v13;
	v14 =	vsub.bf16 v22, v14  }
0x4db: {  	v8 =	vadd.f32 v8, v15;
	v22 =	vunpack.i.u.bf16.f32 v7;
	v7 =	vunpack.i.l.bf16.f32 v7;
	v19 =	vld [tilespmem:s12+$0xFFFFFF40]  }
0x4dc: {  	v20 =	vld [tilespmem:s13+$0xFFFFFF40];
	v11 =	vadd.bf16 v13, v11;
	v13 =	vmul.bf16 v14, v14;
	v14 =	vsub.bf16 v21, v18;
	(xrf2) =	vadd.scan.msk.f32 $0xffff, v17  }
0x4dd: {  	v5 =	vadd.s32 $0x2, v5;
	v3 =	vshrl.u32 v3, $0x3;
	v7 =	vadd.f32 v7, v22;
	v17 =	vld [tilespmem:s12+$0xFFFFFF50];
	v15, _, _ =	vpop (xrf2)  }
0x4de: {  	v18 =	vld [tilespmem:s13+$0xFFFFFF50];
	v11 =	vadd.bf16 v13, v11;
	v14 =	vmul.bf16 v14, v14;
	[tilespmem:v1+s1+$0x0] =	vst.idx.msk vm0, v15;
	v1 =	vbroadcast v5, $0x0  }
0x4df: {  	v4 =	vshll.u32 v4, v0;
	v2 =	vshrl.u32 v2, $0x3;
	v5 =	vsub.bf16 v16, v12;
	v12 =	vld [tilespmem:s12+$0xFFFFFF80];
	(xrf2) =	vadd.scan.msk.f32 $0xffff, v9  }
0x4e0: {  	v4 =	vadd.s32 $0x3, v4;
	v3 =	vshll.u32 v3, v0;
	v9 =	vld [tilespmem:s13+$0xFFFFFF80];
	v11 =	vadd.bf16 v14, v11;
	v13, _, _ =	vpop (xrf2)  }
0x4e1: {  	v4 =	vbroadcast v4, $0x0;
	v5 =	vmul.bf16 v5, v5;
	v14 =	vsub.bf16 v19, v20;
	v15 =	vld [tilespmem:s12+$0xFFFFFF90];
	[tilespmem:v10+s1+$0x0] =	vst.idx.msk vm0, v13  }
0x4e2: {  	v3 =	vadd.s32 $0x4, v3;
	v10 =	vld [tilespmem:s13+$0xFFFFFF90];
	v19 =	vunpack.i.u.bf16.f32 v11;
	v11 =	vunpack.i.l.bf16.f32 v11;
	(xrf2) =	vadd.scan.msk.f32 $0xffff, v8  }
0x4e3: {  	v8 =	vmul.bf16 v14, v14;
	v18 =	vsub.bf16 v17, v18;
	v16 =	vld [tilespmem:s12+$0xFFFFFFC0];
	v11 =	vadd.f32 v11, v19;
	v13, _, _ =	vpop (xrf2)  }
0x4e4: {  	v2 =	vshll.u32 v2, v0;
	v17 =	vld [tilespmem:s13+$0xFFFFFFC0];
	[tilespmem:v1+s1+$0x0] =	vst.idx.msk vm0, v13;
	v1 =	vbroadcast v3, $0x0  }
0x4e5: {  	s6 =	sadd.s32 $0x7, s9;
	v2 =	vadd.s32 $0x5, v2;
	v3 =	vmul.bf16 v18, v18;
	v9 =	vsub.bf16 v12, v9;
	v12 =	vld [tilespmem:s12+$0xFFFFFFD0];
	(xrf2) =	vadd.scan.msk.f32 $0xffff, v11  }
0x4e6: {  	v2 =	vbroadcast v2, $0x0;
	v13 =	vmov s6;
	v11 =	vld [tilespmem:s13+$0xFFFFFFD0];
	v14, _, _ =	vpop (xrf2)  }
0x4e7: {  	s6 =	sadd.s32 $0x6, s8;
	s8 =	smov.u32 s9;
	s9 =	smov.u32 s14;
	v13 =	vshrl.u32 v13, $0x3;
	v9 =	vmul.bf16 v9, v9;
	v10 =	vsub.bf16 v15, v10;
	v15 =	vld [tilespmem:s12+$0x0];
	[tilespmem:v4+s1+$0x0] =	vst.idx.msk vm0, v14  }
0x4e8: {  	v3 =	vadd.bf16 v3, v8;
	v8 =	vshll.u32 v13, v0;
	v13 =	vmov s6;
	v4 =	vld [tilespmem:s13+$0x0];
	(xrf2) =	vadd.scan.msk.f32 $0xffff, v7  }
0x4e9: {  	v8 =	vadd.s32 $0x7, v8;
	v7 =	vmul.bf16 v10, v10;
	v10 =	vsub.bf16 v16, v17;
	v14 =	vld [tilespmem:s12+$0x10];
	v16, _, _ =	vpop (xrf2)  }
0x4ea: {  	v8 =	vbroadcast v8, $0x0;
	v17 =	vld [tilespmem:s13+$0x10];
	[tilespmem:v1+s1+$0x0] =	vst.idx.msk vm0, v16;
	v1 =	vshrl.u32 v13, $0x3  }
0x4eb: {  	v7 =	vadd.bf16 v7, v9;
	v9 =	vmul.bf16 v10, v10;
	v10 =	vsub.bf16 v12, v11;
	v11 =	vld [tilespmem:s12+$0x40]  }
0x4ec: {  	v1 =	vshll.u32 v1, v0;
	v12 =	vld [tilespmem:s13+$0x40];
	v13, _, _ =	vpop (xrf2)  }
0x4ed: {  	v1 =	vadd.s32 $0x6, v1;
	v10 =	vmul.bf16 v10, v10;
	v4 =	vsub.bf16 v15, v4;
	v15 =	vld [tilespmem:s12+$0x50];
	[tilespmem:v2+s1+$0x0] =	vst.idx.msk vm0, v13  }
0x4ee: {  	v1 =	vbroadcast v1, $0x0;
	v2 =	vld [tilespmem:s13+$0x50]  }
0x4ef: {  	v9 =	vadd.bf16 v10, v9;
	v4 =	vmul.bf16 v4, v4;
	v10 =	vsub.bf16 v14, v17;
	v13 =	vld [tilespmem:s12+$0x80];
	v14, _, _ =	vpop (xrf2)  }
0x4f0: {  	v16 =	vld [tilespmem:s13+$0x80];
	[tilespmem:v8+s1+$0x0] =	vst.idx.msk vm0, v14  }
0x4f1: {  	v8 =	vmul.bf16 v10, v10;
	v10 =	vsub.bf16 v11, v12;
	v11 =	vld [tilespmem:s12+$0x90]  }
0x4f2: {  	v12 =	vld [tilespmem:s13+$0x90];
	v14, _, _ =	vpop (xrf2)  }
0x4f3: {  	v17 =	vld [tilespmem:s12+$0xFFFFFF00];
	v4 =	vadd.bf16 v8, v4;
	v8 =	vmul.bf16 v10, v10;
	v2 =	vsub.bf16 v15, v2  }
0x4f4: {  	v10 =	vld [tilespmem:s12+$0xFFFFFF20];
	[tilespmem:v1+s1+$0x0] =	vst.idx.msk vm0, v14  }
0x4f5: {  	v1 =	vld [tilespmem:s13+$0xFFFFFF20];
	v2 =	vmul.bf16 v2, v2;
	v13 =	vsub.bf16 v13, v16  }
0x4f6: {  	v14 =	vld [tilespmem:s12+$0xFFFFFF60]  }
0x4f7: {  	v15 =	vld [tilespmem:s13+$0xFFFFFF60];
	v2 =	vadd.bf16 v2, v8;
	v8 =	vmul.bf16 v13, v13;
	v11 =	vsub.bf16 v11, v12  }
0x4f8: {  	v6 =	vsub.bf16 v17, v6;
	v12 =	vld [tilespmem:s12+$0xFFFFFFA0]  }
0x4f9: {  	v13 =	vld [tilespmem:s13+$0xFFFFFFA0];
	v11 =	vmul.bf16 v11, v11  }
0x4fa: {  	v6 =	vmul.bf16 v6, v6;
	v1 =	vsub.bf16 v10, v1;
	v10 =	vld [tilespmem:s12+$0xFFFFFFE0]  }
0x4fb: {  	v16 =	vld [tilespmem:s13+$0xFFFFFFE0];
	v11 =	vadd.bf16 v11, v8  }
0x4fc: {  	v5 =	vadd.bf16 v5, v6;
	v1 =	vmul.bf16 v1, v1;
	v6 =	vsub.bf16 v14, v15;
	v8 =	vld [tilespmem:s12+$0x20]  }
0x4fd: {  	v14 =	vld [tilespmem:s13+$0x20]  }
0x4fe: {  	v1 =	vadd.bf16 v1, v5;
	v5 =	vmul.bf16 v6, v6;
	v6 =	vsub.bf16 v12, v13;
	v12 =	vld [tilespmem:s12+$0x60]  }
0x4ff: {  	v13 =	vld [tilespmem:s13+$0x60]  }
0x500: {  	v15 =	vadd.bf16 v5, v3;
	v3 =	vmul.bf16 v6, v6;
	v5 =	vsub.bf16 v10, v16;
	v6 =	vld [tilespmem:s12+$0xA0]  }
0x501: {  	v10 =	vld [tilespmem:s13+$0xA0]  }
0x502: {  	v16 =	vld [tilespmem:s12+$0xFFFFFF30];
	v17 =	vadd.bf16 v3, v7;
	v3 =	vmul.bf16 v5, v5;
	v5 =	vsub.bf16 v8, v14  }
0x503: {  	v8 =	vmov s8;
	v7 =	vld [tilespmem:s13+$0xFFFFFF30]  }
0x504: {  	v14 =	vld [tilespmem:s12+$0xFFFFFF70];
	v18 =	vadd.bf16 v3, v9;
	v3 =	vmul.bf16 v5, v5;
	v5 =	vsub.bf16 v12, v13  }
0x505: {  	v12 =	vshrl.u32 v8, $0x3;
	v13 =	vld [tilespmem:s13+$0xFFFFFF70]  }
0x506: {  	s16 =	sadd.s32 $0x2, s8;
	s17 =	sadd.s32 $0x3, s8;
	s6 =	sadd.s32 $0x1, s8;
	v19 =	vld [tilespmem:s12+$0xFFFFFFB0];
	v9 =	vadd.bf16 v3, v4;
	v3 =	vmul.bf16 v5, v5;
	v4 =	vsub.bf16 v6, v10  }
0x507: {  	v20 =	vmov s17;
	v5 =	vmov s6;
	v10 =	vmov s16;
	v6 =	vld [tilespmem:s13+$0xFFFFFFB0]  }
0x508: {  	s6 =	sadd.s32 $0x4, s8;
	s16 =	sadd.s32 $0x5, s8;
	v7 =	vsub.bf16 v16, v7;
	v16 =	vld [tilespmem:s12+$0xFFFFFFF0];
	v8 =	vadd.bf16 v3, v2;
	v4 =	vmul.bf16 v4, v4  }
0x509: {  	v12 =	vshll.u32 v12, v0;
	v3 =	vmov s6;
	v2 =	vmov s16;
	v21 =	vld [tilespmem:s13+$0xFFFFFFF0]  }
0x50a: {  	v22 =	vmul.bf16 v7, v7;
	v13 =	vsub.bf16 v14, v13;
	v23 =	vld [tilespmem:s12+$0x30];
	v7 =	vadd.bf16 v4, v11  }
0x50b: {  	v5 =	vshrl.u32 v5, $0x3;
	v10 =	vshrl.u32 v10, $0x3;
	v4 =	vshrl.u32 v20, $0x3;
	v20 =	vld [tilespmem:s13+$0x30]  }
0x50c: {  	v11 =	vadd.bf16 v22, v1;
	v13 =	vmul.bf16 v13, v13;
	v6 =	vsub.bf16 v19, v6;
	v19 =	vld [tilespmem:s12+$0x70]  }
0x50d: {  	v14 =	vshll.u32 v5, v0;
	v5 =	vshll.u32 v10, v0;
	v1 =	vbroadcast v12, $0x0;
	v22 =	vld [tilespmem:s13+$0x70]  }
0x50e: {  	v15 =	vadd.bf16 v13, v15;
	v6 =	vmul.bf16 v6, v6;
	v13 =	vsub.bf16 v16, v21;
	v12 =	vld [tilespmem:s12+$0xB0]  }
.Ltmp6:
0x50f: {  	v10 =	vadd.s32 $0x1, v14;
	v16 =	vunpack.i.u.bf16.f32 v11;
	v21 =	vunpack.i.l.bf16.f32 v11;
	s12 =	sadd.s32 $0x200, s12;
	v14 =	vld [tilespmem:s13+$0xB0];
	(pc) =	sbr.rel @p0 .LBB2_13-.Ltmp6, $4  }
0x510: {  	s13 =	sadd.s32 $0x200, s13;
	v11 =	vld [tilespmem:s12+$0xC0];
	v24 =	vadd.bf16 v6, v17;
	v6 =	vmul.bf16 v13, v13;
	v20 =	vsub.bf16 v23, v20  }
0x511: {  	v23 =	vadd.f32 v21, v16;
	v21 =	vunpack.i.u.bf16.f32 v15;
	v25 =	vunpack.i.l.bf16.f32 v15;
	v13 =	vld [tilespmem:s13+$0xC0]  }
0x512: {  	v15 =	vld [tilespmem:s12+$0xD0];
	v17 =	vadd.bf16 v6, v18;
	v18 =	vmul.bf16 v20, v20;
	v19 =	vsub.bf16 v19, v22  }
0x513: {  	s14 =	sadd.s32 $0x8, s14;
	v6 =	vadd.f32 v25, v21;
	v20 =	vunpack.i.u.bf16.f32 v24;
	v21 =	vunpack.i.l.bf16.f32 v24;
	v16 =	vld [tilespmem:s13+$0xD0];
	(xrf2) =	vadd.scan.msk.f32 $0xffff, v23  }
0x514: {  	v22 =	vld [tilespmem:s12+$0xE0]  }
0x515: {  	v23 =	vld [tilespmem:s13+$0xE0]  }
0x516: {  	v24 =	vld [tilespmem:s12+$0xF0]  }
0x517: {  	v25 =	vld [tilespmem:s13+$0xF0]  }
0x518: {  	v26 =	vld [tilespmem:s13+$0xFFFFFF00]  }
0x519: {  	v27 =	vld [tilespmem:s12+$0xFFFFFF10]  }
0x51a: {  	v28 =	vld [tilespmem:s13+$0xFFFFFF10]  }
0x51b: {  	v29 =	vld [tilespmem:s12+$0xFFFFFF40]  }
0x51c: {  	v30 =	vld [tilespmem:s13+$0xFFFFFF40]  }
0x51d: {  	v31 =	vld [tilespmem:s12+$0xFFFFFF50]  }
0x51e: {  	v32 =	vld [tilespmem:s13+$0xFFFFFF50]  }
0x51f: {  	v33 =	vld [tilespmem:s12+$0xFFFFFF80]  }
0x520: {  	v34 =	vld [tilespmem:s13+$0xFFFFFF80]  }
0x521: {  	v35 =	vld [tilespmem:s12+$0xFFFFFF90]  }
0x522: {  	v36 =	vld [tilespmem:s13+$0xFFFFFF90]  }
0x523: {  	v37 =	vld [tilespmem:s12+$0xFFFFFFC0]  }
0x524: {  	v42 =	vmul.bf16 v19, v19;
	v19 =	vld [tilespmem:s13+$0xFFFFFFC0]  }
0x525: {  	v45 =	vld [tilespmem:s12+$0xFFFFFFD0]  }
0x526: {  	v46 =	vld [tilespmem:s13+$0xFFFFFFD0]  }
0x527: {  	v49 =	vld [tilespmem:s13+$0x0]  }
0x528: {  	v9 =	vadd.bf16 v18, v9;
	v14 =	vsub.bf16 v12, v14;
	v51 =	vld [tilespmem:s12+$0x10]  }
0x529: {  	v12 =	vadd.f32 v21, v20;
	v43 =	vunpack.i.u.bf16.f32 v17;
	v44 =	vunpack.i.l.bf16.f32 v17;
	v54 =	vld [tilespmem:s13+$0x10]  }
0x52a: {  	v57 =	vld [tilespmem:s12+$0x40];
	v10 =	vbroadcast v10, $0x0;
	v5 =	vadd.s32 $0x2, v5;
	v3 =	vshrl.u32 v3, $0x3  }
0x52b: {  	v59 =	vld [tilespmem:s13+$0x40];
	v4 =	vshll.u32 v4, v0;
	v11 =	vsub.bf16 v11, v13;
	v38 =	vunpack.i.u.bf16.f32 v9  }
0x52c: {  	v60 =	vld [tilespmem:s12+$0x50];
	v18 =	vadd.bf16 v42, v8;
	v47 =	vmul.bf16 v14, v14;
	v9 =	vunpack.i.l.bf16.f32 v9  }
0x52d: {  	v62 =	vld [tilespmem:s13+$0x50];
	v5 =	vbroadcast v5, $0x0;
	v13 =	vadd.f32 v44, v43;
	v8 =	vadd.f32 v9, v38  }
0x52e: {  	v39 =	vld [tilespmem:s12+$0x80];
	v15 =	vsub.bf16 v15, v16;
	v50 =	vunpack.i.u.bf16.f32 v18;
	v7 =	vadd.bf16 v47, v7  }
0x52f: {  	v14 =	vld [tilespmem:s12+$0x0];
	v55 =	vunpack.i.l.bf16.f32 v18;
	v48 =	vsub.bf16 v22, v23;
	v53 =	vsub.bf16 v24, v25  }
0x530: {  	v4 =	vadd.s32 $0x3, v4;
	v42 =	vld [tilespmem:s13+$0x80];
	v9 =	vadd.f32 v55, v50;
	v61 =	vsub.bf16 v27, v28  }
0x531: {  	v3 =	vshll.u32 v3, v0;
	v44 =	vld [tilespmem:s12+$0x90];
	v63 =	vsub.bf16 v29, v30;
	v38 =	vsub.bf16 v31, v32  }
0x532: {  	v4 =	vbroadcast v4, $0x0;
	v47 =	vld [tilespmem:s12+$0xFFFFFF20];
	v40 =	vsub.bf16 v33, v34;
	v41 =	vsub.bf16 v35, v36  }
0x533: {  	v11 =	vmul.bf16 v11, v11;
	v19 =	vsub.bf16 v37, v19;
	v16 =	vsub.bf16 v45, v46;
	v45 =	vld [tilespmem:s13+$0x90]  }
0x534: {  	v46 =	vld [tilespmem:s12+$0xFFFFFF00];
	v17 =	vsub.bf16 v57, v59;
	v15 =	vmul.bf16 v15, v15;
	v56 =	vunpack.i.u.bf16.f32 v7  }
0x535: {  	v55 =	vld [tilespmem:s12+$0xFFFFFFE0];
	v7 =	vunpack.i.l.bf16.f32 v7;
	v52 =	vmul.bf16 v48, v48;
	v58 =	vmul.bf16 v53, v53  }
0x536: {  	v57 =	vld [tilespmem:s13+$0xFFFFFFE0];
	v7 =	vadd.f32 v7, v56;
	v27 =	vmul.bf16 v63, v63;
	v28 =	vmul.bf16 v38, v38  }
0x537: {  	v30 =	vmul.bf16 v40, v40;
	v31 =	vmul.bf16 v41, v41;
	v14 =	vsub.bf16 v14, v49;
	v49 =	vld [tilespmem:s13+$0xFFFFFF20]  }
0x538: {  	v19 =	vmul.bf16 v19, v19;
	v16 =	vmul.bf16 v16, v16;
	v48 =	vsub.bf16 v51, v54;
	v53 =	vld [tilespmem:s12+$0xFFFFFFA0]  }
0x539: {  	s6 =	sadd.s32 $0x7, s9;
	v54 =	vld [tilespmem:s13+$0xFFFFFFA0];
	v17 =	vmul.bf16 v17, v17;
	v29 =	vsub.bf16 v39, v42;
	v56 =	vshrl.u32 v2, $0x3  }
0x53a: {  	v22 =	vmul.bf16 v61, v61;
	v61 =	vld [tilespmem:s12+$0x60];
	v38 =	vmov s6;
	v11 =	vadd.bf16 v15, v11  }
0x53b: {  	v63 =	vld [tilespmem:s13+$0x60];
	v15 =	vsub.bf16 v60, v62;
	v62 =	vshll.u32 v56, v0;
	v27 =	vadd.bf16 v28, v27  }
0x53c: {  	v39 =	vld [tilespmem:s12+$0xFFFFFF30];
	v50 =	vadd.bf16 v31, v30;
	v16 =	vadd.bf16 v16, v19;
	v14 =	vmul.bf16 v14, v14  }
0x53d: {  	s28 =	sadd.s32 $0x3, s9;
	v40 =	vld [tilespmem:s13+$0xFFFFFF30];
	v20 =	vmul.bf16 v48, v48;
	v29 =	vmul.bf16 v29, v29;
	v28 =	vadd.s32 $0x5, v62  }
0x53e: {  	v41 =	vld [tilespmem:s12+$0xFFFFFF70];
	v31 =	vmov s28;
	v11 =	vadd.bf16 v52, v11;
	v15 =	vmul.bf16 v15, v15  }
0x53f: {  	v42 =	vld [tilespmem:s13+$0xFFFFFF70];
	v2 =	vsub.bf16 v46, v26;
	v26 =	vsub.bf16 v55, v57;
	v55 =	vmov s9  }
0x540: {  	v36 =	vld [tilespmem:s12+$0xA0];
	v21 =	vsub.bf16 v44, v45;
	v14 =	vadd.bf16 v20, v14;
	v25 =	vshrl.u32 v55, $0x3  }
0x541: {  	(xrf2) =	vadd.scan.msk.f32 $0xffff, v6;
	v37 =	vld [tilespmem:s13+$0xA0];
	v11 =	vadd.bf16 v58, v11;
	v15 =	vadd.bf16 v15, v17;
	v59 =	vmul.bf16 v2, v2  }
0x542: {  	(xrf2) =	vadd.scan.msk.f32 $0xffff, v12;
	v32 =	vld [tilespmem:s13+$0xB0];
	v2 =	vadd.s32 $0x4, v3;
	v3 =	vsub.bf16 v47, v49;
	v21 =	vmul.bf16 v21, v21  }
0x543: {  	(xrf2) =	vadd.scan.msk.f32 $0xffff, v13;
	v51 =	vld [tilespmem:s12+$0xFFFFFF60];
	v18 =	vsub.bf16 v53, v54;
	v26 =	vmul.bf16 v26, v26;
	v23 =	vsub.bf16 v61, v63  }
0x544: {  	s17 =	sadd.s32 $0x2, s9;
	v30 =	vld [tilespmem:s12+$0xB0];
	v49 =	vsub.bf16 v39, v40;
	v53 =	vsub.bf16 v41, v42;
	v25 =	vshll.u32 v25, v0  }
0x545: {  	v52 =	vld [tilespmem:s13+$0xFFFFFF60];
	v63 =	vmov s17;
	v2 =	vbroadcast v2, $0x0;
	v39 =	vbroadcast v25, $0x0  }
0x546: {  	v44 =	vld [tilespmem:s12+$0xFFFFFFB0];
	v43 =	vunpack.i.u.bf16.f32 v11;
	v11 =	vunpack.i.l.bf16.f32 v11;
	v22 =	vadd.bf16 v22, v59  }
0x547: {  	v45 =	vld [tilespmem:s13+$0xFFFFFFB0];
	v3 =	vmul.bf16 v3, v3;
	v21 =	vadd.bf16 v21, v29;
	v18 =	vmul.bf16 v18, v18  }
0x548: {  	v29 =	vshrl.u32 v38, $0x3;
	v16 =	vadd.bf16 v26, v16;
	v23 =	vmul.bf16 v23, v23  }
0x549: {  	s14 =	sadd.s32 $0x6, s8;
	v60 =	vld [tilespmem:s13+$0x20];
	v62, _, _ =	vpop (xrf2);
	v57 =	vmul.bf16 v53, v53;
	v38 =	vshrl.u32 v31, $0x3;
	v40 =	vsub.bf16 v30, v32  }
0x54a: {  	v56 =	vld [tilespmem:s13+$0x30];
	[tilespmem:v1+s1+$0x0] =	vst.idx.msk vm0, v62;
	v11 =	vadd.f32 v11, v43;
	v19 =	vsub.bf16 v51, v52;
	v43 =	vmov s14  }
0x54b: {  	(xrf2) =	vadd.scan.msk.f32 $0xffff, v8;
	v58 =	vld [tilespmem:s12+$0x20];
	v1, _, _ =	vpop (xrf2);
	v29 =	vshll.u32 v29, v0;
	v51 =	vsub.bf16 v36, v37;
	v52 =	vmul.bf16 v49, v49  }
0x54c: {  	v54 =	vld [tilespmem:s12+$0x30];
	[tilespmem:v10+s1+$0x0] =	vst.idx.msk vm0, v1;
	v1, _, _ =	vpop (xrf2);
	v26 =	vsub.bf16 v44, v45;
	v37 =	vshrl.u32 v63, $0x3;
	v49 =	vshll.u32 v38, v0  }
0x54d: {  	[tilespmem:v5+s1+$0x0] =	vst.idx.msk vm0, v1;
	v1, _, _ =	vpop (xrf2);
	s14 =	sadd.s32 $0x5, s9;
	v22 =	vadd.bf16 v3, v22;
	v3 =	vbroadcast v28, $0x0;
	v18 =	vadd.bf16 v18, v50  }
0x54e: {  	[tilespmem:v4+s1+$0x0] =	vst.idx.msk vm0, v1;
	v46 =	vadd.s32 $0x7, v29;
	v15 =	vadd.bf16 v23, v15;
	v36 =	vmov s14  }
0x54f: {  	v47 =	vld [tilespmem:s12+$0xFFFFFFF0];
	(xrf2) =	vadd.scan.msk.f32 $0xffff, v9;
	v9 =	vmul.bf16 v40, v40;
	v4 =	vshll.u32 v37, v0;
	v19 =	vmul.bf16 v19, v19  }
0x550: {  	s16 =	sadd.s32 $0x1, s9;
	v59 =	vld [tilespmem:s13+$0x70];
	v17 =	vsub.bf16 v58, v60;
	v6 =	vbroadcast v46, $0x0;
	v13 =	vmul.bf16 v51, v51  }
0x551: {  	v50 =	vld [tilespmem:s13+$0xFFFFFFF0];
	s13 =	sadd.s32 $0x4, s9;
	v26 =	vmul.bf16 v26, v26;
	v60 =	vmov s16;
	v24 =	vsub.bf16 v54, v56  }
0x552: {  	v35 =	vmov s13;
	v20 =	vadd.bf16 v52, v22;
	v1 =	vshrl.u32 v60, $0x3  }
0x553: {  	v58 =	vld [tilespmem:s12+$0x70];
	v19 =	vadd.bf16 v19, v27;
	v17 =	vmul.bf16 v17, v17;
	v27 =	vshrl.u32 v43, $0x3  }
0x554: {  	v13 =	vadd.bf16 v13, v21;
	v18 =	vadd.bf16 v26, v18;
	v24 =	vmul.bf16 v24, v24  }
0x555: {  	v27 =	vshll.u32 v27, v0;
	v61 =	vunpack.i.u.bf16.f32 v20;
	v20 =	vunpack.i.l.bf16.f32 v20  }
0x556: {  	v14 =	vadd.bf16 v17, v14;
	v48 =	vadd.s32 $0x6, v27;
	v17 =	vsub.bf16 v47, v50  }
0x557: {  	v19 =	vadd.bf16 v57, v19;
	v20 =	vadd.f32 v20, v61;
	v41 =	vunpack.i.u.bf16.f32 v18  }
0x558: {  	v42 =	vunpack.i.l.bf16.f32 v18;
	v33 =	vsub.bf16 v58, v59;
	v17 =	vmul.bf16 v17, v17  }
0x559: {  	v9 =	vadd.bf16 v9, v13;
	v43 =	vadd.f32 v42, v41;
	v34 =	vunpack.i.u.bf16.f32 v19  }
0x55a: {  	(xrf2) =	vadd.scan.msk.f32 $0xffff, v11;
	v19 =	vunpack.i.l.bf16.f32 v19;
	v10 =	vmul.bf16 v33, v33;
	v16 =	vadd.bf16 v17, v16  }
0x55b: {  	(xrf2) =	vadd.scan.msk.f32 $0xffff, v7;
	v12 =	vbroadcast v48, $0x0;
	v14 =	vadd.bf16 v24, v14;
	v19 =	vadd.f32 v19, v34  }
0x55c: {  	(xrf2) =	vadd.scan.msk.f32 $0xffff, v20;
	v10 =	vadd.bf16 v10, v15;
	v44 =	vunpack.i.u.bf16.f32 v16;
	v16 =	vunpack.i.l.bf16.f32 v16  }
0x55d: {  	v45 =	vunpack.i.u.bf16.f32 v14;
	v14 =	vunpack.i.l.bf16.f32 v14;
	(xrf2) =	vadd.scan.msk.f32 $0xffff, v19;
	v11 =	vadd.f32 v16, v44  }
0x55e: {  	v14 =	vadd.f32 v14, v45;
	(xrf2) =	vadd.scan.msk.f32 $0xffff, v43;
	v46 =	vunpack.i.u.bf16.f32 v10;
	v10 =	vunpack.i.l.bf16.f32 v10  }
0x55f: {  	v48 =	vunpack.i.u.bf16.f32 v9;
	v9 =	vunpack.i.l.bf16.f32 v9;
	v47 =	vadd.f32 v10, v46;
	(xrf2) =	vadd.scan.msk.f32 $0xffff, v11  }
0x560: {  	v4 =	vadd.s32 $0x2, v4;
	v1 =	vshll.u32 v1, v0;
	v9 =	vadd.f32 v9, v48;
	(xrf2) =	vadd.scan.msk.f32 $0xffff, v14  }
0x561: {  	v51 =	vshrl.u32 v36, $0x3;
	s16 =	sadd.s32 $0x6, s9;
	v5 =	vshrl.u32 v35, $0x3;
	v1 =	vadd.s32 $0x1, v1;
	(xrf2) =	vadd.scan.msk.f32 $0xffff, v47  }
0x562: {  	v4 =	vbroadcast v4, $0x0;
	v54 =	vmov s16;
	v1 =	vbroadcast v1, $0x0;
	v50, _, _ =	vpop (xrf2);
	(xrf2) =	vadd.scan.msk.f32 $0xffff, v9  }
0x563: {  	v7 =	vshrl.u32 v54, $0x3;
	v52, _, _ =	vpop (xrf2);
	[tilespmem:v2+s1+$0x0] =	vst.idx.msk vm0, v50;
	v2 =	vshll.u32 v5, v0;
	v10 =	vadd.s32 $0x3, v49  }
0x564: {  	[tilespmem:v3+s1+$0x0] =	vst.idx.msk vm0, v52;
	v2 =	vadd.s32 $0x4, v2;
	v3 =	vshll.u32 v51, v0;
	v55, _, _ =	vpop (xrf2);
	v53 =	vbroadcast v10, $0x0  }
0x565: {  	v57 =	vshll.u32 v7, v0;
	v2 =	vbroadcast v2, $0x0;
	v3 =	vadd.s32 $0x5, v3;
	v56, _, _ =	vpop (xrf2);
	[tilespmem:v6+s1+$0x0] =	vst.idx.msk vm0, v55  }
0x566: {  	v3 =	vbroadcast v3, $0x0;
	v6 =	vadd.s32 $0x6, v57;
	[tilespmem:v12+s1+$0x0] =	vst.idx.msk vm0, v56;
	v58, _, _ =	vpop (xrf2)  }
0x567: {  	v6 =	vbroadcast v6, $0x0;
	[tilespmem:v39+s1+$0x0] =	vst.idx.msk vm0, v58;
	v59, _, _ =	vpop (xrf2)  }
0x568: {  	v60, _, _ =	vpop (xrf2);
	[tilespmem:v1+s1+$0x0] =	vst.idx.msk vm0, v59  }
0x569: {  	[tilespmem:v4+s1+$0x0] =	vst.idx.msk vm0, v60;
	v1, _, _ =	vpop (xrf2)  }
0x56a: {  	[tilespmem:v53+s1+$0x0] =	vst.idx.msk vm0, v1;
	v1, _, _ =	vpop (xrf2)  }
0x56b: {  	[tilespmem:v2+s1+$0x0] =	vst.idx.msk vm0, v1;
	v1, _, _ =	vpop (xrf2)  }
0x56c: {  	[tilespmem:v3+s1+$0x0] =	vst.idx.msk vm0, v1;
	v1, _, _ =	vpop (xrf2)  }
0x56d: {  	[tilespmem:v6+s1+$0x0] =	vst.idx.msk vm0, v1  }
0x56e: {  	v1 =	vld [tilespmem:$0xC670];
	_ =	sdelay $0x4  }
0x56f: {  	v1 =	vadd.f32 $-1.000000000e+00, v1;
	_ =	sdelay $0x1  }
0x570: {  	v1 =	vmul.f32 $1.442695020e+00, v1;
	_ =	sdelay $0x1  }
0x571: {  	(erf) = vpow2.f32 v1;
	_ =	sdelay $0x3  }
0x572: {  	v1 =	vld [tilespmem:$0xC680];
	_ =	sdelay $0x4  }
0x573: {  	v1 =	vadd.f32 $-1.000000000e+00, v1;
	v2 =	vpop (erf)  }
0x574: {  	v2 =	vadd.f32 $1.000000000e+00, v2  }
0x575: {  	v1 =	vmul.f32 $1.442695020e+00, v1  }
0x576: {  	(erf) = vrcp.f32 v2  }
0x577: {  	(erf) = vpow2.f32 v1;
	_ =	sdelay $0x3  }
0x578: {  	v1 =	vld [tilespmem:$0xC690];
	_ =	sdelay $0x3  }
0x579: {  	v2 =	vpop (erf)  }
0x57a: {  	v1 =	vadd.f32 $-1.000000000e+00, v1;
	v3 =	vpop (erf)  }
0x57b: {  	v3 =	vadd.f32 $1.000000000e+00, v3  }
0x57c: {  	v1 =	vmul.f32 $1.442695020e+00, v1  }
0x57d: {  	(erf) = vrcp.f32 v3  }
0x57e: {  	(erf) = vpow2.f32 v1;
	_ =	sdelay $0x3  }
0x57f: {  	v1 =	vld [tilespmem:$0xC6A0];
	_ =	sdelay $0x3  }
0x580: {  	v3 =	vpop (erf)  }
0x581: {  	v1 =	vadd.f32 $-1.000000000e+00, v1;
	v61 =	vpop (erf)  }
0x582: {  	v4 =	vadd.f32 $1.000000000e+00, v61  }
0x583: {  	v1 =	vmul.f32 $1.442695020e+00, v1  }
0x584: {  	(erf) = vrcp.f32 v4  }
0x585: {  	(erf) = vpow2.f32 v1;
	_ =	sdelay $0x3  }
0x586: {  	v1 =	vld [tilespmem:$0xC6B0];
	_ =	sdelay $0x3  }
0x587: {  	v4 =	vpop (erf)  }
0x588: {  	v1 =	vadd.f32 $-1.000000000e+00, v1;
	v62 =	vpop (erf)  }
0x589: {  	v5 =	vadd.f32 $1.000000000e+00, v62  }
0x58a: {  	v1 =	vmul.f32 $1.442695020e+00, v1  }
0x58b: {  	(erf) = vrcp.f32 v5  }
0x58c: {  	(erf) = vpow2.f32 v1;
	_ =	sdelay $0x7  }
0x58d: {  	v1 =	vpop (erf)  }
0x58e: {  	v63 =	vpop (erf)  }
0x58f: {  	v5 =	vadd.f32 $1.000000000e+00, v63;
	_ =	sdelay $0x1  }
0x590: {  	(erf) = vrcp.f32 v5;
	_ =	sdelay $0x5  }
0x591: {  	[tilespmem:$0xC670] =	vst v2  }
0x592: {  	[tilespmem:$0xC680] =	vst v3  }
0x593: {  	[tilespmem:$0xC690] =	vst v4  }
0x594: {  	[tilespmem:$0xC6A0] =	vst v1;
	v1 =	vpop (erf)  }
0x595: {  	s17 =	rddreg [dreg:$0x9];
	[tilespmem:$0xC6B0] =	vst v1  }
0x596: {  	[hbm4b:s17+s4] =	stream.linear.scatter [tilespmem:s1], [sflag:$0x6], $0x50, $0x38;
	[tilespmem:$0x16350] =	vst v63  }
0x597: {  	_ =	swait.ge [sflag:s18], $0x50  }
0x598: {  	[sflag:s18] =	ssyncset.done $0x0  }
0x599: {  	[sflag:s18] =	ssyncadd.s32 $0xFFFFFFB0  }
0x59a: {  	_ =	swait.ge [sflag:s15], $0x50  }
0x59b: {  	[sflag:s15] =	ssyncset.done $0x0  }
0x59c: {  	s18 =	simm.s32 $0x7;
	[sflag:s15] =	ssyncadd.s32 $0xFFFFFFB0  }
0x59d: {  	_ =	swait.ge [sflag:s18], $0x50  }
0x59e: {  	s7 =	sadd.s32 $0x1, s7;
	s28 =	rddreg [dreg:$0xa]  }
0x59f: {  	p0 =	sne.s32 s7, s28  }
.Ltmp7:
0x5a0: {  	_ = 	snop;
	(pc) =	sbr.rel @p0 .LBB2_1-.Ltmp7, $3  }
0x5a1: {  	_ =	sdelay $0x1  }
0x5a2: {  	[sflag:s18] =	ssyncset.done $0x0  }
0x5a3: {  	[sflag:s18] =	ssyncadd.s32 $0xFFFFFFB0  }
0x5a4: {  	_ =	sfence.sel $0x180000  }
0x5a5: {  	[bflag:$0x0] =	sbarrier.arrive $0xFFFF  }
0x5a6: {  	_ =	strace $0x90000047  }
0x5a7: {  	s0 =	stileid.u32;
	[bflag:$0x2] =	sbarrier.arrive $0xFFFF  }
0x5a8: {  	p0 =	sne.s32 s0, $0x0;
	s0 =	rddreg [dreg:$0x3]  }
0x5a9: {  	s0 =	sadd.s32 @!p0 $0x100000, s0  }
0x5aa: {  	[sflag:s0] =	ssyncadd.tile.s32 @!p0 $0x1;
	_ =	shalt  }
.Lfunc_end2:
_tile_overlayer_lowered:
.L_overlay_start_2:
0x5ab: {  	(tag) =	ssettag $0x2  }
0x5ac: {  	s0 =	rddreg [dreg:$0x0];
	s2 =	stileid.u32  }
0x5ad: {  	s1 =	rddreg [dreg:$0x1];
	p0 =	sne.s32 s2, $0x0  }
0x5ae: {  	s3 =	rddreg [dreg:$0x2];
	[bflag:$0x3] =	sbarrier.arrive $0xFFFF;
	s2 =	simm.s32 @!p0 $0x1C08  }
0x5af: {  	[timem:s3], [sflag:s2] =	dma.local @!p0 [hbm:s0], s1  }
0x5b0: {  	s0 =	simm.s32 @!p0 $0x8  }
0x5b1: {  	_ =	swait.ge @!p0 [sflag:s0], s1  }
0x5b2: {  	s1 =	ssub.s32 @!p0 $0x0, s1;
	[sflag:s0] =	ssyncset.done @!p0 $0x0  }
0x5b3: {  	[sflag:s0] =	ssyncadd.s32 @!p0 s1  }
0x5b4: {  	[bflag:$0x3] =	sbarrier.arrive $0xFFFF  }
0x5b5: {  	_ =	shalt  }

</sc_bundles>
